<compile_context>
chip_gen: v7x
topology: tpu7x:2x2x1
jax: 0.10.2.dev20260603
libtpu: 0.0.44.dev20260713+nightly
codegen_flags: <defaults>
</compile_context>

<pallas_src>
import jax
import jax.numpy as jnp
from jax import lax
from jax.experimental import pallas as pl
from jax.experimental.pallas import tpu as pltpu
from jax.experimental.pallas import tpu_sc as plsc

B, D, H, W, M = 32, 4, 128, 128, 128
HW = H * W
L = 16
NS = 16
BPT = B // NS


def _tile_body(flat_hbm, pack_hbm, tgt_hbm, out_hbm,
               pack_v, pred_v, part_v, tgt_v,
               sem_pack, sem_tgt, *gsems):
    s = lax.axis_index("s")

    cp_pack = pltpu.async_copy(pack_hbm.at[pl.ds(s * BPT, BPT)], pack_v,
                               sem_pack)
    cp_tgt = pltpu.async_copy(tgt_hbm.at[pl.ds(s * BPT, BPT)], tgt_v,
                              sem_tgt)
    cp_pack.wait()

    copies = [
        pltpu.async_copy(flat_hbm.at[pack_v.at[bi, d]], pred_v.at[bi, d],
                         gsems[bi * D + d])
        for bi in range(BPT)
        for d in range(D)
    ]

    macc = jnp.zeros((L,), jnp.float32)
    mvs = []
    for bi in range(BPT):
        for ch in range(M // L):
            mv = pack_v[bi, D, pl.ds(ch * L, L)].astype(jnp.float32)
            mvs.append(mv)
            macc = macc + mv

    cp_tgt.wait()

    acc = jnp.zeros((L,), jnp.float32)
    for bi in range(BPT):
        for d in range(D):
            copies[bi * D + d].wait()
            for ch in range(M // L):
                mv = mvs[bi * (M // L) + ch]
                p = pred_v[bi, d, pl.ds(ch * L, L)]
                t = tgt_v[bi, d, pl.ds(ch * L, L)]
                diff = (p - t) * mv
                a = jnp.abs(diff)
                acc = acc + jnp.where(a < 1.0, 0.5 * diff * diff, a - 0.5)

    part_v[0, pl.ds(0, L)] = acc
    part_v[1, pl.ds(0, L)] = macc
    pltpu.sync_copy(part_v, out_hbm.at[s])


@jax.jit
def kernel(output, mask, ind, target):
    flat = output.reshape(B * D * HW)
    offs = (jnp.arange(B, dtype=jnp.int32) * (D * HW))[:, None, None] + \
           (jnp.arange(D, dtype=jnp.int32) * HW)[None, :, None]
    idxs = ind.astype(jnp.int32)[:, None, :] + offs
    pack = jnp.concatenate(
        [idxs, mask.astype(jnp.int32)[:, None, :]], axis=1)
    tgt_t = jnp.transpose(target, (0, 2, 1))
    mesh = plsc.VectorSubcoreMesh(core_axis_name="c", subcore_axis_name="s",
                                  num_cores=1)
    parts = pl.kernel(
        _tile_body,
        out_type=jax.ShapeDtypeStruct((NS, 2, L), jnp.float32),
        mesh=mesh,
        scratch_types=[
            pltpu.VMEM((BPT, D + 1, M), jnp.int32),
            pltpu.VMEM((BPT, D, M), jnp.float32),
            pltpu.VMEM((2, L), jnp.float32),
            pltpu.VMEM((BPT, D, M), jnp.float32),
        ] + [pltpu.SemaphoreType.DMA] * (2 + BPT * D),
    )(flat, pack, tgt_t)
    total = parts[:, 0, :].sum()
    num = parts[:, 1, :].sum()
    return total / (num + 0.0001)

# --- scband reference (transcript-rebuilt; emitter-appended) ---
"""Pipeline reference for scband-reg-loss-10557029613686 (READ-ONLY COPY).

The authoritative reference and input builder live on the scoring server;
editing this copy changes nothing except your own understanding.
"""

import jax, jax.numpy as jnp
import numpy as np


def setup_inputs(seed: int = 0) -> dict:
    key = jax.random.key(seed)
    k1, k2, k3, k4 = jax.random.split(key, 4)
    B, D, H, W, M = 32, 4, 128, 128, 128
    output = jax.random.normal(k1, (B, D, H, W), dtype=jnp.float32)
    mask = jax.random.randint(k2, (B, M), 0, 2)
    ind = jax.random.randint(k3, (B, M), 0, H * W)
    target = jax.random.normal(k4, (B, M, D), dtype=jnp.float32)
    return {"output": output, "mask": mask, "ind": ind, "target": target}


def reference(output, mask, ind, target):
    B, D, H, W = output.shape
    # _transpose_and_gather_feat: permute(0,2,3,1) -> view(B, H*W, D) -> gather along dim 1
    feat = jnp.transpose(output, (0, 2, 3, 1)).reshape(B, H * W, D)
    pred = jnp.take_along_axis(feat, ind[:, :, None], axis=1)  # (B, M, D)
    # _reg_loss: masked smooth-L1 (torch default beta=1.0), reduction='sum', normalized by num objects
    num = mask.astype(jnp.float32).sum()
    m = mask[:, :, None].astype(jnp.float32)
    p = pred * m
    t = target * m
    diff = p - t
    abs_d = jnp.abs(diff)
    elem = jnp.where(abs_d < 1.0, 0.5 * diff * diff, abs_d - 0.5)
    regr_loss = elem.sum()
    return regr_loss / (num + 0.0001)

if __name__ == "__main__":
    import jax
    _d = setup_inputs()
    print(jax.jit(kernel)(*tuple(_d.values())))

</pallas_src>

<mosaic_0001>
#map = affine_map<(d0, d1) -> (0)>
#map1 = affine_map<(d0, d1) -> (0, 0, 0)>
module attributes {stable_mosaic.version = 14 : i64} {
  func.func @_tile_body(%arg0: i32, %arg1: i32, %arg2: memref<2097152xf32, #tpu.memory_space<hbm>>, %arg3: memref<32x5x128xi32, #tpu.memory_space<hbm>>, %arg4: memref<32x4x128xf32, #tpu.memory_space<hbm>>, %arg5: memref<16x2x16xf32, #tpu.memory_space<hbm>>, %arg6: memref<2x5x128xi32, #tpu.memory_space<vmem>>, %arg7: memref<2x4x128xf32, #tpu.memory_space<vmem>>, %arg8: memref<2x16xf32, #tpu.memory_space<vmem>>, %arg9: memref<2x4x128xf32, #tpu.memory_space<vmem>>, %arg10: memref<!tpu.dma_semaphore, #tpu.memory_space<semaphore_mem>>, %arg11: memref<!tpu.dma_semaphore, #tpu.memory_space<semaphore_mem>>, %arg12: memref<!tpu.dma_semaphore, #tpu.memory_space<semaphore_mem>>, %arg13: memref<!tpu.dma_semaphore, #tpu.memory_space<semaphore_mem>>, %arg14: memref<!tpu.dma_semaphore, #tpu.memory_space<semaphore_mem>>, %arg15: memref<!tpu.dma_semaphore, #tpu.memory_space<semaphore_mem>>, %arg16: memref<!tpu.dma_semaphore, #tpu.memory_space<semaphore_mem>>, %arg17: memref<!tpu.dma_semaphore, #tpu.memory_space<semaphore_mem>>, %arg18: memref<!tpu.dma_semaphore, #tpu.memory_space<semaphore_mem>>, %arg19: memref<!tpu.dma_semaphore, #tpu.memory_space<semaphore_mem>>) attributes {dimension_semantics = [#tpu.dimension_semantics<core_parallel>, #tpu.dimension_semantics<subcore_parallel>], iteration_bounds = array<i64: 1, 16>, scalar_prefetch = 0 : i64, scratch_operands = 14 : i64, tpu.core_type = #tpu.core_type<sc_vector_subcore>, window_params = [{transform_indices = #map}, {transform_indices = #map1}, {transform_indices = #map1}, {transform_indices = #map1}]} {
    %mul3A = arith.constant 2 : i32
    %mul3A_0 = arith.muli %arg1, %mul3A : i32
    %dma_start3A = arith.constant 0 : i32
    %dma_start3A_1 = arith.constant 0 : i32
    %dma_start3A_2 = tpu.memref_slice %arg3[%mul3A_0, %dma_start3A, %dma_start3A_1] : memref<32x5x128xi32, #tpu.memory_space<hbm>> -> memref<2x5x128xi32, #tpu.memory_space<hbm>>
    %dma_start3A_3 = arith.constant 0 : i32
    %dma_start3A_4 = arith.constant 0 : i32
    %dma_start3A_5 = tpu.memref_slice %arg3[%mul3A_0, %dma_start3A_3, %dma_start3A_4] : memref<32x5x128xi32, #tpu.memory_space<hbm>> -> memref<2x5x128xi32, #tpu.memory_space<hbm>>
    tpu.enqueue_dma source(%dma_start3A_5 : memref<2x5x128xi32, #tpu.memory_space<hbm>>) target(%arg6 : memref<2x5x128xi32, #tpu.memory_space<vmem>>) target_semaphore(%arg10 : memref<!tpu.dma_semaphore, #tpu.memory_space<semaphore_mem>>)
    %mul3A_6 = arith.constant 2 : i32
    %mul3A_7 = arith.muli %arg1, %mul3A_6 : i32
    %dma_start3A_8 = arith.constant 0 : i32
    %dma_start3A_9 = arith.constant 0 : i32
    %dma_start3A_10 = tpu.memref_slice %arg4[%mul3A_7, %dma_start3A_8, %dma_start3A_9] : memref<32x4x128xf32, #tpu.memory_space<hbm>> -> memref<2x4x128xf32, #tpu.memory_space<hbm>>
    %dma_start3A_11 = arith.constant 0 : i32
    %dma_start3A_12 = arith.constant 0 : i32
    %dma_start3A_13 = tpu.memref_slice %arg4[%mul3A_7, %dma_start3A_11, %dma_start3A_12] : memref<32x4x128xf32, #tpu.memory_space<hbm>> -> memref<2x4x128xf32, #tpu.memory_space<hbm>>
    tpu.enqueue_dma source(%dma_start3A_13 : memref<2x4x128xf32, #tpu.memory_space<hbm>>) target(%arg9 : memref<2x4x128xf32, #tpu.memory_space<vmem>>) target_semaphore(%arg11 : memref<!tpu.dma_semaphore, #tpu.memory_space<semaphore_mem>>)
    %dma_wait3A = arith.constant 0 : i32
    %dma_wait3A_14 = arith.constant 0 : i32
    %dma_wait3A_15 = tpu.memref_slice %arg3[%mul3A_0, %dma_wait3A, %dma_wait3A_14] : memref<32x5x128xi32, #tpu.memory_space<hbm>> -> memref<2x5x128xi32, #tpu.memory_space<hbm>>
    %dma_wait3A_16 = arith.constant 0 : i32
    %dma_wait3A_17 = arith.constant 0 : i32
    %dma_wait3A_18 = tpu.memref_slice %arg3[%mul3A_0, %dma_wait3A_16, %dma_wait3A_17] : memref<32x5x128xi32, #tpu.memory_space<hbm>> -> memref<2x5x128xi32, #tpu.memory_space<hbm>>
    tpu.wait_dma2 semaphore(%arg10 : memref<!tpu.dma_semaphore, #tpu.memory_space<semaphore_mem>>) src(%dma_wait3A_18 : memref<2x5x128xi32, #tpu.memory_space<hbm>>) dst(%arg6 : memref<2x5x128xi32, #tpu.memory_space<vmem>>)
    %dma_start3A_19 = arith.constant 0 : i32
    %dma_start3A_20 = arith.constant 0 : i32
    %dma_start3A_21 = arith.constant 0 : i32
    %dma_start3A_22 = arith.constant 0 : i32
    %dma_start3A_23 = arith.constant 0 : i32
    %dma_start3A_24 = tpu.memref_slice %arg7[%dma_start3A_21, %dma_start3A_22, %dma_start3A_23] : memref<2x4x128xf32, #tpu.memory_space<vmem>> -> memref<1x1x128xf32, #tpu.memory_space<vmem>>
    %dma_start3A_25 = tpu.memref_squeeze %dma_start3A_24 : memref<1x1x128xf32, #tpu.memory_space<vmem>> -> memref<128xf32, #tpu.memory_space<vmem>>
    %dma_start3A_26 = arith.constant 0 : i32
    %dma_start3A_27 = tpu.memref_slice %arg6[%dma_start3A_19, %dma_start3A_20, %dma_start3A_26] : memref<2x5x128xi32, #tpu.memory_space<vmem>> -> memref<1x1x128xi32, #tpu.memory_space<vmem>>
    %dma_start3A_28 = tpu.memref_squeeze %dma_start3A_27 : memref<1x1x128xi32, #tpu.memory_space<vmem>> -> memref<128xi32, #tpu.memory_space<vmem>>
    %dma_start3A_29 = arith.constant 0 : i32
    %dma_start3A_30 = tpu.memref_slice %arg2[%dma_start3A_29] : memref<2097152xf32, #tpu.memory_space<hbm>> -> memref<2097152xf32, #tpu.memory_space<hbm>>
    tpu.enqueue_indirect_dma source(%dma_start3A_30 : memref<2097152xf32, #tpu.memory_space<hbm>>) target(%dma_start3A_25 : memref<128xf32, #tpu.memory_space<vmem>>) offsets(%dma_start3A_28 : memref<128xi32, #tpu.memory_space<vmem>>) semaphore(%arg12 : memref<!tpu.dma_semaphore, #tpu.memory_space<semaphore_mem>>)
    %dma_start3A_31 = arith.constant 0 : i32
    %dma_start3A_32 = arith.constant 1 : i32
    %dma_start3A_33 = arith.constant 0 : i32
    %dma_start3A_34 = arith.constant 1 : i32
    %dma_start3A_35 = arith.constant 0 : i32
    %dma_start3A_36 = tpu.memref_slice %arg7[%dma_start3A_33, %dma_start3A_34, %dma_start3A_35] : memref<2x4x128xf32, #tpu.memory_space<vmem>> -> memref<1x1x128xf32, #tpu.memory_space<vmem>>
    %dma_start3A_37 = tpu.memref_squeeze %dma_start3A_36 : memref<1x1x128xf32, #tpu.memory_space<vmem>> -> memref<128xf32, #tpu.memory_space<vmem>>
    %dma_start3A_38 = arith.constant 0 : i32
    %dma_start3A_39 = tpu.memref_slice %arg6[%dma_start3A_31, %dma_start3A_32, %dma_start3A_38] : memref<2x5x128xi32, #tpu.memory_space<vmem>> -> memref<1x1x128xi32, #tpu.memory_space<vmem>>
    %dma_start3A_40 = tpu.memref_squeeze %dma_start3A_39 : memref<1x1x128xi32, #tpu.memory_space<vmem>> -> memref<128xi32, #tpu.memory_space<vmem>>
    %dma_start3A_41 = arith.constant 0 : i32
    %dma_start3A_42 = tpu.memref_slice %arg2[%dma_start3A_41] : memref<2097152xf32, #tpu.memory_space<hbm>> -> memref<2097152xf32, #tpu.memory_space<hbm>>
    tpu.enqueue_indirect_dma source(%dma_start3A_42 : memref<2097152xf32, #tpu.memory_space<hbm>>) target(%dma_start3A_37 : memref<128xf32, #tpu.memory_space<vmem>>) offsets(%dma_start3A_40 : memref<128xi32, #tpu.memory_space<vmem>>) semaphore(%arg13 : memref<!tpu.dma_semaphore, #tpu.memory_space<semaphore_mem>>)
    %dma_start3A_43 = arith.constant 0 : i32
    %dma_start3A_44 = arith.constant 2 : i32
    %dma_start3A_45 = arith.constant 0 : i32
    %dma_start3A_46 = arith.constant 2 : i32
    %dma_start3A_47 = arith.constant 0 : i32
    %dma_start3A_48 = tpu.memref_slice %arg7[%dma_start3A_45, %dma_start3A_46, %dma_start3A_47] : memref<2x4x128xf32, #tpu.memory_space<vmem>> -> memref<1x1x128xf32, #tpu.memory_space<vmem>>
    %dma_start3A_49 = tpu.memref_squeeze %dma_start3A_48 : memref<1x1x128xf32, #tpu.memory_space<vmem>> -> memref<128xf32, #tpu.memory_space<vmem>>
    %dma_start3A_50 = arith.constant 0 : i32
    %dma_start3A_51 = tpu.memref_slice %arg6[%dma_start3A_43, %dma_start3A_44, %dma_start3A_50] : memref<2x5x128xi32, #tpu.memory_space<vmem>> -> memref<1x1x128xi32, #tpu.memory_space<vmem>>
    %dma_start3A_52 = tpu.memref_squeeze %dma_start3A_51 : memref<1x1x128xi32, #tpu.memory_space<vmem>> -> memref<128xi32, #tpu.memory_space<vmem>>
    %dma_start3A_53 = arith.constant 0 : i32
    %dma_start3A_54 = tpu.memref_slice %arg2[%dma_start3A_53] : memref<2097152xf32, #tpu.memory_space<hbm>> -> memref<2097152xf32, #tpu.memory_space<hbm>>
    tpu.enqueue_indirect_dma source(%dma_start3A_54 : memref<2097152xf32, #tpu.memory_space<hbm>>) target(%dma_start3A_49 : memref<128xf32, #tpu.memory_space<vmem>>) offsets(%dma_start3A_52 : memref<128xi32, #tpu.memory_space<vmem>>) semaphore(%arg14 : memref<!tpu.dma_semaphore, #tpu.memory_space<semaphore_mem>>)
    %dma_start3A_55 = arith.constant 0 : i32
    %dma_start3A_56 = arith.constant 3 : i32
    %dma_start3A_57 = arith.constant 0 : i32
    %dma_start3A_58 = arith.constant 3 : i32
    %dma_start3A_59 = arith.constant 0 : i32
    %dma_start3A_60 = tpu.memref_slice %arg7[%dma_start3A_57, %dma_start3A_58, %dma_start3A_59] : memref<2x4x128xf32, #tpu.memory_space<vmem>> -> memref<1x1x128xf32, #tpu.memory_space<vmem>>
    %dma_start3A_61 = tpu.memref_squeeze %dma_start3A_60 : memref<1x1x128xf32, #tpu.memory_space<vmem>> -> memref<128xf32, #tpu.memory_space<vmem>>
    %dma_start3A_62 = arith.constant 0 : i32
    %dma_start3A_63 = tpu.memref_slice %arg6[%dma_start3A_55, %dma_start3A_56, %dma_start3A_62] : memref<2x5x128xi32, #tpu.memory_space<vmem>> -> memref<1x1x128xi32, #tpu.memory_space<vmem>>
    %dma_start3A_64 = tpu.memref_squeeze %dma_start3A_63 : memref<1x1x128xi32, #tpu.memory_space<vmem>> -> memref<128xi32, #tpu.memory_space<vmem>>
    %dma_start3A_65 = arith.constant 0 : i32
    %dma_start3A_66 = tpu.memref_slice %arg2[%dma_start3A_65] : memref<2097152xf32, #tpu.memory_space<hbm>> -> memref<2097152xf32, #tpu.memory_space<hbm>>
    tpu.enqueue_indirect_dma source(%dma_start3A_66 : memref<2097152xf32, #tpu.memory_space<hbm>>) target(%dma_start3A_61 : memref<128xf32, #tpu.memory_space<vmem>>) offsets(%dma_start3A_64 : memref<128xi32, #tpu.memory_space<vmem>>) semaphore(%arg15 : memref<!tpu.dma_semaphore, #tpu.memory_space<semaphore_mem>>)
    %dma_start3A_67 = arith.constant 1 : i32
    %dma_start3A_68 = arith.constant 0 : i32
    %dma_start3A_69 = arith.constant 1 : i32
    %dma_start3A_70 = arith.constant 0 : i32
    %dma_start3A_71 = arith.constant 0 : i32
    %dma_start3A_72 = tpu.memref_slice %arg7[%dma_start3A_69, %dma_start3A_70, %dma_start3A_71] : memref<2x4x128xf32, #tpu.memory_space<vmem>> -> memref<1x1x128xf32, #tpu.memory_space<vmem>>
    %dma_start3A_73 = tpu.memref_squeeze %dma_start3A_72 : memref<1x1x128xf32, #tpu.memory_space<vmem>> -> memref<128xf32, #tpu.memory_space<vmem>>
    %dma_start3A_74 = arith.constant 0 : i32
    %dma_start3A_75 = tpu.memref_slice %arg6[%dma_start3A_67, %dma_start3A_68, %dma_start3A_74] : memref<2x5x128xi32, #tpu.memory_space<vmem>> -> memref<1x1x128xi32, #tpu.memory_space<vmem>>
    %dma_start3A_76 = tpu.memref_squeeze %dma_start3A_75 : memref<1x1x128xi32, #tpu.memory_space<vmem>> -> memref<128xi32, #tpu.memory_space<vmem>>
    %dma_start3A_77 = arith.constant 0 : i32
    %dma_start3A_78 = tpu.memref_slice %arg2[%dma_start3A_77] : memref<2097152xf32, #tpu.memory_space<hbm>> -> memref<2097152xf32, #tpu.memory_space<hbm>>
    tpu.enqueue_indirect_dma source(%dma_start3A_78 : memref<2097152xf32, #tpu.memory_space<hbm>>) target(%dma_start3A_73 : memref<128xf32, #tpu.memory_space<vmem>>) offsets(%dma_start3A_76 : memref<128xi32, #tpu.memory_space<vmem>>) semaphore(%arg16 : memref<!tpu.dma_semaphore, #tpu.memory_space<semaphore_mem>>)
    %dma_start3A_79 = arith.constant 1 : i32
    %dma_start3A_80 = arith.constant 1 : i32
    %dma_start3A_81 = arith.constant 1 : i32
    %dma_start3A_82 = arith.constant 1 : i32
    %dma_start3A_83 = arith.constant 0 : i32
    %dma_start3A_84 = tpu.memref_slice %arg7[%dma_start3A_81, %dma_start3A_82, %dma_start3A_83] : memref<2x4x128xf32, #tpu.memory_space<vmem>> -> memref<1x1x128xf32, #tpu.memory_space<vmem>>
    %dma_start3A_85 = tpu.memref_squeeze %dma_start3A_84 : memref<1x1x128xf32, #tpu.memory_space<vmem>> -> memref<128xf32, #tpu.memory_space<vmem>>
    %dma_start3A_86 = arith.constant 0 : i32
    %dma_start3A_87 = tpu.memref_slice %arg6[%dma_start3A_79, %dma_start3A_80, %dma_start3A_86] : memref<2x5x128xi32, #tpu.memory_space<vmem>> -> memref<1x1x128xi32, #tpu.memory_space<vmem>>
    %dma_start3A_88 = tpu.memref_squeeze %dma_start3A_87 : memref<1x1x128xi32, #tpu.memory_space<vmem>> -> memref<128xi32, #tpu.memory_space<vmem>>
    %dma_start3A_89 = arith.constant 0 : i32
    %dma_start3A_90 = tpu.memref_slice %arg2[%dma_start3A_89] : memref<2097152xf32, #tpu.memory_space<hbm>> -> memref<2097152xf32, #tpu.memory_space<hbm>>
    tpu.enqueue_indirect_dma source(%dma_start3A_90 : memref<2097152xf32, #tpu.memory_space<hbm>>) target(%dma_start3A_85 : memref<128xf32, #tpu.memory_space<vmem>>) offsets(%dma_start3A_88 : memref<128xi32, #tpu.memory_space<vmem>>) semaphore(%arg17 : memref<!tpu.dma_semaphore, #tpu.memory_space<semaphore_mem>>)
    %dma_start3A_91 = arith.constant 1 : i32
    %dma_start3A_92 = arith.constant 2 : i32
    %dma_start3A_93 = arith.constant 1 : i32
    %dma_start3A_94 = arith.constant 2 : i32
    %dma_start3A_95 = arith.constant 0 : i32
    %dma_start3A_96 = tpu.memref_slice %arg7[%dma_start3A_93, %dma_start3A_94, %dma_start3A_95] : memref<2x4x128xf32, #tpu.memory_space<vmem>> -> memref<1x1x128xf32, #tpu.memory_space<vmem>>
    %dma_start3A_97 = tpu.memref_squeeze %dma_start3A_96 : memref<1x1x128xf32, #tpu.memory_space<vmem>> -> memref<128xf32, #tpu.memory_space<vmem>>
    %dma_start3A_98 = arith.constant 0 : i32
    %dma_start3A_99 = tpu.memref_slice %arg6[%dma_start3A_91, %dma_start3A_92, %dma_start3A_98] : memref<2x5x128xi32, #tpu.memory_space<vmem>> -> memref<1x1x128xi32, #tpu.memory_space<vmem>>
    %dma_start3A_100 = tpu.memref_squeeze %dma_start3A_99 : memref<1x1x128xi32, #tpu.memory_space<vmem>> -> memref<128xi32, #tpu.memory_space<vmem>>
    %dma_start3A_101 = arith.constant 0 : i32
    %dma_start3A_102 = tpu.memref_slice %arg2[%dma_start3A_101] : memref<2097152xf32, #tpu.memory_space<hbm>> -> memref<2097152xf32, #tpu.memory_space<hbm>>
    tpu.enqueue_indirect_dma source(%dma_start3A_102 : memref<2097152xf32, #tpu.memory_space<hbm>>) target(%dma_start3A_97 : memref<128xf32, #tpu.memory_space<vmem>>) offsets(%dma_start3A_100 : memref<128xi32, #tpu.memory_space<vmem>>) semaphore(%arg18 : memref<!tpu.dma_semaphore, #tpu.memory_space<semaphore_mem>>)
    %dma_start3A_103 = arith.constant 1 : i32
    %dma_start3A_104 = arith.constant 3 : i32
    %dma_start3A_105 = arith.constant 1 : i32
    %dma_start3A_106 = arith.constant 3 : i32
    %dma_start3A_107 = arith.constant 0 : i32
    %dma_start3A_108 = tpu.memref_slice %arg7[%dma_start3A_105, %dma_start3A_106, %dma_start3A_107] : memref<2x4x128xf32, #tpu.memory_space<vmem>> -> memref<1x1x128xf32, #tpu.memory_space<vmem>>
    %dma_start3A_109 = tpu.memref_squeeze %dma_start3A_108 : memref<1x1x128xf32, #tpu.memory_space<vmem>> -> memref<128xf32, #tpu.memory_space<vmem>>
    %dma_start3A_110 = arith.constant 0 : i32
    %dma_start3A_111 = tpu.memref_slice %arg6[%dma_start3A_103, %dma_start3A_104, %dma_start3A_110] : memref<2x5x128xi32, #tpu.memory_space<vmem>> -> memref<1x1x128xi32, #tpu.memory_space<vmem>>
    %dma_start3A_112 = tpu.memref_squeeze %dma_start3A_111 : memref<1x1x128xi32, #tpu.memory_space<vmem>> -> memref<128xi32, #tpu.memory_space<vmem>>
    %dma_start3A_113 = arith.constant 0 : i32
    %dma_start3A_114 = tpu.memref_slice %arg2[%dma_start3A_113] : memref<2097152xf32, #tpu.memory_space<hbm>> -> memref<2097152xf32, #tpu.memory_space<hbm>>
    tpu.enqueue_indirect_dma source(%dma_start3A_114 : memref<2097152xf32, #tpu.memory_space<hbm>>) target(%dma_start3A_109 : memref<128xf32, #tpu.memory_space<vmem>>) offsets(%dma_start3A_112 : memref<128xi32, #tpu.memory_space<vmem>>) semaphore(%arg19 : memref<!tpu.dma_semaphore, #tpu.memory_space<semaphore_mem>>)
    %broadcast_in_dim3A = arith.constant 0.000000e+00 : f32
    %broadcast_in_dim3A_115 = vector.broadcast %broadcast_in_dim3A : f32 to vector<16xf32>
    %get3A = arith.constant 0 : i32
    %get3A_116 = arith.constant 4 : i32
    %get3A_117 = arith.index_cast %get3A : i32 to index
    %get3A_118 = arith.index_cast %get3A_116 : i32 to index
    %get3A_119 = arith.constant 0 : index
    %get3A_120 = tpu.vector_load %arg6[%get3A_117, %get3A_118, %get3A_119] {strides = array<i32>} : memref<2x5x128xi32, #tpu.memory_space<vmem>>, vector<1x1x16xi32>,
    %get3A_121 = vector.shape_cast %get3A_120 : vector<1x1x16xi32> to vector<16xi32>
    %convert_element_type3A = arith.sitofp %get3A_121 : vector<16xi32> to vector<16xf32>
    %add3A = arith.addf %broadcast_in_dim3A_115, %convert_element_type3A : vector<16xf32>
    %get3A_122 = arith.constant 0 : i32
    %get3A_123 = arith.constant 4 : i32
    %get3A_124 = arith.index_cast %get3A_122 : i32 to index
    %get3A_125 = arith.index_cast %get3A_123 : i32 to index
    %get3A_126 = arith.constant 16 : index
    %get3A_127 = tpu.vector_load %arg6[%get3A_124, %get3A_125, %get3A_126] {strides = array<i32>} : memref<2x5x128xi32, #tpu.memory_space<vmem>>, vector<1x1x16xi32>,
    %get3A_128 = vector.shape_cast %get3A_127 : vector<1x1x16xi32> to vector<16xi32>
    %convert_element_type3A_129 = arith.sitofp %get3A_128 : vector<16xi32> to vector<16xf32>
    %add3A_130 = arith.addf %add3A, %convert_element_type3A_129 : vector<16xf32>
    %get3A_131 = arith.constant 0 : i32
    %get3A_132 = arith.constant 4 : i32
    %get3A_133 = arith.index_cast %get3A_131 : i32 to index
    %get3A_134 = arith.index_cast %get3A_132 : i32 to index
    %get3A_135 = arith.constant 32 : index
    %get3A_136 = tpu.vector_load %arg6[%get3A_133, %get3A_134, %get3A_135] {strides = array<i32>} : memref<2x5x128xi32, #tpu.memory_space<vmem>>, vector<1x1x16xi32>,
    %get3A_137 = vector.shape_cast %get3A_136 : vector<1x1x16xi32> to vector<16xi32>
    %convert_element_type3A_138 = arith.sitofp %get3A_137 : vector<16xi32> to vector<16xf32>
    %add3A_139 = arith.addf %add3A_130, %convert_element_type3A_138 : vector<16xf32>
    %get3A_140 = arith.constant 0 : i32
    %get3A_141 = arith.constant 4 : i32
    %get3A_142 = arith.index_cast %get3A_140 : i32 to index
    %get3A_143 = arith.index_cast %get3A_141 : i32 to index
    %get3A_144 = arith.constant 48 : index
    %get3A_145 = tpu.vector_load %arg6[%get3A_142, %get3A_143, %get3A_144] {strides = array<i32>} : memref<2x5x128xi32, #tpu.memory_space<vmem>>, vector<1x1x16xi32>,
    %get3A_146 = vector.shape_cast %get3A_145 : vector<1x1x16xi32> to vector<16xi32>
    %convert_element_type3A_147 = arith.sitofp %get3A_146 : vector<16xi32> to vector<16xf32>
    %add3A_148 = arith.addf %add3A_139, %convert_element_type3A_147 : vector<16xf32>
    %get3A_149 = arith.constant 0 : i32
    %get3A_150 = arith.constant 4 : i32
    %get3A_151 = arith.index_cast %get3A_149 : i32 to index
    %get3A_152 = arith.index_cast %get3A_150 : i32 to index
    %get3A_153 = arith.constant 64 : index
    %get3A_154 = tpu.vector_load %arg6[%get3A_151, %get3A_152, %get3A_153] {strides = array<i32>} : memref<2x5x128xi32, #tpu.memory_space<vmem>>, vector<1x1x16xi32>,
    %get3A_155 = vector.shape_cast %get3A_154 : vector<1x1x16xi32> to vector<16xi32>
    %convert_element_type3A_156 = arith.sitofp %get3A_155 : vector<16xi32> to vector<16xf32>
    %add3A_157 = arith.addf %add3A_148, %convert_element_type3A_156 : vector<16xf32>
    %get3A_158 = arith.constant 0 : i32
    %get3A_159 = arith.constant 4 : i32
    %get3A_160 = arith.index_cast %get3A_158 : i32 to index
    %get3A_161 = arith.index_cast %get3A_159 : i32 to index
    %get3A_162 = arith.constant 80 : index
    %get3A_163 = tpu.vector_load %arg6[%get3A_160, %get3A_161, %get3A_162] {strides = array<i32>} : memref<2x5x128xi32, #tpu.memory_space<vmem>>, vector<1x1x16xi32>,
    %get3A_164 = vector.shape_cast %get3A_163 : vector<1x1x16xi32> to vector<16xi32>
    %convert_element_type3A_165 = arith.sitofp %get3A_164 : vector<16xi32> to vector<16xf32>
    %add3A_166 = arith.addf %add3A_157, %convert_element_type3A_165 : vector<16xf32>
    %get3A_167 = arith.constant 0 : i32
    %get3A_168 = arith.constant 4 : i32
    %get3A_169 = arith.index_cast %get3A_167 : i32 to index
    %get3A_170 = arith.index_cast %get3A_168 : i32 to index
    %get3A_171 = arith.constant 96 : index
    %get3A_172 = tpu.vector_load %arg6[%get3A_169, %get3A_170, %get3A_171] {strides = array<i32>} : memref<2x5x128xi32, #tpu.memory_space<vmem>>, vector<1x1x16xi32>,
    %get3A_173 = vector.shape_cast %get3A_172 : vector<1x1x16xi32> to vector<16xi32>
    %convert_element_type3A_174 = arith.sitofp %get3A_173 : vector<16xi32> to vector<16xf32>
    %add3A_175 = arith.addf %add3A_166, %convert_element_type3A_174 : vector<16xf32>
    %get3A_176 = arith.constant 0 : i32
    %get3A_177 = arith.constant 4 : i32
    %get3A_178 = arith.index_cast %get3A_176 : i32 to index
    %get3A_179 = arith.index_cast %get3A_177 : i32 to index
    %get3A_180 = arith.constant 112 : index
    %get3A_181 = tpu.vector_load %arg6[%get3A_178, %get3A_179, %get3A_180] {strides = array<i32>} : memref<2x5x128xi32, #tpu.memory_space<vmem>>, vector<1x1x16xi32>,
    %get3A_182 = vector.shape_cast %get3A_181 : vector<1x1x16xi32> to vector<16xi32>
    %convert_element_type3A_183 = arith.sitofp %get3A_182 : vector<16xi32> to vector<16xf32>
    %add3A_184 = arith.addf %add3A_175, %convert_element_type3A_183 : vector<16xf32>
    %get3A_185 = arith.constant 1 : i32
    %get3A_186 = arith.constant 4 : i32
    %get3A_187 = arith.index_cast %get3A_185 : i32 to index
    %get3A_188 = arith.index_cast %get3A_186 : i32 to index
    %get3A_189 = arith.constant 0 : index
    %get3A_190 = tpu.vector_load %arg6[%get3A_187, %get3A_188, %get3A_189] {strides = array<i32>} : memref<2x5x128xi32, #tpu.memory_space<vmem>>, vector<1x1x16xi32>,
    %get3A_191 = vector.shape_cast %get3A_190 : vector<1x1x16xi32> to vector<16xi32>
    %convert_element_type3A_192 = arith.sitofp %get3A_191 : vector<16xi32> to vector<16xf32>
    %add3A_193 = arith.addf %add3A_184, %convert_element_type3A_192 : vector<16xf32>
    %get3A_194 = arith.constant 1 : i32
    %get3A_195 = arith.constant 4 : i32
    %get3A_196 = arith.index_cast %get3A_194 : i32 to index
    %get3A_197 = arith.index_cast %get3A_195 : i32 to index
    %get3A_198 = arith.constant 16 : index
    %get3A_199 = tpu.vector_load %arg6[%get3A_196, %get3A_197, %get3A_198] {strides = array<i32>} : memref<2x5x128xi32, #tpu.memory_space<vmem>>, vector<1x1x16xi32>,
    %get3A_200 = vector.shape_cast %get3A_199 : vector<1x1x16xi32> to vector<16xi32>
    %convert_element_type3A_201 = arith.sitofp %get3A_200 : vector<16xi32> to vector<16xf32>
    %add3A_202 = arith.addf %add3A_193, %convert_element_type3A_201 : vector<16xf32>
    %get3A_203 = arith.constant 1 : i32
    %get3A_204 = arith.constant 4 : i32
    %get3A_205 = arith.index_cast %get3A_203 : i32 to index
    %get3A_206 = arith.index_cast %get3A_204 : i32 to index
    %get3A_207 = arith.constant 32 : index
    %get3A_208 = tpu.vector_load %arg6[%get3A_205, %get3A_206, %get3A_207] {strides = array<i32>} : memref<2x5x128xi32, #tpu.memory_space<vmem>>, vector<1x1x16xi32>,
    %get3A_209 = vector.shape_cast %get3A_208 : vector<1x1x16xi32> to vector<16xi32>
    %convert_element_type3A_210 = arith.sitofp %get3A_209 : vector<16xi32> to vector<16xf32>
    %add3A_211 = arith.addf %add3A_202, %convert_element_type3A_210 : vector<16xf32>
    %get3A_212 = arith.constant 1 : i32
    %get3A_213 = arith.constant 4 : i32
    %get3A_214 = arith.index_cast %get3A_212 : i32 to index
    %get3A_215 = arith.index_cast %get3A_213 : i32 to index
    %get3A_216 = arith.constant 48 : index
    %get3A_217 = tpu.vector_load %arg6[%get3A_214, %get3A_215, %get3A_216] {strides = array<i32>} : memref<2x5x128xi32, #tpu.memory_space<vmem>>, vector<1x1x16xi32>,
    %get3A_218 = vector.shape_cast %get3A_217 : vector<1x1x16xi32> to vector<16xi32>
    %convert_element_type3A_219 = arith.sitofp %get3A_218 : vector<16xi32> to vector<16xf32>
    %add3A_220 = arith.addf %add3A_211, %convert_element_type3A_219 : vector<16xf32>
    %get3A_221 = arith.constant 1 : i32
    %get3A_222 = arith.constant 4 : i32
    %get3A_223 = arith.index_cast %get3A_221 : i32 to index
    %get3A_224 = arith.index_cast %get3A_222 : i32 to index
    %get3A_225 = arith.constant 64 : index
    %get3A_226 = tpu.vector_load %arg6[%get3A_223, %get3A_224, %get3A_225] {strides = array<i32>} : memref<2x5x128xi32, #tpu.memory_space<vmem>>, vector<1x1x16xi32>,
    %get3A_227 = vector.shape_cast %get3A_226 : vector<1x1x16xi32> to vector<16xi32>
    %convert_element_type3A_228 = arith.sitofp %get3A_227 : vector<16xi32> to vector<16xf32>
    %add3A_229 = arith.addf %add3A_220, %convert_element_type3A_228 : vector<16xf32>
    %get3A_230 = arith.constant 1 : i32
    %get3A_231 = arith.constant 4 : i32
    %get3A_232 = arith.index_cast %get3A_230 : i32 to index
    %get3A_233 = arith.index_cast %get3A_231 : i32 to index
    %get3A_234 = arith.constant 80 : index
    %get3A_235 = tpu.vector_load %arg6[%get3A_232, %get3A_233, %get3A_234] {strides = array<i32>} : memref<2x5x128xi32, #tpu.memory_space<vmem>>, vector<1x1x16xi32>,
    %get3A_236 = vector.shape_cast %get3A_235 : vector<1x1x16xi32> to vector<16xi32>
    %convert_element_type3A_237 = arith.sitofp %get3A_236 : vector<16xi32> to vector<16xf32>
    %add3A_238 = arith.addf %add3A_229, %convert_element_type3A_237 : vector<16xf32>
    %get3A_239 = arith.constant 1 : i32
    %get3A_240 = arith.constant 4 : i32
    %get3A_241 = arith.index_cast %get3A_239 : i32 to index
    %get3A_242 = arith.index_cast %get3A_240 : i32 to index
    %get3A_243 = arith.constant 96 : index
    %get3A_244 = tpu.vector_load %arg6[%get3A_241, %get3A_242, %get3A_243] {strides = array<i32>} : memref<2x5x128xi32, #tpu.memory_space<vmem>>, vector<1x1x16xi32>,
    %get3A_245 = vector.shape_cast %get3A_244 : vector<1x1x16xi32> to vector<16xi32>
    %convert_element_type3A_246 = arith.sitofp %get3A_245 : vector<16xi32> to vector<16xf32>
    %add3A_247 = arith.addf %add3A_238, %convert_element_type3A_246 : vector<16xf32>
    %get3A_248 = arith.constant 1 : i32
    %get3A_249 = arith.constant 4 : i32
    %get3A_250 = arith.index_cast %get3A_248 : i32 to index
    %get3A_251 = arith.index_cast %get3A_249 : i32 to index
    %get3A_252 = arith.constant 112 : index
    %get3A_253 = tpu.vector_load %arg6[%get3A_250, %get3A_251, %get3A_252] {strides = array<i32>} : memref<2x5x128xi32, #tpu.memory_space<vmem>>, vector<1x1x16xi32>,
    %get3A_254 = vector.shape_cast %get3A_253 : vector<1x1x16xi32> to vector<16xi32>
    %convert_element_type3A_255 = arith.sitofp %get3A_254 : vector<16xi32> to vector<16xf32>
    %add3A_256 = arith.addf %add3A_247, %convert_element_type3A_255 : vector<16xf32>
    %dma_wait3A_257 = arith.constant 0 : i32
    %dma_wait3A_258 = arith.constant 0 : i32
    %dma_wait3A_259 = tpu.memref_slice %arg4[%mul3A_7, %dma_wait3A_257, %dma_wait3A_258] : memref<32x4x128xf32, #tpu.memory_space<hbm>> -> memref<2x4x128xf32, #tpu.memory_space<hbm>>
    %dma_wait3A_260 = arith.constant 0 : i32
    %dma_wait3A_261 = arith.constant 0 : i32
    %dma_wait3A_262 = tpu.memref_slice %arg4[%mul3A_7, %dma_wait3A_260, %dma_wait3A_261] : memref<32x4x128xf32, #tpu.memory_space<hbm>> -> memref<2x4x128xf32, #tpu.memory_space<hbm>>
    tpu.wait_dma2 semaphore(%arg11 : memref<!tpu.dma_semaphore, #tpu.memory_space<semaphore_mem>>) src(%dma_wait3A_262 : memref<2x4x128xf32, #tpu.memory_space<hbm>>) dst(%arg9 : memref<2x4x128xf32, #tpu.memory_space<vmem>>)
    %broadcast_in_dim3A_263 = arith.constant 0.000000e+00 : f32
    %broadcast_in_dim3A_264 = vector.broadcast %broadcast_in_dim3A_263 : f32 to vector<16xf32>
    %dma_wait3A_265 = arith.constant 0 : i32
    %dma_wait3A_266 = arith.constant 0 : i32
    %dma_wait3A_267 = arith.constant 0 : i32
    %dma_wait3A_268 = arith.constant 0 : i32
    %dma_wait3A_269 = arith.constant 0 : i32
    %dma_wait3A_270 = tpu.memref_slice %arg7[%dma_wait3A_267, %dma_wait3A_268, %dma_wait3A_269] : memref<2x4x128xf32, #tpu.memory_space<vmem>> -> memref<1x1x128xf32, #tpu.memory_space<vmem>>
    %dma_wait3A_271 = tpu.memref_squeeze %dma_wait3A_270 : memref<1x1x128xf32, #tpu.memory_space<vmem>> -> memref<128xf32, #tpu.memory_space<vmem>>
    %dma_wait3A_272 = arith.constant 0 : i32
    %dma_wait3A_273 = tpu.memref_slice %arg6[%dma_wait3A_265, %dma_wait3A_266, %dma_wait3A_272] : memref<2x5x128xi32, #tpu.memory_space<vmem>> -> memref<1x1x128xi32, #tpu.memory_space<vmem>>
    %dma_wait3A_274 = tpu.memref_squeeze %dma_wait3A_273 : memref<1x1x128xi32, #tpu.memory_space<vmem>> -> memref<128xi32, #tpu.memory_space<vmem>>
    %dma_wait3A_275 = arith.constant 0 : i32
    %dma_wait3A_276 = tpu.memref_slice %arg2[%dma_wait3A_275] : memref<2097152xf32, #tpu.memory_space<hbm>> -> memref<2097152xf32, #tpu.memory_space<hbm>>
    tpu.wait_indirect_dma semaphore(%arg12 : memref<!tpu.dma_semaphore, #tpu.memory_space<semaphore_mem>>) src(%dma_wait3A_276 : memref<2097152xf32, #tpu.memory_space<hbm>>) dst(%dma_wait3A_271 : memref<128xf32, #tpu.memory_space<vmem>>)
    %get3A_277 = arith.constant 0 : i32
    %get3A_278 = arith.constant 0 : i32
    %get3A_279 = arith.index_cast %get3A_277 : i32 to index
    %get3A_280 = arith.index_cast %get3A_278 : i32 to index
    %get3A_281 = arith.constant 0 : index
    %get3A_282 = tpu.vector_load %arg7[%get3A_279, %get3A_280, %get3A_281] {strides = array<i32>} : memref<2x4x128xf32, #tpu.memory_space<vmem>>, vector<1x1x16xf32>,
    %get3A_283 = vector.shape_cast %get3A_282 : vector<1x1x16xf32> to vector<16xf32>
    %get3A_284 = arith.constant 0 : i32
    %get3A_285 = arith.constant 0 : i32
    %get3A_286 = arith.index_cast %get3A_284 : i32 to index
    %get3A_287 = arith.index_cast %get3A_285 : i32 to index
    %get3A_288 = arith.constant 0 : index
    %get3A_289 = tpu.vector_load %arg9[%get3A_286, %get3A_287, %get3A_288] {strides = array<i32>} : memref<2x4x128xf32, #tpu.memory_space<vmem>>, vector<1x1x16xf32>,
    %get3A_290 = vector.shape_cast %get3A_289 : vector<1x1x16xf32> to vector<16xf32>
    %sub3A = arith.subf %get3A_283, %get3A_290 : vector<16xf32>
    %mul3A_291 = arith.mulf %sub3A, %convert_element_type3A : vector<16xf32>
    %abs3A = math.absf %mul3A_291 : vector<16xf32>
    %lt3A = arith.constant 1.000000e+00 : f32
    %lt3A_292 = vector.broadcast %lt3A : f32 to vector<16xf32>
    %lt3A_293 = arith.cmpf olt, %abs3A, %lt3A_292 : vector<16xf32>
    %mul3A_294 = arith.constant 5.000000e-01 : f32
    %mul3A_295 = vector.broadcast %mul3A_294 : f32 to vector<16xf32>
    %mul3A_296 = arith.mulf %mul3A_295, %mul3A_291 : vector<16xf32>
    %mul3A_297 = arith.mulf %mul3A_296, %mul3A_291 : vector<16xf32>
    %sub3A_298 = arith.constant 5.000000e-01 : f32
    %sub3A_299 = vector.broadcast %sub3A_298 : f32 to vector<16xf32>
    %sub3A_300 = arith.subf %abs3A, %sub3A_299 : vector<16xf32>
    %select_n3A = arith.select %lt3A_293, %mul3A_297, %sub3A_300 : vector<16xi1>, vector<16xf32>
    %add3A_301 = arith.addf %broadcast_in_dim3A_264, %select_n3A : vector<16xf32>
    %get3A_302 = arith.constant 0 : i32
    %get3A_303 = arith.constant 0 : i32
    %get3A_304 = arith.index_cast %get3A_302 : i32 to index
    %get3A_305 = arith.index_cast %get3A_303 : i32 to index
    %get3A_306 = arith.constant 16 : index
    %get3A_307 = tpu.vector_load %arg7[%get3A_304, %get3A_305, %get3A_306] {strides = array<i32>} : memref<2x4x128xf32, #tpu.memory_space<vmem>>, vector<1x1x16xf32>,
    %get3A_308 = vector.shape_cast %get3A_307 : vector<1x1x16xf32> to vector<16xf32>
    %get3A_309 = arith.constant 0 : i32
    %get3A_310 = arith.constant 0 : i32
    %get3A_311 = arith.index_cast %get3A_309 : i32 to index
    %get3A_312 = arith.index_cast %get3A_310 : i32 to index
    %get3A_313 = arith.constant 16 : index
    %get3A_314 = tpu.vector_load %arg9[%get3A_311, %get3A_312, %get3A_313] {strides = array<i32>} : memref<2x4x128xf32, #tpu.memory_space<vmem>>, vector<1x1x16xf32>,
    %get3A_315 = vector.shape_cast %get3A_314 : vector<1x1x16xf32> to vector<16xf32>
    %sub3A_316 = arith.subf %get3A_308, %get3A_315 : vector<16xf32>
    %mul3A_317 = arith.mulf %sub3A_316, %convert_element_type3A_129 : vector<16xf32>
    %abs3A_318 = math.absf %mul3A_317 : vector<16xf32>
    %lt3A_319 = arith.constant 1.000000e+00 : f32
    %lt3A_320 = vector.broadcast %lt3A_319 : f32 to vector<16xf32>
    %lt3A_321 = arith.cmpf olt, %abs3A_318, %lt3A_320 : vector<16xf32>
    %mul3A_322 = arith.constant 5.000000e-01 : f32
    %mul3A_323 = vector.broadcast %mul3A_322 : f32 to vector<16xf32>
    %mul3A_324 = arith.mulf %mul3A_323, %mul3A_317 : vector<16xf32>
    %mul3A_325 = arith.mulf %mul3A_324, %mul3A_317 : vector<16xf32>
    %sub3A_326 = arith.constant 5.000000e-01 : f32
    %sub3A_327 = vector.broadcast %sub3A_326 : f32 to vector<16xf32>
    %sub3A_328 = arith.subf %abs3A_318, %sub3A_327 : vector<16xf32>
    %select_n3A_329 = arith.select %lt3A_321, %mul3A_325, %sub3A_328 : vector<16xi1>, vector<16xf32>
    %add3A_330 = arith.addf %add3A_301, %select_n3A_329 : vector<16xf32>
    %get3A_331 = arith.constant 0 : i32
    %get3A_332 = arith.constant 0 : i32
    %get3A_333 = arith.index_cast %get3A_331 : i32 to index
    %get3A_334 = arith.index_cast %get3A_332 : i32 to index
    %get3A_335 = arith.constant 32 : index
    %get3A_336 = tpu.vector_load %arg7[%get3A_333, %get3A_334, %get3A_335] {strides = array<i32>} : memref<2x4x128xf32, #tpu.memory_space<vmem>>, vector<1x1x16xf32>,
    %get3A_337 = vector.shape_cast %get3A_336 : vector<1x1x16xf32> to vector<16xf32>
    %get3A_338 = arith.constant 0 : i32
    %get3A_339 = arith.constant 0 : i32
    %get3A_340 = arith.index_cast %get3A_338 : i32 to index
    %get3A_341 = arith.index_cast %get3A_339 : i32 to index
    %get3A_342 = arith.constant 32 : index
    %get3A_343 = tpu.vector_load %arg9[%get3A_340, %get3A_341, %get3A_342] {strides = array<i32>} : memref<2x4x128xf32, #tpu.memory_space<vmem>>, vector<1x1x16xf32>,
    %get3A_344 = vector.shape_cast %get3A_343 : vector<1x1x16xf32> to vector<16xf32>
    %sub3A_345 = arith.subf %get3A_337, %get3A_344 : vector<16xf32>
    %mul3A_346 = arith.mulf %sub3A_345, %convert_element_type3A_138 : vector<16xf32>
    %abs3A_347 = math.absf %mul3A_346 : vector<16xf32>
    %lt3A_348 = arith.constant 1.000000e+00 : f32
    %lt3A_349 = vector.broadcast %lt3A_348 : f32 to vector<16xf32>
    %lt3A_350 = arith.cmpf olt, %abs3A_347, %lt3A_349 : vector<16xf32>
    %mul3A_351 = arith.constant 5.000000e-01 : f32
    %mul3A_352 = vector.broadcast %mul3A_351 : f32 to vector<16xf32>
    %mul3A_353 = arith.mulf %mul3A_352, %mul3A_346 : vector<16xf32>
    %mul3A_354 = arith.mulf %mul3A_353, %mul3A_346 : vector<16xf32>
    %sub3A_355 = arith.constant 5.000000e-01 : f32
    %sub3A_356 = vector.broadcast %sub3A_355 : f32 to vector<16xf32>
    %sub3A_357 = arith.subf %abs3A_347, %sub3A_356 : vector<16xf32>
    %select_n3A_358 = arith.select %lt3A_350, %mul3A_354, %sub3A_357 : vector<16xi1>, vector<16xf32>
    %add3A_359 = arith.addf %add3A_330, %select_n3A_358 : vector<16xf32>
    %get3A_360 = arith.constant 0 : i32
    %get3A_361 = arith.constant 0 : i32
    %get3A_362 = arith.index_cast %get3A_360 : i32 to index
    %get3A_363 = arith.index_cast %get3A_361 : i32 to index
    %get3A_364 = arith.constant 48 : index
    %get3A_365 = tpu.vector_load %arg7[%get3A_362, %get3A_363, %get3A_364] {strides = array<i32>} : memref<2x4x128xf32, #tpu.memory_space<vmem>>, vector<1x1x16xf32>,
    %get3A_366 = vector.shape_cast %get3A_365 : vector<1x1x16xf32> to vector<16xf32>
    %get3A_367 = arith.constant 0 : i32
    %get3A_368 = arith.constant 0 : i32
    %get3A_369 = arith.index_cast %get3A_367 : i32 to index
    %get3A_370 = arith.index_cast %get3A_368 : i32 to index
    %get3A_371 = arith.constant 48 : index
    %get3A_372 = tpu.vector_load %arg9[%get3A_369, %get3A_370, %get3A_371] {strides = array<i32>} : memref<2x4x128xf32, #tpu.memory_space<vmem>>, vector<1x1x16xf32>,
    %get3A_373 = vector.shape_cast %get3A_372 : vector<1x1x16xf32> to vector<16xf32>
    %sub3A_374 = arith.subf %get3A_366, %get3A_373 : vector<16xf32>
    %mul3A_375 = arith.mulf %sub3A_374, %convert_element_type3A_147 : vector<16xf32>
    %abs3A_376 = math.absf %mul3A_375 : vector<16xf32>
    %lt3A_377 = arith.constant 1.000000e+00 : f32
    %lt3A_378 = vector.broadcast %lt3A_377 : f32 to vector<16xf32>
    %lt3A_379 = arith.cmpf olt, %abs3A_376, %lt3A_378 : vector<16xf32>
    %mul3A_380 = arith.constant 5.000000e-01 : f32
    %mul3A_381 = vector.broadcast %mul3A_380 : f32 to vector<16xf32>
    %mul3A_382 = arith.mulf %mul3A_381, %mul3A_375 : vector<16xf32>
    %mul3A_383 = arith.mulf %mul3A_382, %mul3A_375 : vector<16xf32>
    %sub3A_384 = arith.constant 5.000000e-01 : f32
    %sub3A_385 = vector.broadcast %sub3A_384 : f32 to vector<16xf32>
    %sub3A_386 = arith.subf %abs3A_376, %sub3A_385 : vector<16xf32>
    %select_n3A_387 = arith.select %lt3A_379, %mul3A_383, %sub3A_386 : vector<16xi1>, vector<16xf32>
    %add3A_388 = arith.addf %add3A_359, %select_n3A_387 : vector<16xf32>
    %get3A_389 = arith.constant 0 : i32
    %get3A_390 = arith.constant 0 : i32
    %get3A_391 = arith.index_cast %get3A_389 : i32 to index
    %get3A_392 = arith.index_cast %get3A_390 : i32 to index
    %get3A_393 = arith.constant 64 : index
    %get3A_394 = tpu.vector_load %arg7[%get3A_391, %get3A_392, %get3A_393] {strides = array<i32>} : memref<2x4x128xf32, #tpu.memory_space<vmem>>, vector<1x1x16xf32>,
    %get3A_395 = vector.shape_cast %get3A_394 : vector<1x1x16xf32> to vector<16xf32>
    %get3A_396 = arith.constant 0 : i32
    %get3A_397 = arith.constant 0 : i32
    %get3A_398 = arith.index_cast %get3A_396 : i32 to index
    %get3A_399 = arith.index_cast %get3A_397 : i32 to index
    %get3A_400 = arith.constant 64 : index
    %get3A_401 = tpu.vector_load %arg9[%get3A_398, %get3A_399, %get3A_400] {strides = array<i32>} : memref<2x4x128xf32, #tpu.memory_space<vmem>>, vector<1x1x16xf32>,
    %get3A_402 = vector.shape_cast %get3A_401 : vector<1x1x16xf32> to vector<16xf32>
    %sub3A_403 = arith.subf %get3A_395, %get3A_402 : vector<16xf32>
    %mul3A_404 = arith.mulf %sub3A_403, %convert_element_type3A_156 : vector<16xf32>
    %abs3A_405 = math.absf %mul3A_404 : vector<16xf32>
    %lt3A_406 = arith.constant 1.000000e+00 : f32
    %lt3A_407 = vector.broadcast %lt3A_406 : f32 to vector<16xf32>
    %lt3A_408 = arith.cmpf olt, %abs3A_405, %lt3A_407 : vector<16xf32>
    %mul3A_409 = arith.constant 5.000000e-01 : f32
    %mul3A_410 = vector.broadcast %mul3A_409 : f32 to vector<16xf32>
    %mul3A_411 = arith.mulf %mul3A_410, %mul3A_404 : vector<16xf32>
    %mul3A_412 = arith.mulf %mul3A_411, %mul3A_404 : vector<16xf32>
    %sub3A_413 = arith.constant 5.000000e-01 : f32
    %sub3A_414 = vector.broadcast %sub3A_413 : f32 to vector<16xf32>
    %sub3A_415 = arith.subf %abs3A_405, %sub3A_414 : vector<16xf32>
    %select_n3A_416 = arith.select %lt3A_408, %mul3A_412, %sub3A_415 : vector<16xi1>, vector<16xf32>
    %add3A_417 = arith.addf %add3A_388, %select_n3A_416 : vector<16xf32>
    %get3A_418 = arith.constant 0 : i32
    %get3A_419 = arith.constant 0 : i32
    %get3A_420 = arith.index_cast %get3A_418 : i32 to index
    %get3A_421 = arith.index_cast %get3A_419 : i32 to index
    %get3A_422 = arith.constant 80 : index
    %get3A_423 = tpu.vector_load %arg7[%get3A_420, %get3A_421, %get3A_422] {strides = array<i32>} : memref<2x4x128xf32, #tpu.memory_space<vmem>>, vector<1x1x16xf32>,
    %get3A_424 = vector.shape_cast %get3A_423 : vector<1x1x16xf32> to vector<16xf32>
    %get3A_425 = arith.constant 0 : i32
    %get3A_426 = arith.constant 0 : i32
    %get3A_427 = arith.index_cast %get3A_425 : i32 to index
    %get3A_428 = arith.index_cast %get3A_426 : i32 to index
    %get3A_429 = arith.constant 80 : index
    %get3A_430 = tpu.vector_load %arg9[%get3A_427, %get3A_428, %get3A_429] {strides = array<i32>} : memref<2x4x128xf32, #tpu.memory_space<vmem>>, vector<1x1x16xf32>,
    %get3A_431 = vector.shape_cast %get3A_430 : vector<1x1x16xf32> to vector<16xf32>
    %sub3A_432 = arith.subf %get3A_424, %get3A_431 : vector<16xf32>
    %mul3A_433 = arith.mulf %sub3A_432, %convert_element_type3A_165 : vector<16xf32>
    %abs3A_434 = math.absf %mul3A_433 : vector<16xf32>
    %lt3A_435 = arith.constant 1.000000e+00 : f32
    %lt3A_436 = vector.broadcast %lt3A_435 : f32 to vector<16xf32>
    %lt3A_437 = arith.cmpf olt, %abs3A_434, %lt3A_436 : vector<16xf32>
    %mul3A_438 = arith.constant 5.000000e-01 : f32
    %mul3A_439 = vector.broadcast %mul3A_438 : f32 to vector<16xf32>
    %mul3A_440 = arith.mulf %mul3A_439, %mul3A_433 : vector<16xf32>
    %mul3A_441 = arith.mulf %mul3A_440, %mul3A_433 : vector<16xf32>
    %sub3A_442 = arith.constant 5.000000e-01 : f32
    %sub3A_443 = vector.broadcast %sub3A_442 : f32 to vector<16xf32>
    %sub3A_444 = arith.subf %abs3A_434, %sub3A_443 : vector<16xf32>
    %select_n3A_445 = arith.select %lt3A_437, %mul3A_441, %sub3A_444 : vector<16xi1>, vector<16xf32>
    %add3A_446 = arith.addf %add3A_417, %select_n3A_445 : vector<16xf32>
    %get3A_447 = arith.constant 0 : i32
    %get3A_448 = arith.constant 0 : i32
    %get3A_449 = arith.index_cast %get3A_447 : i32 to index
    %get3A_450 = arith.index_cast %get3A_448 : i32 to index
    %get3A_451 = arith.constant 96 : index
    %get3A_452 = tpu.vector_load %arg7[%get3A_449, %get3A_450, %get3A_451] {strides = array<i32>} : memref<2x4x128xf32, #tpu.memory_space<vmem>>, vector<1x1x16xf32>,
    %get3A_453 = vector.shape_cast %get3A_452 : vector<1x1x16xf32> to vector<16xf32>
    %get3A_454 = arith.constant 0 : i32
    %get3A_455 = arith.constant 0 : i32
    %get3A_456 = arith.index_cast %get3A_454 : i32 to index
    %get3A_457 = arith.index_cast %get3A_455 : i32 to index
    %get3A_458 = arith.constant 96 : index
    %get3A_459 = tpu.vector_load %arg9[%get3A_456, %get3A_457, %get3A_458] {strides = array<i32>} : memref<2x4x128xf32, #tpu.memory_space<vmem>>, vector<1x1x16xf32>,
    %get3A_460 = vector.shape_cast %get3A_459 : vector<1x1x16xf32> to vector<16xf32>
    %sub3A_461 = arith.subf %get3A_453, %get3A_460 : vector<16xf32>
    %mul3A_462 = arith.mulf %sub3A_461, %convert_element_type3A_174 : vector<16xf32>
    %abs3A_463 = math.absf %mul3A_462 : vector<16xf32>
    %lt3A_464 = arith.constant 1.000000e+00 : f32
    %lt3A_465 = vector.broadcast %lt3A_464 : f32 to vector<16xf32>
    %lt3A_466 = arith.cmpf olt, %abs3A_463, %lt3A_465 : vector<16xf32>
    %mul3A_467 = arith.constant 5.000000e-01 : f32
    %mul3A_468 = vector.broadcast %mul3A_467 : f32 to vector<16xf32>
    %mul3A_469 = arith.mulf %mul3A_468, %mul3A_462 : vector<16xf32>
    %mul3A_470 = arith.mulf %mul3A_469, %mul3A_462 : vector<16xf32>
    %sub3A_471 = arith.constant 5.000000e-01 : f32
    %sub3A_472 = vector.broadcast %sub3A_471 : f32 to vector<16xf32>
    %sub3A_473 = arith.subf %abs3A_463, %sub3A_472 : vector<16xf32>
    %select_n3A_474 = arith.select %lt3A_466, %mul3A_470, %sub3A_473 : vector<16xi1>, vector<16xf32>
    %add3A_475 = arith.addf %add3A_446, %select_n3A_474 : vector<16xf32>
    %get3A_476 = arith.constant 0 : i32
    %get3A_477 = arith.constant 0 : i32
    %get3A_478 = arith.index_cast %get3A_476 : i32 to index
    %get3A_479 = arith.index_cast %get3A_477 : i32 to index
    %get3A_480 = arith.constant 112 : index
    %get3A_481 = tpu.vector_load %arg7[%get3A_478, %get3A_479, %get3A_480] {strides = array<i32>} : memref<2x4x128xf32, #tpu.memory_space<vmem>>, vector<1x1x16xf32>,
    %get3A_482 = vector.shape_cast %get3A_481 : vector<1x1x16xf32> to vector<16xf32>
    %get3A_483 = arith.constant 0 : i32
    %get3A_484 = arith.constant 0 : i32
    %get3A_485 = arith.index_cast %get3A_483 : i32 to index
    %get3A_486 = arith.index_cast %get3A_484 : i32 to index
    %get3A_487 = arith.constant 112 : index
    %get3A_488 = tpu.vector_load %arg9[%get3A_485, %get3A_486, %get3A_487] {strides = array<i32>} : memref<2x4x128xf32, #tpu.memory_space<vmem>>, vector<1x1x16xf32>,
    %get3A_489 = vector.shape_cast %get3A_488 : vector<1x1x16xf32> to vector<16xf32>
    %sub3A_490 = arith.subf %get3A_482, %get3A_489 : vector<16xf32>
    %mul3A_491 = arith.mulf %sub3A_490, %convert_element_type3A_183 : vector<16xf32>
    %abs3A_492 = math.absf %mul3A_491 : vector<16xf32>
    %lt3A_493 = arith.constant 1.000000e+00 : f32
    %lt3A_494 = vector.broadcast %lt3A_493 : f32 to vector<16xf32>
    %lt3A_495 = arith.cmpf olt, %abs3A_492, %lt3A_494 : vector<16xf32>
    %mul3A_496 = arith.constant 5.000000e-01 : f32
    %mul3A_497 = vector.broadcast %mul3A_496 : f32 to vector<16xf32>
    %mul3A_498 = arith.mulf %mul3A_497, %mul3A_491 : vector<16xf32>
    %mul3A_499 = arith.mulf %mul3A_498, %mul3A_491 : vector<16xf32>
    %sub3A_500 = arith.constant 5.000000e-01 : f32
    %sub3A_501 = vector.broadcast %sub3A_500 : f32 to vector<16xf32>
    %sub3A_502 = arith.subf %abs3A_492, %sub3A_501 : vector<16xf32>
    %select_n3A_503 = arith.select %lt3A_495, %mul3A_499, %sub3A_502 : vector<16xi1>, vector<16xf32>
    %add3A_504 = arith.addf %add3A_475, %select_n3A_503 : vector<16xf32>
    %dma_wait3A_505 = arith.constant 0 : i32
    %dma_wait3A_506 = arith.constant 1 : i32
    %dma_wait3A_507 = arith.constant 0 : i32
    %dma_wait3A_508 = arith.constant 1 : i32
    %dma_wait3A_509 = arith.constant 0 : i32
    %dma_wait3A_510 = tpu.memref_slice %arg7[%dma_wait3A_507, %dma_wait3A_508, %dma_wait3A_509] : memref<2x4x128xf32, #tpu.memory_space<vmem>> -> memref<1x1x128xf32, #tpu.memory_space<vmem>>
    %dma_wait3A_511 = tpu.memref_squeeze %dma_wait3A_510 : memref<1x1x128xf32, #tpu.memory_space<vmem>> -> memref<128xf32, #tpu.memory_space<vmem>>
    %dma_wait3A_512 = arith.constant 0 : i32
    %dma_wait3A_513 = tpu.memref_slice %arg6[%dma_wait3A_505, %dma_wait3A_506, %dma_wait3A_512] : memref<2x5x128xi32, #tpu.memory_space<vmem>> -> memref<1x1x128xi32, #tpu.memory_space<vmem>>
    %dma_wait3A_514 = tpu.memref_squeeze %dma_wait3A_513 : memref<1x1x128xi32, #tpu.memory_space<vmem>> -> memref<128xi32, #tpu.memory_space<vmem>>
    %dma_wait3A_515 = arith.constant 0 : i32
    %dma_wait3A_516 = tpu.memref_slice %arg2[%dma_wait3A_515] : memref<2097152xf32, #tpu.memory_space<hbm>> -> memref<2097152xf32, #tpu.memory_space<hbm>>
    tpu.wait_indirect_dma semaphore(%arg13 : memref<!tpu.dma_semaphore, #tpu.memory_space<semaphore_mem>>) src(%dma_wait3A_516 : memref<2097152xf32, #tpu.memory_space<hbm>>) dst(%dma_wait3A_511 : memref<128xf32, #tpu.memory_space<vmem>>)
    %get3A_517 = arith.constant 0 : i32
    %get3A_518 = arith.constant 1 : i32
    %get3A_519 = arith.index_cast %get3A_517 : i32 to index
    %get3A_520 = arith.index_cast %get3A_518 : i32 to index
    %get3A_521 = arith.constant 0 : index
    %get3A_522 = tpu.vector_load %arg7[%get3A_519, %get3A_520, %get3A_521] {strides = array<i32>} : memref<2x4x128xf32, #tpu.memory_space<vmem>>, vector<1x1x16xf32>,
    %get3A_523 = vector.shape_cast %get3A_522 : vector<1x1x16xf32> to vector<16xf32>
    %get3A_524 = arith.constant 0 : i32
    %get3A_525 = arith.constant 1 : i32
    %get3A_526 = arith.index_cast %get3A_524 : i32 to index
    %get3A_527 = arith.index_cast %get3A_525 : i32 to index
    %get3A_528 = arith.constant 0 : index
    %get3A_529 = tpu.vector_load %arg9[%get3A_526, %get3A_527, %get3A_528] {strides = array<i32>} : memref<2x4x128xf32, #tpu.memory_space<vmem>>, vector<1x1x16xf32>,
    %get3A_530 = vector.shape_cast %get3A_529 : vector<1x1x16xf32> to vector<16xf32>
    %sub3A_531 = arith.subf %get3A_523, %get3A_530 : vector<16xf32>
    %mul3A_532 = arith.mulf %sub3A_531, %convert_element_type3A : vector<16xf32>
    %abs3A_533 = math.absf %mul3A_532 : vector<16xf32>
    %lt3A_534 = arith.constant 1.000000e+00 : f32
    %lt3A_535 = vector.broadcast %lt3A_534 : f32 to vector<16xf32>
    %lt3A_536 = arith.cmpf olt, %abs3A_533, %lt3A_535 : vector<16xf32>
    %mul3A_537 = arith.constant 5.000000e-01 : f32
    %mul3A_538 = vector.broadcast %mul3A_537 : f32 to vector<16xf32>
    %mul3A_539 = arith.mulf %mul3A_538, %mul3A_532 : vector<16xf32>
    %mul3A_540 = arith.mulf %mul3A_539, %mul3A_532 : vector<16xf32>
    %sub3A_541 = arith.constant 5.000000e-01 : f32
    %sub3A_542 = vector.broadcast %sub3A_541 : f32 to vector<16xf32>
    %sub3A_543 = arith.subf %abs3A_533, %sub3A_542 : vector<16xf32>
    %select_n3A_544 = arith.select %lt3A_536, %mul3A_540, %sub3A_543 : vector<16xi1>, vector<16xf32>
    %add3A_545 = arith.addf %add3A_504, %select_n3A_544 : vector<16xf32>
    %get3A_546 = arith.constant 0 : i32
    %get3A_547 = arith.constant 1 : i32
    %get3A_548 = arith.index_cast %get3A_546 : i32 to index
    %get3A_549 = arith.index_cast %get3A_547 : i32 to index
    %get3A_550 = arith.constant 16 : index
    %get3A_551 = tpu.vector_load %arg7[%get3A_548, %get3A_549, %get3A_550] {strides = array<i32>} : memref<2x4x128xf32, #tpu.memory_space<vmem>>, vector<1x1x16xf32>,
    %get3A_552 = vector.shape_cast %get3A_551 : vector<1x1x16xf32> to vector<16xf32>
    %get3A_553 = arith.constant 0 : i32
    %get3A_554 = arith.constant 1 : i32
    %get3A_555 = arith.index_cast %get3A_553 : i32 to index
    %get3A_556 = arith.index_cast %get3A_554 : i32 to index
    %get3A_557 = arith.constant 16 : index
    %get3A_558 = tpu.vector_load %arg9[%get3A_555, %get3A_556, %get3A_557] {strides = array<i32>} : memref<2x4x128xf32, #tpu.memory_space<vmem>>, vector<1x1x16xf32>,
    %get3A_559 = vector.shape_cast %get3A_558 : vector<1x1x16xf32> to vector<16xf32>
    %sub3A_560 = arith.subf %get3A_552, %get3A_559 : vector<16xf32>
    %mul3A_561 = arith.mulf %sub3A_560, %convert_element_type3A_129 : vector<16xf32>
    %abs3A_562 = math.absf %mul3A_561 : vector<16xf32>
    %lt3A_563 = arith.constant 1.000000e+00 : f32
    %lt3A_564 = vector.broadcast %lt3A_563 : f32 to vector<16xf32>
    %lt3A_565 = arith.cmpf olt, %abs3A_562, %lt3A_564 : vector<16xf32>
    %mul3A_566 = arith.constant 5.000000e-01 : f32
    %mul3A_567 = vector.broadcast %mul3A_566 : f32 to vector<16xf32>
    %mul3A_568 = arith.mulf %mul3A_567, %mul3A_561 : vector<16xf32>
    %mul3A_569 = arith.mulf %mul3A_568, %mul3A_561 : vector<16xf32>
    %sub3A_570 = arith.constant 5.000000e-01 : f32
    %sub3A_571 = vector.broadcast %sub3A_570 : f32 to vector<16xf32>
    %sub3A_572 = arith.subf %abs3A_562, %sub3A_571 : vector<16xf32>
    %select_n3A_573 = arith.select %lt3A_565, %mul3A_569, %sub3A_572 : vector<16xi1>, vector<16xf32>
    %add3A_574 = arith.addf %add3A_545, %select_n3A_573 : vector<16xf32>
    %get3A_575 = arith.constant 0 : i32
    %get3A_576 = arith.constant 1 : i32
    %get3A_577 = arith.index_cast %get3A_575 : i32 to index
    %get3A_578 = arith.index_cast %get3A_576 : i32 to index
    %get3A_579 = arith.constant 32 : index
    %get3A_580 = tpu.vector_load %arg7[%get3A_577, %get3A_578, %get3A_579] {strides = array<i32>} : memref<2x4x128xf32, #tpu.memory_space<vmem>>, vector<1x1x16xf32>,
    %get3A_581 = vector.shape_cast %get3A_580 : vector<1x1x16xf32> to vector<16xf32>
    %get3A_582 = arith.constant 0 : i32
    %get3A_583 = arith.constant 1 : i32
    %get3A_584 = arith.index_cast %get3A_582 : i32 to index
    %get3A_585 = arith.index_cast %get3A_583 : i32 to index
    %get3A_586 = arith.constant 32 : index
    %get3A_587 = tpu.vector_load %arg9[%get3A_584, %get3A_585, %get3A_586] {strides = array<i32>} : memref<2x4x128xf32, #tpu.memory_space<vmem>>, vector<1x1x16xf32>,
    %get3A_588 = vector.shape_cast %get3A_587 : vector<1x1x16xf32> to vector<16xf32>
    %sub3A_589 = arith.subf %get3A_581, %get3A_588 : vector<16xf32>
    %mul3A_590 = arith.mulf %sub3A_589, %convert_element_type3A_138 : vector<16xf32>
    %abs3A_591 = math.absf %mul3A_590 : vector<16xf32>
    %lt3A_592 = arith.constant 1.000000e+00 : f32
    %lt3A_593 = vector.broadcast %lt3A_592 : f32 to vector<16xf32>
    %lt3A_594 = arith.cmpf olt, %abs3A_591, %lt3A_593 : vector<16xf32>
    %mul3A_595 = arith.constant 5.000000e-01 : f32
    %mul3A_596 = vector.broadcast %mul3A_595 : f32 to vector<16xf32>
    %mul3A_597 = arith.mulf %mul3A_596, %mul3A_590 : vector<16xf32>
    %mul3A_598 = arith.mulf %mul3A_597, %mul3A_590 : vector<16xf32>
    %sub3A_599 = arith.constant 5.000000e-01 : f32
    %sub3A_600 = vector.broadcast %sub3A_599 : f32 to vector<16xf32>
    %sub3A_601 = arith.subf %abs3A_591, %sub3A_600 : vector<16xf32>
    %select_n3A_602 = arith.select %lt3A_594, %mul3A_598, %sub3A_601 : vector<16xi1>, vector<16xf32>
    %add3A_603 = arith.addf %add3A_574, %select_n3A_602 : vector<16xf32>
    %get3A_604 = arith.constant 0 : i32
    %get3A_605 = arith.constant 1 : i32
    %get3A_606 = arith.index_cast %get3A_604 : i32 to index
    %get3A_607 = arith.index_cast %get3A_605 : i32 to index
    %get3A_608 = arith.constant 48 : index
    %get3A_609 = tpu.vector_load %arg7[%get3A_606, %get3A_607, %get3A_608] {strides = array<i32>} : memref<2x4x128xf32, #tpu.memory_space<vmem>>, vector<1x1x16xf32>,
    %get3A_610 = vector.shape_cast %get3A_609 : vector<1x1x16xf32> to vector<16xf32>
    %get3A_611 = arith.constant 0 : i32
    %get3A_612 = arith.constant 1 : i32
    %get3A_613 = arith.index_cast %get3A_611 : i32 to index
    %get3A_614 = arith.index_cast %get3A_612 : i32 to index
    %get3A_615 = arith.constant 48 : index
    %get3A_616 = tpu.vector_load %arg9[%get3A_613, %get3A_614, %get3A_615] {strides = array<i32>} : memref<2x4x128xf32, #tpu.memory_space<vmem>>, vector<1x1x16xf32>,
    %get3A_617 = vector.shape_cast %get3A_616 : vector<1x1x16xf32> to vector<16xf32>
    %sub3A_618 = arith.subf %get3A_610, %get3A_617 : vector<16xf32>
    %mul3A_619 = arith.mulf %sub3A_618, %convert_element_type3A_147 : vector<16xf32>
    %abs3A_620 = math.absf %mul3A_619 : vector<16xf32>
    %lt3A_621 = arith.constant 1.000000e+00 : f32
    %lt3A_622 = vector.broadcast %lt3A_621 : f32 to vector<16xf32>
    %lt3A_623 = arith.cmpf olt, %abs3A_620, %lt3A_622 : vector<16xf32>
    %mul3A_624 = arith.constant 5.000000e-01 : f32
    %mul3A_625 = vector.broadcast %mul3A_624 : f32 to vector<16xf32>
    %mul3A_626 = arith.mulf %mul3A_625, %mul3A_619 : vector<16xf32>
    %mul3A_627 = arith.mulf %mul3A_626, %mul3A_619 : vector<16xf32>
    %sub3A_628 = arith.constant 5.000000e-01 : f32
    %sub3A_629 = vector.broadcast %sub3A_628 : f32 to vector<16xf32>
    %sub3A_630 = arith.subf %abs3A_620, %sub3A_629 : vector<16xf32>
    %select_n3A_631 = arith.select %lt3A_623, %mul3A_627, %sub3A_630 : vector<16xi1>, vector<16xf32>
    %add3A_632 = arith.addf %add3A_603, %select_n3A_631 : vector<16xf32>
    %get3A_633 = arith.constant 0 : i32
    %get3A_634 = arith.constant 1 : i32
    %get3A_635 = arith.index_cast %get3A_633 : i32 to index
    %get3A_636 = arith.index_cast %get3A_634 : i32 to index
    %get3A_637 = arith.constant 64 : index
    %get3A_638 = tpu.vector_load %arg7[%get3A_635, %get3A_636, %get3A_637] {strides = array<i32>} : memref<2x4x128xf32, #tpu.memory_space<vmem>>, vector<1x1x16xf32>,
    %get3A_639 = vector.shape_cast %get3A_638 : vector<1x1x16xf32> to vector<16xf32>
    %get3A_640 = arith.constant 0 : i32
    %get3A_641 = arith.constant 1 : i32
    %get3A_642 = arith.index_cast %get3A_640 : i32 to index
    %get3A_643 = arith.index_cast %get3A_641 : i32 to index
    %get3A_644 = arith.constant 64 : index
    %get3A_645 = tpu.vector_load %arg9[%get3A_642, %get3A_643, %get3A_644] {strides = array<i32>} : memref<2x4x128xf32, #tpu.memory_space<vmem>>, vector<1x1x16xf32>,
    %get3A_646 = vector.shape_cast %get3A_645 : vector<1x1x16xf32> to vector<16xf32>
    %sub3A_647 = arith.subf %get3A_639, %get3A_646 : vector<16xf32>
    %mul3A_648 = arith.mulf %sub3A_647, %convert_element_type3A_156 : vector<16xf32>
    %abs3A_649 = math.absf %mul3A_648 : vector<16xf32>
    %lt3A_650 = arith.constant 1.000000e+00 : f32
    %lt3A_651 = vector.broadcast %lt3A_650 : f32 to vector<16xf32>
    %lt3A_652 = arith.cmpf olt, %abs3A_649, %lt3A_651 : vector<16xf32>
    %mul3A_653 = arith.constant 5.000000e-01 : f32
    %mul3A_654 = vector.broadcast %mul3A_653 : f32 to vector<16xf32>
    %mul3A_655 = arith.mulf %mul3A_654, %mul3A_648 : vector<16xf32>
    %mul3A_656 = arith.mulf %mul3A_655, %mul3A_648 : vector<16xf32>
    %sub3A_657 = arith.constant 5.000000e-01 : f32
    %sub3A_658 = vector.broadcast %sub3A_657 : f32 to vector<16xf32>
    %sub3A_659 = arith.subf %abs3A_649, %sub3A_658 : vector<16xf32>
    %select_n3A_660 = arith.select %lt3A_652, %mul3A_656, %sub3A_659 : vector<16xi1>, vector<16xf32>
    %add3A_661 = arith.addf %add3A_632, %select_n3A_660 : vector<16xf32>
    %get3A_662 = arith.constant 0 : i32
    %get3A_663 = arith.constant 1 : i32
    %get3A_664 = arith.index_cast %get3A_662 : i32 to index
    %get3A_665 = arith.index_cast %get3A_663 : i32 to index
    %get3A_666 = arith.constant 80 : index
    %get3A_667 = tpu.vector_load %arg7[%get3A_664, %get3A_665, %get3A_666] {strides = array<i32>} : memref<2x4x128xf32, #tpu.memory_space<vmem>>, vector<1x1x16xf32>,
    %get3A_668 = vector.shape_cast %get3A_667 : vector<1x1x16xf32> to vector<16xf32>
    %get3A_669 = arith.constant 0 : i32
    %get3A_670 = arith.constant 1 : i32
    %get3A_671 = arith.index_cast %get3A_669 : i32 to index
    %get3A_672 = arith.index_cast %get3A_670 : i32 to index
    %get3A_673 = arith.constant 80 : index
    %get3A_674 = tpu.vector_load %arg9[%get3A_671, %get3A_672, %get3A_673] {strides = array<i32>} : memref<2x4x128xf32, #tpu.memory_space<vmem>>, vector<1x1x16xf32>,
    %get3A_675 = vector.shape_cast %get3A_674 : vector<1x1x16xf32> to vector<16xf32>
    %sub3A_676 = arith.subf %get3A_668, %get3A_675 : vector<16xf32>
    %mul3A_677 = arith.mulf %sub3A_676, %convert_element_type3A_165 : vector<16xf32>
    %abs3A_678 = math.absf %mul3A_677 : vector<16xf32>
    %lt3A_679 = arith.constant 1.000000e+00 : f32
    %lt3A_680 = vector.broadcast %lt3A_679 : f32 to vector<16xf32>
    %lt3A_681 = arith.cmpf olt, %abs3A_678, %lt3A_680 : vector<16xf32>
    %mul3A_682 = arith.constant 5.000000e-01 : f32
    %mul3A_683 = vector.broadcast %mul3A_682 : f32 to vector<16xf32>
    %mul3A_684 = arith.mulf %mul3A_683, %mul3A_677 : vector<16xf32>
    %mul3A_685 = arith.mulf %mul3A_684, %mul3A_677 : vector<16xf32>
    %sub3A_686 = arith.constant 5.000000e-01 : f32
    %sub3A_687 = vector.broadcast %sub3A_686 : f32 to vector<16xf32>
    %sub3A_688 = arith.subf %abs3A_678, %sub3A_687 : vector<16xf32>
    %select_n3A_689 = arith.select %lt3A_681, %mul3A_685, %sub3A_688 : vector<16xi1>, vector<16xf32>
    %add3A_690 = arith.addf %add3A_661, %select_n3A_689 : vector<16xf32>
    %get3A_691 = arith.constant 0 : i32
    %get3A_692 = arith.constant 1 : i32
    %get3A_693 = arith.index_cast %get3A_691 : i32 to index
    %get3A_694 = arith.index_cast %get3A_692 : i32 to index
    %get3A_695 = arith.constant 96 : index
    %get3A_696 = tpu.vector_load %arg7[%get3A_693, %get3A_694, %get3A_695] {strides = array<i32>} : memref<2x4x128xf32, #tpu.memory_space<vmem>>, vector<1x1x16xf32>,
    %get3A_697 = vector.shape_cast %get3A_696 : vector<1x1x16xf32> to vector<16xf32>
    %get3A_698 = arith.constant 0 : i32
    %get3A_699 = arith.constant 1 : i32
    %get3A_700 = arith.index_cast %get3A_698 : i32 to index
    %get3A_701 = arith.index_cast %get3A_699 : i32 to index
    %get3A_702 = arith.constant 96 : index
    %get3A_703 = tpu.vector_load %arg9[%get3A_700, %get3A_701, %get3A_702] {strides = array<i32>} : memref<2x4x128xf32, #tpu.memory_space<vmem>>, vector<1x1x16xf32>,
    %get3A_704 = vector.shape_cast %get3A_703 : vector<1x1x16xf32> to vector<16xf32>
    %sub3A_705 = arith.subf %get3A_697, %get3A_704 : vector<16xf32>
    %mul3A_706 = arith.mulf %sub3A_705, %convert_element_type3A_174 : vector<16xf32>
    %abs3A_707 = math.absf %mul3A_706 : vector<16xf32>
    %lt3A_708 = arith.constant 1.000000e+00 : f32
    %lt3A_709 = vector.broadcast %lt3A_708 : f32 to vector<16xf32>
    %lt3A_710 = arith.cmpf olt, %abs3A_707, %lt3A_709 : vector<16xf32>
    %mul3A_711 = arith.constant 5.000000e-01 : f32
    %mul3A_712 = vector.broadcast %mul3A_711 : f32 to vector<16xf32>
    %mul3A_713 = arith.mulf %mul3A_712, %mul3A_706 : vector<16xf32>
    %mul3A_714 = arith.mulf %mul3A_713, %mul3A_706 : vector<16xf32>
    %sub3A_715 = arith.constant 5.000000e-01 : f32
    %sub3A_716 = vector.broadcast %sub3A_715 : f32 to vector<16xf32>
    %sub3A_717 = arith.subf %abs3A_707, %sub3A_716 : vector<16xf32>
    %select_n3A_718 = arith.select %lt3A_710, %mul3A_714, %sub3A_717 : vector<16xi1>, vector<16xf32>
    %add3A_719 = arith.addf %add3A_690, %select_n3A_718 : vector<16xf32>
    %get3A_720 = arith.constant 0 : i32
    %get3A_721 = arith.constant 1 : i32
    %get3A_722 = arith.index_cast %get3A_720 : i32 to index
    %get3A_723 = arith.index_cast %get3A_721 : i32 to index
    %get3A_724 = arith.constant 112 : index
    %get3A_725 = tpu.vector_load %arg7[%get3A_722, %get3A_723, %get3A_724] {strides = array<i32>} : memref<2x4x128xf32, #tpu.memory_space<vmem>>, vector<1x1x16xf32>,
    %get3A_726 = vector.shape_cast %get3A_725 : vector<1x1x16xf32> to vector<16xf32>
    %get3A_727 = arith.constant 0 : i32
    %get3A_728 = arith.constant 1 : i32
    %get3A_729 = arith.index_cast %get3A_727 : i32 to index
    %get3A_730 = arith.index_cast %get3A_728 : i32 to index
    %get3A_731 = arith.constant 112 : index
    %get3A_732 = tpu.vector_load %arg9[%get3A_729, %get3A_730, %get3A_731] {strides = array<i32>} : memref<2x4x128xf32, #tpu.memory_space<vmem>>, vector<1x1x16xf32>,
    %get3A_733 = vector.shape_cast %get3A_732 : vector<1x1x16xf32> to vector<16xf32>
    %sub3A_734 = arith.subf %get3A_726, %get3A_733 : vector<16xf32>
    %mul3A_735 = arith.mulf %sub3A_734, %convert_element_type3A_183 : vector<16xf32>
    %abs3A_736 = math.absf %mul3A_735 : vector<16xf32>
    %lt3A_737 = arith.constant 1.000000e+00 : f32
    %lt3A_738 = vector.broadcast %lt3A_737 : f32 to vector<16xf32>
    %lt3A_739 = arith.cmpf olt, %abs3A_736, %lt3A_738 : vector<16xf32>
    %mul3A_740 = arith.constant 5.000000e-01 : f32
    %mul3A_741 = vector.broadcast %mul3A_740 : f32 to vector<16xf32>
    %mul3A_742 = arith.mulf %mul3A_741, %mul3A_735 : vector<16xf32>
    %mul3A_743 = arith.mulf %mul3A_742, %mul3A_735 : vector<16xf32>
    %sub3A_744 = arith.constant 5.000000e-01 : f32
    %sub3A_745 = vector.broadcast %sub3A_744 : f32 to vector<16xf32>
    %sub3A_746 = arith.subf %abs3A_736, %sub3A_745 : vector<16xf32>
    %select_n3A_747 = arith.select %lt3A_739, %mul3A_743, %sub3A_746 : vector<16xi1>, vector<16xf32>
    %add3A_748 = arith.addf %add3A_719, %select_n3A_747 : vector<16xf32>
    %dma_wait3A_749 = arith.constant 0 : i32
    %dma_wait3A_750 = arith.constant 2 : i32
    %dma_wait3A_751 = arith.constant 0 : i32
    %dma_wait3A_752 = arith.constant 2 : i32
    %dma_wait3A_753 = arith.constant 0 : i32
    %dma_wait3A_754 = tpu.memref_slice %arg7[%dma_wait3A_751, %dma_wait3A_752, %dma_wait3A_753] : memref<2x4x128xf32, #tpu.memory_space<vmem>> -> memref<1x1x128xf32, #tpu.memory_space<vmem>>
    %dma_wait3A_755 = tpu.memref_squeeze %dma_wait3A_754 : memref<1x1x128xf32, #tpu.memory_space<vmem>> -> memref<128xf32, #tpu.memory_space<vmem>>
    %dma_wait3A_756 = arith.constant 0 : i32
    %dma_wait3A_757 = tpu.memref_slice %arg6[%dma_wait3A_749, %dma_wait3A_750, %dma_wait3A_756] : memref<2x5x128xi32, #tpu.memory_space<vmem>> -> memref<1x1x128xi32, #tpu.memory_space<vmem>>
    %dma_wait3A_758 = tpu.memref_squeeze %dma_wait3A_757 : memref<1x1x128xi32, #tpu.memory_space<vmem>> -> memref<128xi32, #tpu.memory_space<vmem>>
    %dma_wait3A_759 = arith.constant 0 : i32
    %dma_wait3A_760 = tpu.memref_slice %arg2[%dma_wait3A_759] : memref<2097152xf32, #tpu.memory_space<hbm>> -> memref<2097152xf32, #tpu.memory_space<hbm>>
    tpu.wait_indirect_dma semaphore(%arg14 : memref<!tpu.dma_semaphore, #tpu.memory_space<semaphore_mem>>) src(%dma_wait3A_760 : memref<2097152xf32, #tpu.memory_space<hbm>>) dst(%dma_wait3A_755 : memref<128xf32, #tpu.memory_space<vmem>>)
    %get3A_761 = arith.constant 0 : i32
    %get3A_762 = arith.constant 2 : i32
    %get3A_763 = arith.index_cast %get3A_761 : i32 to index
    %get3A_764 = arith.index_cast %get3A_762 : i32 to index
    %get3A_765 = arith.constant 0 : index
    %get3A_766 = tpu.vector_load %arg7[%get3A_763, %get3A_764, %get3A_765] {strides = array<i32>} : memref<2x4x128xf32, #tpu.memory_space<vmem>>, vector<1x1x16xf32>,
    %get3A_767 = vector.shape_cast %get3A_766 : vector<1x1x16xf32> to vector<16xf32>
    %get3A_768 = arith.constant 0 : i32
    %get3A_769 = arith.constant 2 : i32
    %get3A_770 = arith.index_cast %get3A_768 : i32 to index
    %get3A_771 = arith.index_cast %get3A_769 : i32 to index
    %get3A_772 = arith.constant 0 : index
    %get3A_773 = tpu.vector_load %arg9[%get3A_770, %get3A_771, %get3A_772] {strides = array<i32>} : memref<2x4x128xf32, #tpu.memory_space<vmem>>, vector<1x1x16xf32>,
    %get3A_774 = vector.shape_cast %get3A_773 : vector<1x1x16xf32> to vector<16xf32>
    %sub3A_775 = arith.subf %get3A_767, %get3A_774 : vector<16xf32>
    %mul3A_776 = arith.mulf %sub3A_775, %convert_element_type3A : vector<16xf32>
    %abs3A_777 = math.absf %mul3A_776 : vector<16xf32>
    %lt3A_778 = arith.constant 1.000000e+00 : f32
    %lt3A_779 = vector.broadcast %lt3A_778 : f32 to vector<16xf32>
    %lt3A_780 = arith.cmpf olt, %abs3A_777, %lt3A_779 : vector<16xf32>
    %mul3A_781 = arith.constant 5.000000e-01 : f32
    %mul3A_782 = vector.broadcast %mul3A_781 : f32 to vector<16xf32>
    %mul3A_783 = arith.mulf %mul3A_782, %mul3A_776 : vector<16xf32>
    %mul3A_784 = arith.mulf %mul3A_783, %mul3A_776 : vector<16xf32>
    %sub3A_785 = arith.constant 5.000000e-01 : f32
    %sub3A_786 = vector.broadcast %sub3A_785 : f32 to vector<16xf32>
    %sub3A_787 = arith.subf %abs3A_777, %sub3A_786 : vector<16xf32>
    %select_n3A_788 = arith.select %lt3A_780, %mul3A_784, %sub3A_787 : vector<16xi1>, vector<16xf32>
    %add3A_789 = arith.addf %add3A_748, %select_n3A_788 : vector<16xf32>
    %get3A_790 = arith.constant 0 : i32
    %get3A_791 = arith.constant 2 : i32
    %get3A_792 = arith.index_cast %get3A_790 : i32 to index
    %get3A_793 = arith.index_cast %get3A_791 : i32 to index
    %get3A_794 = arith.constant 16 : index
    %get3A_795 = tpu.vector_load %arg7[%get3A_792, %get3A_793, %get3A_794] {strides = array<i32>} : memref<2x4x128xf32, #tpu.memory_space<vmem>>, vector<1x1x16xf32>,
    %get3A_796 = vector.shape_cast %get3A_795 : vector<1x1x16xf32> to vector<16xf32>
    %get3A_797 = arith.constant 0 : i32
    %get3A_798 = arith.constant 2 : i32
    %get3A_799 = arith.index_cast %get3A_797 : i32 to index
    %get3A_800 = arith.index_cast %get3A_798 : i32 to index
    %get3A_801 = arith.constant 16 : index
    %get3A_802 = tpu.vector_load %arg9[%get3A_799, %get3A_800, %get3A_801] {strides = array<i32>} : memref<2x4x128xf32, #tpu.memory_space<vmem>>, vector<1x1x16xf32>,
    %get3A_803 = vector.shape_cast %get3A_802 : vector<1x1x16xf32> to vector<16xf32>
    %sub3A_804 = arith.subf %get3A_796, %get3A_803 : vector<16xf32>
    %mul3A_805 = arith.mulf %sub3A_804, %convert_element_type3A_129 : vector<16xf32>
    %abs3A_806 = math.absf %mul3A_805 : vector<16xf32>
    %lt3A_807 = arith.constant 1.000000e+00 : f32
    %lt3A_808 = vector.broadcast %lt3A_807 : f32 to vector<16xf32>
    %lt3A_809 = arith.cmpf olt, %abs3A_806, %lt3A_808 : vector<16xf32>
    %mul3A_810 = arith.constant 5.000000e-01 : f32
    %mul3A_811 = vector.broadcast %mul3A_810 : f32 to vector<16xf32>
    %mul3A_812 = arith.mulf %mul3A_811, %mul3A_805 : vector<16xf32>
    %mul3A_813 = arith.mulf %mul3A_812, %mul3A_805 : vector<16xf32>
    %sub3A_814 = arith.constant 5.000000e-01 : f32
    %sub3A_815 = vector.broadcast %sub3A_814 : f32 to vector<16xf32>
    %sub3A_816 = arith.subf %abs3A_806, %sub3A_815 : vector<16xf32>
    %select_n3A_817 = arith.select %lt3A_809, %mul3A_813, %sub3A_816 : vector<16xi1>, vector<16xf32>
    %add3A_818 = arith.addf %add3A_789, %select_n3A_817 : vector<16xf32>
    %get3A_819 = arith.constant 0 : i32
    %get3A_820 = arith.constant 2 : i32
    %get3A_821 = arith.index_cast %get3A_819 : i32 to index
    %get3A_822 = arith.index_cast %get3A_820 : i32 to index
    %get3A_823 = arith.constant 32 : index
    %get3A_824 = tpu.vector_load %arg7[%get3A_821, %get3A_822, %get3A_823] {strides = array<i32>} : memref<2x4x128xf32, #tpu.memory_space<vmem>>, vector<1x1x16xf32>,
    %get3A_825 = vector.shape_cast %get3A_824 : vector<1x1x16xf32> to vector<16xf32>
    %get3A_826 = arith.constant 0 : i32
    %get3A_827 = arith.constant 2 : i32
    %get3A_828 = arith.index_cast %get3A_826 : i32 to index
    %get3A_829 = arith.index_cast %get3A_827 : i32 to index
    %get3A_830 = arith.constant 32 : index
    %get3A_831 = tpu.vector_load %arg9[%get3A_828, %get3A_829, %get3A_830] {strides = array<i32>} : memref<2x4x128xf32, #tpu.memory_space<vmem>>, vector<1x1x16xf32>,
    %get3A_832 = vector.shape_cast %get3A_831 : vector<1x1x16xf32> to vector<16xf32>
    %sub3A_833 = arith.subf %get3A_825, %get3A_832 : vector<16xf32>
    %mul3A_834 = arith.mulf %sub3A_833, %convert_element_type3A_138 : vector<16xf32>
    %abs3A_835 = math.absf %mul3A_834 : vector<16xf32>
    %lt3A_836 = arith.constant 1.000000e+00 : f32
    %lt3A_837 = vector.broadcast %lt3A_836 : f32 to vector<16xf32>
    %lt3A_838 = arith.cmpf olt, %abs3A_835, %lt3A_837 : vector<16xf32>
    %mul3A_839 = arith.constant 5.000000e-01 : f32
    %mul3A_840 = vector.broadcast %mul3A_839 : f32 to vector<16xf32>
    %mul3A_841 = arith.mulf %mul3A_840, %mul3A_834 : vector<16xf32>
    %mul3A_842 = arith.mulf %mul3A_841, %mul3A_834 : vector<16xf32>
    %sub3A_843 = arith.constant 5.000000e-01 : f32
    %sub3A_844 = vector.broadcast %sub3A_843 : f32 to vector<16xf32>
    %sub3A_845 = arith.subf %abs3A_835, %sub3A_844 : vector<16xf32>
    %select_n3A_846 = arith.select %lt3A_838, %mul3A_842, %sub3A_845 : vector<16xi1>, vector<16xf32>
    %add3A_847 = arith.addf %add3A_818, %select_n3A_846 : vector<16xf32>
    %get3A_848 = arith.constant 0 : i32
    %get3A_849 = arith.constant 2 : i32
    %get3A_850 = arith.index_cast %get3A_848 : i32 to index
    %get3A_851 = arith.index_cast %get3A_849 : i32 to index
    %get3A_852 = arith.constant 48 : index
    %get3A_853 = tpu.vector_load %arg7[%get3A_850, %get3A_851, %get3A_852] {strides = array<i32>} : memref<2x4x128xf32, #tpu.memory_space<vmem>>, vector<1x1x16xf32>,
    %get3A_854 = vector.shape_cast %get3A_853 : vector<1x1x16xf32> to vector<16xf32>
    %get3A_855 = arith.constant 0 : i32
    %get3A_856 = arith.constant 2 : i32
    %get3A_857 = arith.index_cast %get3A_855 : i32 to index
    %get3A_858 = arith.index_cast %get3A_856 : i32 to index
    %get3A_859 = arith.constant 48 : index
    %get3A_860 = tpu.vector_load %arg9[%get3A_857, %get3A_858, %get3A_859] {strides = array<i32>} : memref<2x4x128xf32, #tpu.memory_space<vmem>>, vector<1x1x16xf32>,
    %get3A_861 = vector.shape_cast %get3A_860 : vector<1x1x16xf32> to vector<16xf32>
    %sub3A_862 = arith.subf %get3A_854, %get3A_861 : vector<16xf32>
    %mul3A_863 = arith.mulf %sub3A_862, %convert_element_type3A_147 : vector<16xf32>
    %abs3A_864 = math.absf %mul3A_863 : vector<16xf32>
    %lt3A_865 = arith.constant 1.000000e+00 : f32
    %lt3A_866 = vector.broadcast %lt3A_865 : f32 to vector<16xf32>
    %lt3A_867 = arith.cmpf olt, %abs3A_864, %lt3A_866 : vector<16xf32>
    %mul3A_868 = arith.constant 5.000000e-01 : f32
    %mul3A_869 = vector.broadcast %mul3A_868 : f32 to vector<16xf32>
    %mul3A_870 = arith.mulf %mul3A_869, %mul3A_863 : vector<16xf32>
    %mul3A_871 = arith.mulf %mul3A_870, %mul3A_863 : vector<16xf32>
    %sub3A_872 = arith.constant 5.000000e-01 : f32
    %sub3A_873 = vector.broadcast %sub3A_872 : f32 to vector<16xf32>
    %sub3A_874 = arith.subf %abs3A_864, %sub3A_873 : vector<16xf32>
    %select_n3A_875 = arith.select %lt3A_867, %mul3A_871, %sub3A_874 : vector<16xi1>, vector<16xf32>
    %add3A_876 = arith.addf %add3A_847, %select_n3A_875 : vector<16xf32>
    %get3A_877 = arith.constant 0 : i32
    %get3A_878 = arith.constant 2 : i32
    %get3A_879 = arith.index_cast %get3A_877 : i32 to index
    %get3A_880 = arith.index_cast %get3A_878 : i32 to index
    %get3A_881 = arith.constant 64 : index
    %get3A_882 = tpu.vector_load %arg7[%get3A_879, %get3A_880, %get3A_881] {strides = array<i32>} : memref<2x4x128xf32, #tpu.memory_space<vmem>>, vector<1x1x16xf32>,
    %get3A_883 = vector.shape_cast %get3A_882 : vector<1x1x16xf32> to vector<16xf32>
    %get3A_884 = arith.constant 0 : i32
    %get3A_885 = arith.constant 2 : i32
    %get3A_886 = arith.index_cast %get3A_884 : i32 to index
    %get3A_887 = arith.index_cast %get3A_885 : i32 to index
    %get3A_888 = arith.constant 64 : index
    %get3A_889 = tpu.vector_load %arg9[%get3A_886, %get3A_887, %get3A_888] {strides = array<i32>} : memref<2x4x128xf32, #tpu.memory_space<vmem>>, vector<1x1x16xf32>,
    %get3A_890 = vector.shape_cast %get3A_889 : vector<1x1x16xf32> to vector<16xf32>
    %sub3A_891 = arith.subf %get3A_883, %get3A_890 : vector<16xf32>
    %mul3A_892 = arith.mulf %sub3A_891, %convert_element_type3A_156 : vector<16xf32>
    %abs3A_893 = math.absf %mul3A_892 : vector<16xf32>
    %lt3A_894 = arith.constant 1.000000e+00 : f32
    %lt3A_895 = vector.broadcast %lt3A_894 : f32 to vector<16xf32>
    %lt3A_896 = arith.cmpf olt, %abs3A_893, %lt3A_895 : vector<16xf32>
    %mul3A_897 = arith.constant 5.000000e-01 : f32
    %mul3A_898 = vector.broadcast %mul3A_897 : f32 to vector<16xf32>
    %mul3A_899 = arith.mulf %mul3A_898, %mul3A_892 : vector<16xf32>
    %mul3A_900 = arith.mulf %mul3A_899, %mul3A_892 : vector<16xf32>
    %sub3A_901 = arith.constant 5.000000e-01 : f32
    %sub3A_902 = vector.broadcast %sub3A_901 : f32 to vector<16xf32>
    %sub3A_903 = arith.subf %abs3A_893, %sub3A_902 : vector<16xf32>
    %select_n3A_904 = arith.select %lt3A_896, %mul3A_900, %sub3A_903 : vector<16xi1>, vector<16xf32>
    %add3A_905 = arith.addf %add3A_876, %select_n3A_904 : vector<16xf32>
    %get3A_906 = arith.constant 0 : i32
    %get3A_907 = arith.constant 2 : i32
    %get3A_908 = arith.index_cast %get3A_906 : i32 to index
    %get3A_909 = arith.index_cast %get3A_907 : i32 to index
    %get3A_910 = arith.constant 80 : index
    %get3A_911 = tpu.vector_load %arg7[%get3A_908, %get3A_909, %get3A_910] {strides = array<i32>} : memref<2x4x128xf32, #tpu.memory_space<vmem>>, vector<1x1x16xf32>,
    %get3A_912 = vector.shape_cast %get3A_911 : vector<1x1x16xf32> to vector<16xf32>
    %get3A_913 = arith.constant 0 : i32
    %get3A_914 = arith.constant 2 : i32
    %get3A_915 = arith.index_cast %get3A_913 : i32 to index
    %get3A_916 = arith.index_cast %get3A_914 : i32 to index
    %get3A_917 = arith.constant 80 : index
    %get3A_918 = tpu.vector_load %arg9[%get3A_915, %get3A_916, %get3A_917] {strides = array<i32>} : memref<2x4x128xf32, #tpu.memory_space<vmem>>, vector<1x1x16xf32>,
    %get3A_919 = vector.shape_cast %get3A_918 : vector<1x1x16xf32> to vector<16xf32>
    %sub3A_920 = arith.subf %get3A_912, %get3A_919 : vector<16xf32>
    %mul3A_921 = arith.mulf %sub3A_920, %convert_element_type3A_165 : vector<16xf32>
    %abs3A_922 = math.absf %mul3A_921 : vector<16xf32>
    %lt3A_923 = arith.constant 1.000000e+00 : f32
    %lt3A_924 = vector.broadcast %lt3A_923 : f32 to vector<16xf32>
    %lt3A_925 = arith.cmpf olt, %abs3A_922, %lt3A_924 : vector<16xf32>
    %mul3A_926 = arith.constant 5.000000e-01 : f32
    %mul3A_927 = vector.broadcast %mul3A_926 : f32 to vector<16xf32>
    %mul3A_928 = arith.mulf %mul3A_927, %mul3A_921 : vector<16xf32>
    %mul3A_929 = arith.mulf %mul3A_928, %mul3A_921 : vector<16xf32>
    %sub3A_930 = arith.constant 5.000000e-01 : f32
    %sub3A_931 = vector.broadcast %sub3A_930 : f32 to vector<16xf32>
    %sub3A_932 = arith.subf %abs3A_922, %sub3A_931 : vector<16xf32>
    %select_n3A_933 = arith.select %lt3A_925, %mul3A_929, %sub3A_932 : vector<16xi1>, vector<16xf32>
    %add3A_934 = arith.addf %add3A_905, %select_n3A_933 : vector<16xf32>
    %get3A_935 = arith.constant 0 : i32
    %get3A_936 = arith.constant 2 : i32
    %get3A_937 = arith.index_cast %get3A_935 : i32 to index
    %get3A_938 = arith.index_cast %get3A_936 : i32 to index
    %get3A_939 = arith.constant 96 : index
    %get3A_940 = tpu.vector_load %arg7[%get3A_937, %get3A_938, %get3A_939] {strides = array<i32>} : memref<2x4x128xf32, #tpu.memory_space<vmem>>, vector<1x1x16xf32>,
    %get3A_941 = vector.shape_cast %get3A_940 : vector<1x1x16xf32> to vector<16xf32>
    %get3A_942 = arith.constant 0 : i32
    %get3A_943 = arith.constant 2 : i32
    %get3A_944 = arith.index_cast %get3A_942 : i32 to index
    %get3A_945 = arith.index_cast %get3A_943 : i32 to index
    %get3A_946 = arith.constant 96 : index
    %get3A_947 = tpu.vector_load %arg9[%get3A_944, %get3A_945, %get3A_946] {strides = array<i32>} : memref<2x4x128xf32, #tpu.memory_space<vmem>>, vector<1x1x16xf32>,
    %get3A_948 = vector.shape_cast %get3A_947 : vector<1x1x16xf32> to vector<16xf32>
    %sub3A_949 = arith.subf %get3A_941, %get3A_948 : vector<16xf32>
    %mul3A_950 = arith.mulf %sub3A_949, %convert_element_type3A_174 : vector<16xf32>
    %abs3A_951 = math.absf %mul3A_950 : vector<16xf32>
    %lt3A_952 = arith.constant 1.000000e+00 : f32
    %lt3A_953 = vector.broadcast %lt3A_952 : f32 to vector<16xf32>
    %lt3A_954 = arith.cmpf olt, %abs3A_951, %lt3A_953 : vector<16xf32>
    %mul3A_955 = arith.constant 5.000000e-01 : f32
    %mul3A_956 = vector.broadcast %mul3A_955 : f32 to vector<16xf32>
    %mul3A_957 = arith.mulf %mul3A_956, %mul3A_950 : vector<16xf32>
    %mul3A_958 = arith.mulf %mul3A_957, %mul3A_950 : vector<16xf32>
    %sub3A_959 = arith.constant 5.000000e-01 : f32
    %sub3A_960 = vector.broadcast %sub3A_959 : f32 to vector<16xf32>
    %sub3A_961 = arith.subf %abs3A_951, %sub3A_960 : vector<16xf32>
    %select_n3A_962 = arith.select %lt3A_954, %mul3A_958, %sub3A_961 : vector<16xi1>, vector<16xf32>
    %add3A_963 = arith.addf %add3A_934, %select_n3A_962 : vector<16xf32>
    %get3A_964 = arith.constant 0 : i32
    %get3A_965 = arith.constant 2 : i32
    %get3A_966 = arith.index_cast %get3A_964 : i32 to index
    %get3A_967 = arith.index_cast %get3A_965 : i32 to index
    %get3A_968 = arith.constant 112 : index
    %get3A_969 = tpu.vector_load %arg7[%get3A_966, %get3A_967, %get3A_968] {strides = array<i32>} : memref<2x4x128xf32, #tpu.memory_space<vmem>>, vector<1x1x16xf32>,
    %get3A_970 = vector.shape_cast %get3A_969 : vector<1x1x16xf32> to vector<16xf32>
    %get3A_971 = arith.constant 0 : i32
    %get3A_972 = arith.constant 2 : i32
    %get3A_973 = arith.index_cast %get3A_971 : i32 to index
    %get3A_974 = arith.index_cast %get3A_972 : i32 to index
    %get3A_975 = arith.constant 112 : index
    %get3A_976 = tpu.vector_load %arg9[%get3A_973, %get3A_974, %get3A_975] {strides = array<i32>} : memref<2x4x128xf32, #tpu.memory_space<vmem>>, vector<1x1x16xf32>,
    %get3A_977 = vector.shape_cast %get3A_976 : vector<1x1x16xf32> to vector<16xf32>
    %sub3A_978 = arith.subf %get3A_970, %get3A_977 : vector<16xf32>
    %mul3A_979 = arith.mulf %sub3A_978, %convert_element_type3A_183 : vector<16xf32>
    %abs3A_980 = math.absf %mul3A_979 : vector<16xf32>
    %lt3A_981 = arith.constant 1.000000e+00 : f32
    %lt3A_982 = vector.broadcast %lt3A_981 : f32 to vector<16xf32>
    %lt3A_983 = arith.cmpf olt, %abs3A_980, %lt3A_982 : vector<16xf32>
    %mul3A_984 = arith.constant 5.000000e-01 : f32
    %mul3A_985 = vector.broadcast %mul3A_984 : f32 to vector<16xf32>
    %mul3A_986 = arith.mulf %mul3A_985, %mul3A_979 : vector<16xf32>
    %mul3A_987 = arith.mulf %mul3A_986, %mul3A_979 : vector<16xf32>
    %sub3A_988 = arith.constant 5.000000e-01 : f32
    %sub3A_989 = vector.broadcast %sub3A_988 : f32 to vector<16xf32>
    %sub3A_990 = arith.subf %abs3A_980, %sub3A_989 : vector<16xf32>
    %select_n3A_991 = arith.select %lt3A_983, %mul3A_987, %sub3A_990 : vector<16xi1>, vector<16xf32>
    %add3A_992 = arith.addf %add3A_963, %select_n3A_991 : vector<16xf32>
    %dma_wait3A_993 = arith.constant 0 : i32
    %dma_wait3A_994 = arith.constant 3 : i32
    %dma_wait3A_995 = arith.constant 0 : i32
    %dma_wait3A_996 = arith.constant 3 : i32
    %dma_wait3A_997 = arith.constant 0 : i32
    %dma_wait3A_998 = tpu.memref_slice %arg7[%dma_wait3A_995, %dma_wait3A_996, %dma_wait3A_997] : memref<2x4x128xf32, #tpu.memory_space<vmem>> -> memref<1x1x128xf32, #tpu.memory_space<vmem>>
    %dma_wait3A_999 = tpu.memref_squeeze %dma_wait3A_998 : memref<1x1x128xf32, #tpu.memory_space<vmem>> -> memref<128xf32, #tpu.memory_space<vmem>>
    %dma_wait3A_1000 = arith.constant 0 : i32
    %dma_wait3A_1001 = tpu.memref_slice %arg6[%dma_wait3A_993, %dma_wait3A_994, %dma_wait3A_1000] : memref<2x5x128xi32, #tpu.memory_space<vmem>> -> memref<1x1x128xi32, #tpu.memory_space<vmem>>
    %dma_wait3A_1002 = tpu.memref_squeeze %dma_wait3A_1001 : memref<1x1x128xi32, #tpu.memory_space<vmem>> -> memref<128xi32, #tpu.memory_space<vmem>>
    %dma_wait3A_1003 = arith.constant 0 : i32
    %dma_wait3A_1004 = tpu.memref_slice %arg2[%dma_wait3A_1003] : memref<2097152xf32, #tpu.memory_space<hbm>> -> memref<2097152xf32, #tpu.memory_space<hbm>>
    tpu.wait_indirect_dma semaphore(%arg15 : memref<!tpu.dma_semaphore, #tpu.memory_space<semaphore_mem>>) src(%dma_wait3A_1004 : memref<2097152xf32, #tpu.memory_space<hbm>>) dst(%dma_wait3A_999 : memref<128xf32, #tpu.memory_space<vmem>>)
    %get3A_1005 = arith.constant 0 : i32
    %get3A_1006 = arith.constant 3 : i32
    %get3A_1007 = arith.index_cast %get3A_1005 : i32 to index
    %get3A_1008 = arith.index_cast %get3A_1006 : i32 to index
    %get3A_1009 = arith.constant 0 : index
    %get3A_1010 = tpu.vector_load %arg7[%get3A_1007, %get3A_1008, %get3A_1009] {strides = array<i32>} : memref<2x4x128xf32, #tpu.memory_space<vmem>>, vector<1x1x16xf32>,
    %get3A_1011 = vector.shape_cast %get3A_1010 : vector<1x1x16xf32> to vector<16xf32>
    %get3A_1012 = arith.constant 0 : i32
    %get3A_1013 = arith.constant 3 : i32
    %get3A_1014 = arith.index_cast %get3A_1012 : i32 to index
    %get3A_1015 = arith.index_cast %get3A_1013 : i32 to index
    %get3A_1016 = arith.constant 0 : index
    %get3A_1017 = tpu.vector_load %arg9[%get3A_1014, %get3A_1015, %get3A_1016] {strides = array<i32>} : memref<2x4x128xf32, #tpu.memory_space<vmem>>, vector<1x1x16xf32>,
    %get3A_1018 = vector.shape_cast %get3A_1017 : vector<1x1x16xf32> to vector<16xf32>
    %sub3A_1019 = arith.subf %get3A_1011, %get3A_1018 : vector<16xf32>
    %mul3A_1020 = arith.mulf %sub3A_1019, %convert_element_type3A : vector<16xf32>
    %abs3A_1021 = math.absf %mul3A_1020 : vector<16xf32>
    %lt3A_1022 = arith.constant 1.000000e+00 : f32
    %lt3A_1023 = vector.broadcast %lt3A_1022 : f32 to vector<16xf32>
    %lt3A_1024 = arith.cmpf olt, %abs3A_1021, %lt3A_1023 : vector<16xf32>
    %mul3A_1025 = arith.constant 5.000000e-01 : f32
    %mul3A_1026 = vector.broadcast %mul3A_1025 : f32 to vector<16xf32>
    %mul3A_1027 = arith.mulf %mul3A_1026, %mul3A_1020 : vector<16xf32>
    %mul3A_1028 = arith.mulf %mul3A_1027, %mul3A_1020 : vector<16xf32>
    %sub3A_1029 = arith.constant 5.000000e-01 : f32
    %sub3A_1030 = vector.broadcast %sub3A_1029 : f32 to vector<16xf32>
    %sub3A_1031 = arith.subf %abs3A_1021, %sub3A_1030 : vector<16xf32>
    %select_n3A_1032 = arith.select %lt3A_1024, %mul3A_1028, %sub3A_1031 : vector<16xi1>, vector<16xf32>
    %add3A_1033 = arith.addf %add3A_992, %select_n3A_1032 : vector<16xf32>
    %get3A_1034 = arith.constant 0 : i32
    %get3A_1035 = arith.constant 3 : i32
    %get3A_1036 = arith.index_cast %get3A_1034 : i32 to index
    %get3A_1037 = arith.index_cast %get3A_1035 : i32 to index
    %get3A_1038 = arith.constant 16 : index
    %get3A_1039 = tpu.vector_load %arg7[%get3A_1036, %get3A_1037, %get3A_1038] {strides = array<i32>} : memref<2x4x128xf32, #tpu.memory_space<vmem>>, vector<1x1x16xf32>,
    %get3A_1040 = vector.shape_cast %get3A_1039 : vector<1x1x16xf32> to vector<16xf32>
    %get3A_1041 = arith.constant 0 : i32
    %get3A_1042 = arith.constant 3 : i32
    %get3A_1043 = arith.index_cast %get3A_1041 : i32 to index
    %get3A_1044 = arith.index_cast %get3A_1042 : i32 to index
    %get3A_1045 = arith.constant 16 : index
    %get3A_1046 = tpu.vector_load %arg9[%get3A_1043, %get3A_1044, %get3A_1045] {strides = array<i32>} : memref<2x4x128xf32, #tpu.memory_space<vmem>>, vector<1x1x16xf32>,
    %get3A_1047 = vector.shape_cast %get3A_1046 : vector<1x1x16xf32> to vector<16xf32>
    %sub3A_1048 = arith.subf %get3A_1040, %get3A_1047 : vector<16xf32>
    %mul3A_1049 = arith.mulf %sub3A_1048, %convert_element_type3A_129 : vector<16xf32>
    %abs3A_1050 = math.absf %mul3A_1049 : vector<16xf32>
    %lt3A_1051 = arith.constant 1.000000e+00 : f32
    %lt3A_1052 = vector.broadcast %lt3A_1051 : f32 to vector<16xf32>
    %lt3A_1053 = arith.cmpf olt, %abs3A_1050, %lt3A_1052 : vector<16xf32>
    %mul3A_1054 = arith.constant 5.000000e-01 : f32
    %mul3A_1055 = vector.broadcast %mul3A_1054 : f32 to vector<16xf32>
    %mul3A_1056 = arith.mulf %mul3A_1055, %mul3A_1049 : vector<16xf32>
    %mul3A_1057 = arith.mulf %mul3A_1056, %mul3A_1049 : vector<16xf32>
    %sub3A_1058 = arith.constant 5.000000e-01 : f32
    %sub3A_1059 = vector.broadcast %sub3A_1058 : f32 to vector<16xf32>
    %sub3A_1060 = arith.subf %abs3A_1050, %sub3A_1059 : vector<16xf32>
    %select_n3A_1061 = arith.select %lt3A_1053, %mul3A_1057, %sub3A_1060 : vector<16xi1>, vector<16xf32>
    %add3A_1062 = arith.addf %add3A_1033, %select_n3A_1061 : vector<16xf32>
    %get3A_1063 = arith.constant 0 : i32
    %get3A_1064 = arith.constant 3 : i32
    %get3A_1065 = arith.index_cast %get3A_1063 : i32 to index
    %get3A_1066 = arith.index_cast %get3A_1064 : i32 to index
    %get3A_1067 = arith.constant 32 : index
    %get3A_1068 = tpu.vector_load %arg7[%get3A_1065, %get3A_1066, %get3A_1067] {strides = array<i32>} : memref<2x4x128xf32, #tpu.memory_space<vmem>>, vector<1x1x16xf32>,
    %get3A_1069 = vector.shape_cast %get3A_1068 : vector<1x1x16xf32> to vector<16xf32>
    %get3A_1070 = arith.constant 0 : i32
    %get3A_1071 = arith.constant 3 : i32
    %get3A_1072 = arith.index_cast %get3A_1070 : i32 to index
    %get3A_1073 = arith.index_cast %get3A_1071 : i32 to index
    %get3A_1074 = arith.constant 32 : index
    %get3A_1075 = tpu.vector_load %arg9[%get3A_1072, %get3A_1073, %get3A_1074] {strides = array<i32>} : memref<2x4x128xf32, #tpu.memory_space<vmem>>, vector<1x1x16xf32>,
    %get3A_1076 = vector.shape_cast %get3A_1075 : vector<1x1x16xf32> to vector<16xf32>
    %sub3A_1077 = arith.subf %get3A_1069, %get3A_1076 : vector<16xf32>
    %mul3A_1078 = arith.mulf %sub3A_1077, %convert_element_type3A_138 : vector<16xf32>
    %abs3A_1079 = math.absf %mul3A_1078 : vector<16xf32>
    %lt3A_1080 = arith.constant 1.000000e+00 : f32
    %lt3A_1081 = vector.broadcast %lt3A_1080 : f32 to vector<16xf32>
    %lt3A_1082 = arith.cmpf olt, %abs3A_1079, %lt3A_1081 : vector<16xf32>
    %mul3A_1083 = arith.constant 5.000000e-01 : f32
    %mul3A_1084 = vector.broadcast %mul3A_1083 : f32 to vector<16xf32>
    %mul3A_1085 = arith.mulf %mul3A_1084, %mul3A_1078 : vector<16xf32>
    %mul3A_1086 = arith.mulf %mul3A_1085, %mul3A_1078 : vector<16xf32>
    %sub3A_1087 = arith.constant 5.000000e-01 : f32
    %sub3A_1088 = vector.broadcast %sub3A_1087 : f32 to vector<16xf32>
    %sub3A_1089 = arith.subf %abs3A_1079, %sub3A_1088 : vector<16xf32>
    %select_n3A_1090 = arith.select %lt3A_1082, %mul3A_1086, %sub3A_1089 : vector<16xi1>, vector<16xf32>
    %add3A_1091 = arith.addf %add3A_1062, %select_n3A_1090 : vector<16xf32>
    %get3A_1092 = arith.constant 0 : i32
    %get3A_1093 = arith.constant 3 : i32
    %get3A_1094 = arith.index_cast %get3A_1092 : i32 to index
    %get3A_1095 = arith.index_cast %get3A_1093 : i32 to index
    %get3A_1096 = arith.constant 48 : index
    %get3A_1097 = tpu.vector_load %arg7[%get3A_1094, %get3A_1095, %get3A_1096] {strides = array<i32>} : memref<2x4x128xf32, #tpu.memory_space<vmem>>, vector<1x1x16xf32>,
    %get3A_1098 = vector.shape_cast %get3A_1097 : vector<1x1x16xf32> to vector<16xf32>
    %get3A_1099 = arith.constant 0 : i32
    %get3A_1100 = arith.constant 3 : i32
    %get3A_1101 = arith.index_cast %get3A_1099 : i32 to index
    %get3A_1102 = arith.index_cast %get3A_1100 : i32 to index
    %get3A_1103 = arith.constant 48 : index
    %get3A_1104 = tpu.vector_load %arg9[%get3A_1101, %get3A_1102, %get3A_1103] {strides = array<i32>} : memref<2x4x128xf32, #tpu.memory_space<vmem>>, vector<1x1x16xf32>,
    %get3A_1105 = vector.shape_cast %get3A_1104 : vector<1x1x16xf32> to vector<16xf32>
    %sub3A_1106 = arith.subf %get3A_1098, %get3A_1105 : vector<16xf32>
    %mul3A_1107 = arith.mulf %sub3A_1106, %convert_element_type3A_147 : vector<16xf32>
    %abs3A_1108 = math.absf %mul3A_1107 : vector<16xf32>
    %lt3A_1109 = arith.constant 1.000000e+00 : f32
    %lt3A_1110 = vector.broadcast %lt3A_1109 : f32 to vector<16xf32>
    %lt3A_1111 = arith.cmpf olt, %abs3A_1108, %lt3A_1110 : vector<16xf32>
    %mul3A_1112 = arith.constant 5.000000e-01 : f32
    %mul3A_1113 = vector.broadcast %mul3A_1112 : f32 to vector<16xf32>
    %mul3A_1114 = arith.mulf %mul3A_1113, %mul3A_1107 : vector<16xf32>
    %mul3A_1115 = arith.mulf %mul3A_1114, %mul3A_1107 : vector<16xf32>
    %sub3A_1116 = arith.constant 5.000000e-01 : f32
    %sub3A_1117 = vector.broadcast %sub3A_1116 : f32 to vector<16xf32>
    %sub3A_1118 = arith.subf %abs3A_1108, %sub3A_1117 : vector<16xf32>
    %select_n3A_1119 = arith.select %lt3A_1111, %mul3A_1115, %sub3A_1118 : vector<16xi1>, vector<16xf32>
    %add3A_1120 = arith.addf %add3A_1091, %select_n3A_1119 : vector<16xf32>
    %get3A_1121 = arith.constant 0 : i32
    %get3A_1122 = arith.constant 3 : i32
    %get3A_1123 = arith.index_cast %get3A_1121 : i32 to index
    %get3A_1124 = arith.index_cast %get3A_1122 : i32 to index
    %get3A_1125 = arith.constant 64 : index
    %get3A_1126 = tpu.vector_load %arg7[%get3A_1123, %get3A_1124, %get3A_1125] {strides = array<i32>} : memref<2x4x128xf32, #tpu.memory_space<vmem>>, vector<1x1x16xf32>,
    %get3A_1127 = vector.shape_cast %get3A_1126 : vector<1x1x16xf32> to vector<16xf32>
    %get3A_1128 = arith.constant 0 : i32
    %get3A_1129 = arith.constant 3 : i32
    %get3A_1130 = arith.index_cast %get3A_1128 : i32 to index
    %get3A_1131 = arith.index_cast %get3A_1129 : i32 to index
    %get3A_1132 = arith.constant 64 : index
    %get3A_1133 = tpu.vector_load %arg9[%get3A_1130, %get3A_1131, %get3A_1132] {strides = array<i32>} : memref<2x4x128xf32, #tpu.memory_space<vmem>>, vector<1x1x16xf32>,
    %get3A_1134 = vector.shape_cast %get3A_1133 : vector<1x1x16xf32> to vector<16xf32>
    %sub3A_1135 = arith.subf %get3A_1127, %get3A_1134 : vector<16xf32>
    %mul3A_1136 = arith.mulf %sub3A_1135, %convert_element_type3A_156 : vector<16xf32>
    %abs3A_1137 = math.absf %mul3A_1136 : vector<16xf32>
    %lt3A_1138 = arith.constant 1.000000e+00 : f32
    %lt3A_1139 = vector.broadcast %lt3A_1138 : f32 to vector<16xf32>
    %lt3A_1140 = arith.cmpf olt, %abs3A_1137, %lt3A_1139 : vector<16xf32>
    %mul3A_1141 = arith.constant 5.000000e-01 : f32
    %mul3A_1142 = vector.broadcast %mul3A_1141 : f32 to vector<16xf32>
    %mul3A_1143 = arith.mulf %mul3A_1142, %mul3A_1136 : vector<16xf32>
    %mul3A_1144 = arith.mulf %mul3A_1143, %mul3A_1136 : vector<16xf32>
    %sub3A_1145 = arith.constant 5.000000e-01 : f32
    %sub3A_1146 = vector.broadcast %sub3A_1145 : f32 to vector<16xf32>
    %sub3A_1147 = arith.subf %abs3A_1137, %sub3A_1146 : vector<16xf32>
    %select_n3A_1148 = arith.select %lt3A_1140, %mul3A_1144, %sub3A_1147 : vector<16xi1>, vector<16xf32>
    %add3A_1149 = arith.addf %add3A_1120, %select_n3A_1148 : vector<16xf32>
    %get3A_1150 = arith.constant 0 : i32
    %get3A_1151 = arith.constant 3 : i32
    %get3A_1152 = arith.index_cast %get3A_1150 : i32 to index
    %get3A_1153 = arith.index_cast %get3A_1151 : i32 to index
    %get3A_1154 = arith.constant 80 : index
    %get3A_1155 = tpu.vector_load %arg7[%get3A_1152, %get3A_1153, %get3A_1154] {strides = array<i32>} : memref<2x4x128xf32, #tpu.memory_space<vmem>>, vector<1x1x16xf32>,
    %get3A_1156 = vector.shape_cast %get3A_1155 : vector<1x1x16xf32> to vector<16xf32>
    %get3A_1157 = arith.constant 0 : i32
    %get3A_1158 = arith.constant 3 : i32
    %get3A_1159 = arith.index_cast %get3A_1157 : i32 to index
    %get3A_1160 = arith.index_cast %get3A_1158 : i32 to index
    %get3A_1161 = arith.constant 80 : index
    %get3A_1162 = tpu.vector_load %arg9[%get3A_1159, %get3A_1160, %get3A_1161] {strides = array<i32>} : memref<2x4x128xf32, #tpu.memory_space<vmem>>, vector<1x1x16xf32>,
    %get3A_1163 = vector.shape_cast %get3A_1162 : vector<1x1x16xf32> to vector<16xf32>
    %sub3A_1164 = arith.subf %get3A_1156, %get3A_1163 : vector<16xf32>
    %mul3A_1165 = arith.mulf %sub3A_1164, %convert_element_type3A_165 : vector<16xf32>
    %abs3A_1166 = math.absf %mul3A_1165 : vector<16xf32>
    %lt3A_1167 = arith.constant 1.000000e+00 : f32
    %lt3A_1168 = vector.broadcast %lt3A_1167 : f32 to vector<16xf32>
    %lt3A_1169 = arith.cmpf olt, %abs3A_1166, %lt3A_1168 : vector<16xf32>
    %mul3A_1170 = arith.constant 5.000000e-01 : f32
    %mul3A_1171 = vector.broadcast %mul3A_1170 : f32 to vector<16xf32>
    %mul3A_1172 = arith.mulf %mul3A_1171, %mul3A_1165 : vector<16xf32>
    %mul3A_1173 = arith.mulf %mul3A_1172, %mul3A_1165 : vector<16xf32>
    %sub3A_1174 = arith.constant 5.000000e-01 : f32
    %sub3A_1175 = vector.broadcast %sub3A_1174 : f32 to vector<16xf32>
    %sub3A_1176 = arith.subf %abs3A_1166, %sub3A_1175 : vector<16xf32>
    %select_n3A_1177 = arith.select %lt3A_1169, %mul3A_1173, %sub3A_1176 : vector<16xi1>, vector<16xf32>
    %add3A_1178 = arith.addf %add3A_1149, %select_n3A_1177 : vector<16xf32>
    %get3A_1179 = arith.constant 0 : i32
    %get3A_1180 = arith.constant 3 : i32
    %get3A_1181 = arith.index_cast %get3A_1179 : i32 to index
    %get3A_1182 = arith.index_cast %get3A_1180 : i32 to index
    %get3A_1183 = arith.constant 96 : index
    %get3A_1184 = tpu.vector_load %arg7[%get3A_1181, %get3A_1182, %get3A_1183] {strides = array<i32>} : memref<2x4x128xf32, #tpu.memory_space<vmem>>, vector<1x1x16xf32>,
    %get3A_1185 = vector.shape_cast %get3A_1184 : vector<1x1x16xf32> to vector<16xf32>
    %get3A_1186 = arith.constant 0 : i32
    %get3A_1187 = arith.constant 3 : i32
    %get3A_1188 = arith.index_cast %get3A_1186 : i32 to index
    %get3A_1189 = arith.index_cast %get3A_1187 : i32 to index
    %get3A_1190 = arith.constant 96 : index
    %get3A_1191 = tpu.vector_load %arg9[%get3A_1188, %get3A_1189, %get3A_1190] {strides = array<i32>} : memref<2x4x128xf32, #tpu.memory_space<vmem>>, vector<1x1x16xf32>,
    %get3A_1192 = vector.shape_cast %get3A_1191 : vector<1x1x16xf32> to vector<16xf32>
    %sub3A_1193 = arith.subf %get3A_1185, %get3A_1192 : vector<16xf32>
    %mul3A_1194 = arith.mulf %sub3A_1193, %convert_element_type3A_174 : vector<16xf32>
    %abs3A_1195 = math.absf %mul3A_1194 : vector<16xf32>
    %lt3A_1196 = arith.constant 1.000000e+00 : f32
    %lt3A_1197 = vector.broadcast %lt3A_1196 : f32 to vector<16xf32>
    %lt3A_1198 = arith.cmpf olt, %abs3A_1195, %lt3A_1197 : vector<16xf32>
    %mul3A_1199 = arith.constant 5.000000e-01 : f32
    %mul3A_1200 = vector.broadcast %mul3A_1199 : f32 to vector<16xf32>
    %mul3A_1201 = arith.mulf %mul3A_1200, %mul3A_1194 : vector<16xf32>
    %mul3A_1202 = arith.mulf %mul3A_1201, %mul3A_1194 : vector<16xf32>
    %sub3A_1203 = arith.constant 5.000000e-01 : f32
    %sub3A_1204 = vector.broadcast %sub3A_1203 : f32 to vector<16xf32>
    %sub3A_1205 = arith.subf %abs3A_1195, %sub3A_1204 : vector<16xf32>
    %select_n3A_1206 = arith.select %lt3A_1198, %mul3A_1202, %sub3A_1205 : vector<16xi1>, vector<16xf32>
    %add3A_1207 = arith.addf %add3A_1178, %select_n3A_1206 : vector<16xf32>
    %get3A_1208 = arith.constant 0 : i32
    %get3A_1209 = arith.constant 3 : i32
    %get3A_1210 = arith.index_cast %get3A_1208 : i32 to index
    %get3A_1211 = arith.index_cast %get3A_1209 : i32 to index
    %get3A_1212 = arith.constant 112 : index
    %get3A_1213 = tpu.vector_load %arg7[%get3A_1210, %get3A_1211, %get3A_1212] {strides = array<i32>} : memref<2x4x128xf32, #tpu.memory_space<vmem>>, vector<1x1x16xf32>,
    %get3A_1214 = vector.shape_cast %get3A_1213 : vector<1x1x16xf32> to vector<16xf32>
    %get3A_1215 = arith.constant 0 : i32
    %get3A_1216 = arith.constant 3 : i32
    %get3A_1217 = arith.index_cast %get3A_1215 : i32 to index
    %get3A_1218 = arith.index_cast %get3A_1216 : i32 to index
    %get3A_1219 = arith.constant 112 : index
    %get3A_1220 = tpu.vector_load %arg9[%get3A_1217, %get3A_1218, %get3A_1219] {strides = array<i32>} : memref<2x4x128xf32, #tpu.memory_space<vmem>>, vector<1x1x16xf32>,
    %get3A_1221 = vector.shape_cast %get3A_1220 : vector<1x1x16xf32> to vector<16xf32>
    %sub3A_1222 = arith.subf %get3A_1214, %get3A_1221 : vector<16xf32>
    %mul3A_1223 = arith.mulf %sub3A_1222, %convert_element_type3A_183 : vector<16xf32>
    %abs3A_1224 = math.absf %mul3A_1223 : vector<16xf32>
    %lt3A_1225 = arith.constant 1.000000e+00 : f32
    %lt3A_1226 = vector.broadcast %lt3A_1225 : f32 to vector<16xf32>
    %lt3A_1227 = arith.cmpf olt, %abs3A_1224, %lt3A_1226 : vector<16xf32>
    %mul3A_1228 = arith.constant 5.000000e-01 : f32
    %mul3A_1229 = vector.broadcast %mul3A_1228 : f32 to vector<16xf32>
    %mul3A_1230 = arith.mulf %mul3A_1229, %mul3A_1223 : vector<16xf32>
    %mul3A_1231 = arith.mulf %mul3A_1230, %mul3A_1223 : vector<16xf32>
    %sub3A_1232 = arith.constant 5.000000e-01 : f32
    %sub3A_1233 = vector.broadcast %sub3A_1232 : f32 to vector<16xf32>
    %sub3A_1234 = arith.subf %abs3A_1224, %sub3A_1233 : vector<16xf32>
    %select_n3A_1235 = arith.select %lt3A_1227, %mul3A_1231, %sub3A_1234 : vector<16xi1>, vector<16xf32>
    %add3A_1236 = arith.addf %add3A_1207, %select_n3A_1235 : vector<16xf32>
    %dma_wait3A_1237 = arith.constant 1 : i32
    %dma_wait3A_1238 = arith.constant 0 : i32
    %dma_wait3A_1239 = arith.constant 1 : i32
    %dma_wait3A_1240 = arith.constant 0 : i32
    %dma_wait3A_1241 = arith.constant 0 : i32
    %dma_wait3A_1242 = tpu.memref_slice %arg7[%dma_wait3A_1239, %dma_wait3A_1240, %dma_wait3A_1241] : memref<2x4x128xf32, #tpu.memory_space<vmem>> -> memref<1x1x128xf32, #tpu.memory_space<vmem>>
    %dma_wait3A_1243 = tpu.memref_squeeze %dma_wait3A_1242 : memref<1x1x128xf32, #tpu.memory_space<vmem>> -> memref<128xf32, #tpu.memory_space<vmem>>
    %dma_wait3A_1244 = arith.constant 0 : i32
    %dma_wait3A_1245 = tpu.memref_slice %arg6[%dma_wait3A_1237, %dma_wait3A_1238, %dma_wait3A_1244] : memref<2x5x128xi32, #tpu.memory_space<vmem>> -> memref<1x1x128xi32, #tpu.memory_space<vmem>>
    %dma_wait3A_1246 = tpu.memref_squeeze %dma_wait3A_1245 : memref<1x1x128xi32, #tpu.memory_space<vmem>> -> memref<128xi32, #tpu.memory_space<vmem>>
    %dma_wait3A_1247 = arith.constant 0 : i32
    %dma_wait3A_1248 = tpu.memref_slice %arg2[%dma_wait3A_1247] : memref<2097152xf32, #tpu.memory_space<hbm>> -> memref<2097152xf32, #tpu.memory_space<hbm>>
    tpu.wait_indirect_dma semaphore(%arg16 : memref<!tpu.dma_semaphore, #tpu.memory_space<semaphore_mem>>) src(%dma_wait3A_1248 : memref<2097152xf32, #tpu.memory_space<hbm>>) dst(%dma_wait3A_1243 : memref<128xf32, #tpu.memory_space<vmem>>)
    %get3A_1249 = arith.constant 1 : i32
    %get3A_1250 = arith.constant 0 : i32
    %get3A_1251 = arith.index_cast %get3A_1249 : i32 to index
    %get3A_1252 = arith.index_cast %get3A_1250 : i32 to index
    %get3A_1253 = arith.constant 0 : index
    %get3A_1254 = tpu.vector_load %arg7[%get3A_1251, %get3A_1252, %get3A_1253] {strides = array<i32>} : memref<2x4x128xf32, #tpu.memory_space<vmem>>, vector<1x1x16xf32>,
    %get3A_1255 = vector.shape_cast %get3A_1254 : vector<1x1x16xf32> to vector<16xf32>
    %get3A_1256 = arith.constant 1 : i32
    %get3A_1257 = arith.constant 0 : i32
    %get3A_1258 = arith.index_cast %get3A_1256 : i32 to index
    %get3A_1259 = arith.index_cast %get3A_1257 : i32 to index
    %get3A_1260 = arith.constant 0 : index
    %get3A_1261 = tpu.vector_load %arg9[%get3A_1258, %get3A_1259, %get3A_1260] {strides = array<i32>} : memref<2x4x128xf32, #tpu.memory_space<vmem>>, vector<1x1x16xf32>,
    %get3A_1262 = vector.shape_cast %get3A_1261 : vector<1x1x16xf32> to vector<16xf32>
    %sub3A_1263 = arith.subf %get3A_1255, %get3A_1262 : vector<16xf32>
    %mul3A_1264 = arith.mulf %sub3A_1263, %convert_element_type3A_192 : vector<16xf32>
    %abs3A_1265 = math.absf %mul3A_1264 : vector<16xf32>
    %lt3A_1266 = arith.constant 1.000000e+00 : f32
    %lt3A_1267 = vector.broadcast %lt3A_1266 : f32 to vector<16xf32>
    %lt3A_1268 = arith.cmpf olt, %abs3A_1265, %lt3A_1267 : vector<16xf32>
    %mul3A_1269 = arith.constant 5.000000e-01 : f32
    %mul3A_1270 = vector.broadcast %mul3A_1269 : f32 to vector<16xf32>
    %mul3A_1271 = arith.mulf %mul3A_1270, %mul3A_1264 : vector<16xf32>
    %mul3A_1272 = arith.mulf %mul3A_1271, %mul3A_1264 : vector<16xf32>
    %sub3A_1273 = arith.constant 5.000000e-01 : f32
    %sub3A_1274 = vector.broadcast %sub3A_1273 : f32 to vector<16xf32>
    %sub3A_1275 = arith.subf %abs3A_1265, %sub3A_1274 : vector<16xf32>
    %select_n3A_1276 = arith.select %lt3A_1268, %mul3A_1272, %sub3A_1275 : vector<16xi1>, vector<16xf32>
    %add3A_1277 = arith.addf %add3A_1236, %select_n3A_1276 : vector<16xf32>
    %get3A_1278 = arith.constant 1 : i32
    %get3A_1279 = arith.constant 0 : i32
    %get3A_1280 = arith.index_cast %get3A_1278 : i32 to index
    %get3A_1281 = arith.index_cast %get3A_1279 : i32 to index
    %get3A_1282 = arith.constant 16 : index
    %get3A_1283 = tpu.vector_load %arg7[%get3A_1280, %get3A_1281, %get3A_1282] {strides = array<i32>} : memref<2x4x128xf32, #tpu.memory_space<vmem>>, vector<1x1x16xf32>,
    %get3A_1284 = vector.shape_cast %get3A_1283 : vector<1x1x16xf32> to vector<16xf32>
    %get3A_1285 = arith.constant 1 : i32
    %get3A_1286 = arith.constant 0 : i32
    %get3A_1287 = arith.index_cast %get3A_1285 : i32 to index
    %get3A_1288 = arith.index_cast %get3A_1286 : i32 to index
    %get3A_1289 = arith.constant 16 : index
    %get3A_1290 = tpu.vector_load %arg9[%get3A_1287, %get3A_1288, %get3A_1289] {strides = array<i32>} : memref<2x4x128xf32, #tpu.memory_space<vmem>>, vector<1x1x16xf32>,
    %get3A_1291 = vector.shape_cast %get3A_1290 : vector<1x1x16xf32> to vector<16xf32>
    %sub3A_1292 = arith.subf %get3A_1284, %get3A_1291 : vector<16xf32>
    %mul3A_1293 = arith.mulf %sub3A_1292, %convert_element_type3A_201 : vector<16xf32>
    %abs3A_1294 = math.absf %mul3A_1293 : vector<16xf32>
    %lt3A_1295 = arith.constant 1.000000e+00 : f32
    %lt3A_1296 = vector.broadcast %lt3A_1295 : f32 to vector<16xf32>
    %lt3A_1297 = arith.cmpf olt, %abs3A_1294, %lt3A_1296 : vector<16xf32>
    %mul3A_1298 = arith.constant 5.000000e-01 : f32
    %mul3A_1299 = vector.broadcast %mul3A_1298 : f32 to vector<16xf32>
    %mul3A_1300 = arith.mulf %mul3A_1299, %mul3A_1293 : vector<16xf32>
    %mul3A_1301 = arith.mulf %mul3A_1300, %mul3A_1293 : vector<16xf32>
    %sub3A_1302 = arith.constant 5.000000e-01 : f32
    %sub3A_1303 = vector.broadcast %sub3A_1302 : f32 to vector<16xf32>
    %sub3A_1304 = arith.subf %abs3A_1294, %sub3A_1303 : vector<16xf32>
    %select_n3A_1305 = arith.select %lt3A_1297, %mul3A_1301, %sub3A_1304 : vector<16xi1>, vector<16xf32>
    %add3A_1306 = arith.addf %add3A_1277, %select_n3A_1305 : vector<16xf32>
    %get3A_1307 = arith.constant 1 : i32
    %get3A_1308 = arith.constant 0 : i32
    %get3A_1309 = arith.index_cast %get3A_1307 : i32 to index
    %get3A_1310 = arith.index_cast %get3A_1308 : i32 to index
    %get3A_1311 = arith.constant 32 : index
    %get3A_1312 = tpu.vector_load %arg7[%get3A_1309, %get3A_1310, %get3A_1311] {strides = array<i32>} : memref<2x4x128xf32, #tpu.memory_space<vmem>>, vector<1x1x16xf32>,
    %get3A_1313 = vector.shape_cast %get3A_1312 : vector<1x1x16xf32> to vector<16xf32>
    %get3A_1314 = arith.constant 1 : i32
    %get3A_1315 = arith.constant 0 : i32
    %get3A_1316 = arith.index_cast %get3A_1314 : i32 to index
    %get3A_1317 = arith.index_cast %get3A_1315 : i32 to index
    %get3A_1318 = arith.constant 32 : index
    %get3A_1319 = tpu.vector_load %arg9[%get3A_1316, %get3A_1317, %get3A_1318] {strides = array<i32>} : memref<2x4x128xf32, #tpu.memory_space<vmem>>, vector<1x1x16xf32>,
    %get3A_1320 = vector.shape_cast %get3A_1319 : vector<1x1x16xf32> to vector<16xf32>
    %sub3A_1321 = arith.subf %get3A_1313, %get3A_1320 : vector<16xf32>
    %mul3A_1322 = arith.mulf %sub3A_1321, %convert_element_type3A_210 : vector<16xf32>
    %abs3A_1323 = math.absf %mul3A_1322 : vector<16xf32>
    %lt3A_1324 = arith.constant 1.000000e+00 : f32
    %lt3A_1325 = vector.broadcast %lt3A_1324 : f32 to vector<16xf32>
    %lt3A_1326 = arith.cmpf olt, %abs3A_1323, %lt3A_1325 : vector<16xf32>
    %mul3A_1327 = arith.constant 5.000000e-01 : f32
    %mul3A_1328 = vector.broadcast %mul3A_1327 : f32 to vector<16xf32>
    %mul3A_1329 = arith.mulf %mul3A_1328, %mul3A_1322 : vector<16xf32>
    %mul3A_1330 = arith.mulf %mul3A_1329, %mul3A_1322 : vector<16xf32>
    %sub3A_1331 = arith.constant 5.000000e-01 : f32
    %sub3A_1332 = vector.broadcast %sub3A_1331 : f32 to vector<16xf32>
    %sub3A_1333 = arith.subf %abs3A_1323, %sub3A_1332 : vector<16xf32>
    %select_n3A_1334 = arith.select %lt3A_1326, %mul3A_1330, %sub3A_1333 : vector<16xi1>, vector<16xf32>
    %add3A_1335 = arith.addf %add3A_1306, %select_n3A_1334 : vector<16xf32>
    %get3A_1336 = arith.constant 1 : i32
    %get3A_1337 = arith.constant 0 : i32
    %get3A_1338 = arith.index_cast %get3A_1336 : i32 to index
    %get3A_1339 = arith.index_cast %get3A_1337 : i32 to index
    %get3A_1340 = arith.constant 48 : index
    %get3A_1341 = tpu.vector_load %arg7[%get3A_1338, %get3A_1339, %get3A_1340] {strides = array<i32>} : memref<2x4x128xf32, #tpu.memory_space<vmem>>, vector<1x1x16xf32>,
    %get3A_1342 = vector.shape_cast %get3A_1341 : vector<1x1x16xf32> to vector<16xf32>
    %get3A_1343 = arith.constant 1 : i32
    %get3A_1344 = arith.constant 0 : i32
    %get3A_1345 = arith.index_cast %get3A_1343 : i32 to index
    %get3A_1346 = arith.index_cast %get3A_1344 : i32 to index
    %get3A_1347 = arith.constant 48 : index
    %get3A_1348 = tpu.vector_load %arg9[%get3A_1345, %get3A_1346, %get3A_1347] {strides = array<i32>} : memref<2x4x128xf32, #tpu.memory_space<vmem>>, vector<1x1x16xf32>,
    %get3A_1349 = vector.shape_cast %get3A_1348 : vector<1x1x16xf32> to vector<16xf32>
    %sub3A_1350 = arith.subf %get3A_1342, %get3A_1349 : vector<16xf32>
    %mul3A_1351 = arith.mulf %sub3A_1350, %convert_element_type3A_219 : vector<16xf32>
    %abs3A_1352 = math.absf %mul3A_1351 : vector<16xf32>
    %lt3A_1353 = arith.constant 1.000000e+00 : f32
    %lt3A_1354 = vector.broadcast %lt3A_1353 : f32 to vector<16xf32>
    %lt3A_1355 = arith.cmpf olt, %abs3A_1352, %lt3A_1354 : vector<16xf32>
    %mul3A_1356 = arith.constant 5.000000e-01 : f32
    %mul3A_1357 = vector.broadcast %mul3A_1356 : f32 to vector<16xf32>
    %mul3A_1358 = arith.mulf %mul3A_1357, %mul3A_1351 : vector<16xf32>
    %mul3A_1359 = arith.mulf %mul3A_1358, %mul3A_1351 : vector<16xf32>
    %sub3A_1360 = arith.constant 5.000000e-01 : f32
    %sub3A_1361 = vector.broadcast %sub3A_1360 : f32 to vector<16xf32>
    %sub3A_1362 = arith.subf %abs3A_1352, %sub3A_1361 : vector<16xf32>
    %select_n3A_1363 = arith.select %lt3A_1355, %mul3A_1359, %sub3A_1362 : vector<16xi1>, vector<16xf32>
    %add3A_1364 = arith.addf %add3A_1335, %select_n3A_1363 : vector<16xf32>
    %get3A_1365 = arith.constant 1 : i32
    %get3A_1366 = arith.constant 0 : i32
    %get3A_1367 = arith.index_cast %get3A_1365 : i32 to index
    %get3A_1368 = arith.index_cast %get3A_1366 : i32 to index
    %get3A_1369 = arith.constant 64 : index
    %get3A_1370 = tpu.vector_load %arg7[%get3A_1367, %get3A_1368, %get3A_1369] {strides = array<i32>} : memref<2x4x128xf32, #tpu.memory_space<vmem>>, vector<1x1x16xf32>,
    %get3A_1371 = vector.shape_cast %get3A_1370 : vector<1x1x16xf32> to vector<16xf32>
    %get3A_1372 = arith.constant 1 : i32
    %get3A_1373 = arith.constant 0 : i32
    %get3A_1374 = arith.index_cast %get3A_1372 : i32 to index
    %get3A_1375 = arith.index_cast %get3A_1373 : i32 to index
    %get3A_1376 = arith.constant 64 : index
    %get3A_1377 = tpu.vector_load %arg9[%get3A_1374, %get3A_1375, %get3A_1376] {strides = array<i32>} : memref<2x4x128xf32, #tpu.memory_space<vmem>>, vector<1x1x16xf32>,
    %get3A_1378 = vector.shape_cast %get3A_1377 : vector<1x1x16xf32> to vector<16xf32>
    %sub3A_1379 = arith.subf %get3A_1371, %get3A_1378 : vector<16xf32>
    %mul3A_1380 = arith.mulf %sub3A_1379, %convert_element_type3A_228 : vector<16xf32>
    %abs3A_1381 = math.absf %mul3A_1380 : vector<16xf32>
    %lt3A_1382 = arith.constant 1.000000e+00 : f32
    %lt3A_1383 = vector.broadcast %lt3A_1382 : f32 to vector<16xf32>
    %lt3A_1384 = arith.cmpf olt, %abs3A_1381, %lt3A_1383 : vector<16xf32>
    %mul3A_1385 = arith.constant 5.000000e-01 : f32
    %mul3A_1386 = vector.broadcast %mul3A_1385 : f32 to vector<16xf32>
    %mul3A_1387 = arith.mulf %mul3A_1386, %mul3A_1380 : vector<16xf32>
    %mul3A_1388 = arith.mulf %mul3A_1387, %mul3A_1380 : vector<16xf32>
    %sub3A_1389 = arith.constant 5.000000e-01 : f32
    %sub3A_1390 = vector.broadcast %sub3A_1389 : f32 to vector<16xf32>
    %sub3A_1391 = arith.subf %abs3A_1381, %sub3A_1390 : vector<16xf32>
    %select_n3A_1392 = arith.select %lt3A_1384, %mul3A_1388, %sub3A_1391 : vector<16xi1>, vector<16xf32>
    %add3A_1393 = arith.addf %add3A_1364, %select_n3A_1392 : vector<16xf32>
    %get3A_1394 = arith.constant 1 : i32
    %get3A_1395 = arith.constant 0 : i32
    %get3A_1396 = arith.index_cast %get3A_1394 : i32 to index
    %get3A_1397 = arith.index_cast %get3A_1395 : i32 to index
    %get3A_1398 = arith.constant 80 : index
    %get3A_1399 = tpu.vector_load %arg7[%get3A_1396, %get3A_1397, %get3A_1398] {strides = array<i32>} : memref<2x4x128xf32, #tpu.memory_space<vmem>>, vector<1x1x16xf32>,
    %get3A_1400 = vector.shape_cast %get3A_1399 : vector<1x1x16xf32> to vector<16xf32>
    %get3A_1401 = arith.constant 1 : i32
    %get3A_1402 = arith.constant 0 : i32
    %get3A_1403 = arith.index_cast %get3A_1401 : i32 to index
    %get3A_1404 = arith.index_cast %get3A_1402 : i32 to index
    %get3A_1405 = arith.constant 80 : index
    %get3A_1406 = tpu.vector_load %arg9[%get3A_1403, %get3A_1404, %get3A_1405] {strides = array<i32>} : memref<2x4x128xf32, #tpu.memory_space<vmem>>, vector<1x1x16xf32>,
    %get3A_1407 = vector.shape_cast %get3A_1406 : vector<1x1x16xf32> to vector<16xf32>
    %sub3A_1408 = arith.subf %get3A_1400, %get3A_1407 : vector<16xf32>
    %mul3A_1409 = arith.mulf %sub3A_1408, %convert_element_type3A_237 : vector<16xf32>
    %abs3A_1410 = math.absf %mul3A_1409 : vector<16xf32>
    %lt3A_1411 = arith.constant 1.000000e+00 : f32
    %lt3A_1412 = vector.broadcast %lt3A_1411 : f32 to vector<16xf32>
    %lt3A_1413 = arith.cmpf olt, %abs3A_1410, %lt3A_1412 : vector<16xf32>
    %mul3A_1414 = arith.constant 5.000000e-01 : f32
    %mul3A_1415 = vector.broadcast %mul3A_1414 : f32 to vector<16xf32>
    %mul3A_1416 = arith.mulf %mul3A_1415, %mul3A_1409 : vector<16xf32>
    %mul3A_1417 = arith.mulf %mul3A_1416, %mul3A_1409 : vector<16xf32>
    %sub3A_1418 = arith.constant 5.000000e-01 : f32
    %sub3A_1419 = vector.broadcast %sub3A_1418 : f32 to vector<16xf32>
    %sub3A_1420 = arith.subf %abs3A_1410, %sub3A_1419 : vector<16xf32>
    %select_n3A_1421 = arith.select %lt3A_1413, %mul3A_1417, %sub3A_1420 : vector<16xi1>, vector<16xf32>
    %add3A_1422 = arith.addf %add3A_1393, %select_n3A_1421 : vector<16xf32>
    %get3A_1423 = arith.constant 1 : i32
    %get3A_1424 = arith.constant 0 : i32
    %get3A_1425 = arith.index_cast %get3A_1423 : i32 to index
    %get3A_1426 = arith.index_cast %get3A_1424 : i32 to index
    %get3A_1427 = arith.constant 96 : index
    %get3A_1428 = tpu.vector_load %arg7[%get3A_1425, %get3A_1426, %get3A_1427] {strides = array<i32>} : memref<2x4x128xf32, #tpu.memory_space<vmem>>, vector<1x1x16xf32>,
    %get3A_1429 = vector.shape_cast %get3A_1428 : vector<1x1x16xf32> to vector<16xf32>
    %get3A_1430 = arith.constant 1 : i32
    %get3A_1431 = arith.constant 0 : i32
    %get3A_1432 = arith.index_cast %get3A_1430 : i32 to index
    %get3A_1433 = arith.index_cast %get3A_1431 : i32 to index
    %get3A_1434 = arith.constant 96 : index
    %get3A_1435 = tpu.vector_load %arg9[%get3A_1432, %get3A_1433, %get3A_1434] {strides = array<i32>} : memref<2x4x128xf32, #tpu.memory_space<vmem>>, vector<1x1x16xf32>,
    %get3A_1436 = vector.shape_cast %get3A_1435 : vector<1x1x16xf32> to vector<16xf32>
    %sub3A_1437 = arith.subf %get3A_1429, %get3A_1436 : vector<16xf32>
    %mul3A_1438 = arith.mulf %sub3A_1437, %convert_element_type3A_246 : vector<16xf32>
    %abs3A_1439 = math.absf %mul3A_1438 : vector<16xf32>
    %lt3A_1440 = arith.constant 1.000000e+00 : f32
    %lt3A_1441 = vector.broadcast %lt3A_1440 : f32 to vector<16xf32>
    %lt3A_1442 = arith.cmpf olt, %abs3A_1439, %lt3A_1441 : vector<16xf32>
    %mul3A_1443 = arith.constant 5.000000e-01 : f32
    %mul3A_1444 = vector.broadcast %mul3A_1443 : f32 to vector<16xf32>
    %mul3A_1445 = arith.mulf %mul3A_1444, %mul3A_1438 : vector<16xf32>
    %mul3A_1446 = arith.mulf %mul3A_1445, %mul3A_1438 : vector<16xf32>
    %sub3A_1447 = arith.constant 5.000000e-01 : f32
    %sub3A_1448 = vector.broadcast %sub3A_1447 : f32 to vector<16xf32>
    %sub3A_1449 = arith.subf %abs3A_1439, %sub3A_1448 : vector<16xf32>
    %select_n3A_1450 = arith.select %lt3A_1442, %mul3A_1446, %sub3A_1449 : vector<16xi1>, vector<16xf32>
    %add3A_1451 = arith.addf %add3A_1422, %select_n3A_1450 : vector<16xf32>
    %get3A_1452 = arith.constant 1 : i32
    %get3A_1453 = arith.constant 0 : i32
    %get3A_1454 = arith.index_cast %get3A_1452 : i32 to index
    %get3A_1455 = arith.index_cast %get3A_1453 : i32 to index
    %get3A_1456 = arith.constant 112 : index
    %get3A_1457 = tpu.vector_load %arg7[%get3A_1454, %get3A_1455, %get3A_1456] {strides = array<i32>} : memref<2x4x128xf32, #tpu.memory_space<vmem>>, vector<1x1x16xf32>,
    %get3A_1458 = vector.shape_cast %get3A_1457 : vector<1x1x16xf32> to vector<16xf32>
    %get3A_1459 = arith.constant 1 : i32
    %get3A_1460 = arith.constant 0 : i32
    %get3A_1461 = arith.index_cast %get3A_1459 : i32 to index
    %get3A_1462 = arith.index_cast %get3A_1460 : i32 to index
    %get3A_1463 = arith.constant 112 : index
    %get3A_1464 = tpu.vector_load %arg9[%get3A_1461, %get3A_1462, %get3A_1463] {strides = array<i32>} : memref<2x4x128xf32, #tpu.memory_space<vmem>>, vector<1x1x16xf32>,
    %get3A_1465 = vector.shape_cast %get3A_1464 : vector<1x1x16xf32> to vector<16xf32>
    %sub3A_1466 = arith.subf %get3A_1458, %get3A_1465 : vector<16xf32>
    %mul3A_1467 = arith.mulf %sub3A_1466, %convert_element_type3A_255 : vector<16xf32>
    %abs3A_1468 = math.absf %mul3A_1467 : vector<16xf32>
    %lt3A_1469 = arith.constant 1.000000e+00 : f32
    %lt3A_1470 = vector.broadcast %lt3A_1469 : f32 to vector<16xf32>
    %lt3A_1471 = arith.cmpf olt, %abs3A_1468, %lt3A_1470 : vector<16xf32>
    %mul3A_1472 = arith.constant 5.000000e-01 : f32
    %mul3A_1473 = vector.broadcast %mul3A_1472 : f32 to vector<16xf32>
    %mul3A_1474 = arith.mulf %mul3A_1473, %mul3A_1467 : vector<16xf32>
    %mul3A_1475 = arith.mulf %mul3A_1474, %mul3A_1467 : vector<16xf32>
    %sub3A_1476 = arith.constant 5.000000e-01 : f32
    %sub3A_1477 = vector.broadcast %sub3A_1476 : f32 to vector<16xf32>
    %sub3A_1478 = arith.subf %abs3A_1468, %sub3A_1477 : vector<16xf32>
    %select_n3A_1479 = arith.select %lt3A_1471, %mul3A_1475, %sub3A_1478 : vector<16xi1>, vector<16xf32>
    %add3A_1480 = arith.addf %add3A_1451, %select_n3A_1479 : vector<16xf32>
    %dma_wait3A_1481 = arith.constant 1 : i32
    %dma_wait3A_1482 = arith.constant 1 : i32
    %dma_wait3A_1483 = arith.constant 1 : i32
    %dma_wait3A_1484 = arith.constant 1 : i32
    %dma_wait3A_1485 = arith.constant 0 : i32
    %dma_wait3A_1486 = tpu.memref_slice %arg7[%dma_wait3A_1483, %dma_wait3A_1484, %dma_wait3A_1485] : memref<2x4x128xf32, #tpu.memory_space<vmem>> -> memref<1x1x128xf32, #tpu.memory_space<vmem>>
    %dma_wait3A_1487 = tpu.memref_squeeze %dma_wait3A_1486 : memref<1x1x128xf32, #tpu.memory_space<vmem>> -> memref<128xf32, #tpu.memory_space<vmem>>
    %dma_wait3A_1488 = arith.constant 0 : i32
    %dma_wait3A_1489 = tpu.memref_slice %arg6[%dma_wait3A_1481, %dma_wait3A_1482, %dma_wait3A_1488] : memref<2x5x128xi32, #tpu.memory_space<vmem>> -> memref<1x1x128xi32, #tpu.memory_space<vmem>>
    %dma_wait3A_1490 = tpu.memref_squeeze %dma_wait3A_1489 : memref<1x1x128xi32, #tpu.memory_space<vmem>> -> memref<128xi32, #tpu.memory_space<vmem>>
    %dma_wait3A_1491 = arith.constant 0 : i32
    %dma_wait3A_1492 = tpu.memref_slice %arg2[%dma_wait3A_1491] : memref<2097152xf32, #tpu.memory_space<hbm>> -> memref<2097152xf32, #tpu.memory_space<hbm>>
    tpu.wait_indirect_dma semaphore(%arg17 : memref<!tpu.dma_semaphore, #tpu.memory_space<semaphore_mem>>) src(%dma_wait3A_1492 : memref<2097152xf32, #tpu.memory_space<hbm>>) dst(%dma_wait3A_1487 : memref<128xf32, #tpu.memory_space<vmem>>)
    %get3A_1493 = arith.constant 1 : i32
    %get3A_1494 = arith.constant 1 : i32
    %get3A_1495 = arith.index_cast %get3A_1493 : i32 to index
    %get3A_1496 = arith.index_cast %get3A_1494 : i32 to index
    %get3A_1497 = arith.constant 0 : index
    %get3A_1498 = tpu.vector_load %arg7[%get3A_1495, %get3A_1496, %get3A_1497] {strides = array<i32>} : memref<2x4x128xf32, #tpu.memory_space<vmem>>, vector<1x1x16xf32>,
    %get3A_1499 = vector.shape_cast %get3A_1498 : vector<1x1x16xf32> to vector<16xf32>
    %get3A_1500 = arith.constant 1 : i32
    %get3A_1501 = arith.constant 1 : i32
    %get3A_1502 = arith.index_cast %get3A_1500 : i32 to index
    %get3A_1503 = arith.index_cast %get3A_1501 : i32 to index
    %get3A_1504 = arith.constant 0 : index
    %get3A_1505 = tpu.vector_load %arg9[%get3A_1502, %get3A_1503, %get3A_1504] {strides = array<i32>} : memref<2x4x128xf32, #tpu.memory_space<vmem>>, vector<1x1x16xf32>,
    %get3A_1506 = vector.shape_cast %get3A_1505 : vector<1x1x16xf32> to vector<16xf32>
    %sub3A_1507 = arith.subf %get3A_1499, %get3A_1506 : vector<16xf32>
    %mul3A_1508 = arith.mulf %sub3A_1507, %convert_element_type3A_192 : vector<16xf32>
    %abs3A_1509 = math.absf %mul3A_1508 : vector<16xf32>
    %lt3A_1510 = arith.constant 1.000000e+00 : f32
    %lt3A_1511 = vector.broadcast %lt3A_1510 : f32 to vector<16xf32>
    %lt3A_1512 = arith.cmpf olt, %abs3A_1509, %lt3A_1511 : vector<16xf32>
    %mul3A_1513 = arith.constant 5.000000e-01 : f32
    %mul3A_1514 = vector.broadcast %mul3A_1513 : f32 to vector<16xf32>
    %mul3A_1515 = arith.mulf %mul3A_1514, %mul3A_1508 : vector<16xf32>
    %mul3A_1516 = arith.mulf %mul3A_1515, %mul3A_1508 : vector<16xf32>
    %sub3A_1517 = arith.constant 5.000000e-01 : f32
    %sub3A_1518 = vector.broadcast %sub3A_1517 : f32 to vector<16xf32>
    %sub3A_1519 = arith.subf %abs3A_1509, %sub3A_1518 : vector<16xf32>
    %select_n3A_1520 = arith.select %lt3A_1512, %mul3A_1516, %sub3A_1519 : vector<16xi1>, vector<16xf32>
    %add3A_1521 = arith.addf %add3A_1480, %select_n3A_1520 : vector<16xf32>
    %get3A_1522 = arith.constant 1 : i32
    %get3A_1523 = arith.constant 1 : i32
    %get3A_1524 = arith.index_cast %get3A_1522 : i32 to index
    %get3A_1525 = arith.index_cast %get3A_1523 : i32 to index
    %get3A_1526 = arith.constant 16 : index
    %get3A_1527 = tpu.vector_load %arg7[%get3A_1524, %get3A_1525, %get3A_1526] {strides = array<i32>} : memref<2x4x128xf32, #tpu.memory_space<vmem>>, vector<1x1x16xf32>,
    %get3A_1528 = vector.shape_cast %get3A_1527 : vector<1x1x16xf32> to vector<16xf32>
    %get3A_1529 = arith.constant 1 : i32
    %get3A_1530 = arith.constant 1 : i32
    %get3A_1531 = arith.index_cast %get3A_1529 : i32 to index
    %get3A_1532 = arith.index_cast %get3A_1530 : i32 to index
    %get3A_1533 = arith.constant 16 : index
    %get3A_1534 = tpu.vector_load %arg9[%get3A_1531, %get3A_1532, %get3A_1533] {strides = array<i32>} : memref<2x4x128xf32, #tpu.memory_space<vmem>>, vector<1x1x16xf32>,
    %get3A_1535 = vector.shape_cast %get3A_1534 : vector<1x1x16xf32> to vector<16xf32>
    %sub3A_1536 = arith.subf %get3A_1528, %get3A_1535 : vector<16xf32>
    %mul3A_1537 = arith.mulf %sub3A_1536, %convert_element_type3A_201 : vector<16xf32>
    %abs3A_1538 = math.absf %mul3A_1537 : vector<16xf32>
    %lt3A_1539 = arith.constant 1.000000e+00 : f32
    %lt3A_1540 = vector.broadcast %lt3A_1539 : f32 to vector<16xf32>
    %lt3A_1541 = arith.cmpf olt, %abs3A_1538, %lt3A_1540 : vector<16xf32>
    %mul3A_1542 = arith.constant 5.000000e-01 : f32
    %mul3A_1543 = vector.broadcast %mul3A_1542 : f32 to vector<16xf32>
    %mul3A_1544 = arith.mulf %mul3A_1543, %mul3A_1537 : vector<16xf32>
    %mul3A_1545 = arith.mulf %mul3A_1544, %mul3A_1537 : vector<16xf32>
    %sub3A_1546 = arith.constant 5.000000e-01 : f32
    %sub3A_1547 = vector.broadcast %sub3A_1546 : f32 to vector<16xf32>
    %sub3A_1548 = arith.subf %abs3A_1538, %sub3A_1547 : vector<16xf32>
    %select_n3A_1549 = arith.select %lt3A_1541, %mul3A_1545, %sub3A_1548 : vector<16xi1>, vector<16xf32>
    %add3A_1550 = arith.addf %add3A_1521, %select_n3A_1549 : vector<16xf32>
    %get3A_1551 = arith.constant 1 : i32
    %get3A_1552 = arith.constant 1 : i32
    %get3A_1553 = arith.index_cast %get3A_1551 : i32 to index
    %get3A_1554 = arith.index_cast %get3A_1552 : i32 to index
    %get3A_1555 = arith.constant 32 : index
    %get3A_1556 = tpu.vector_load %arg7[%get3A_1553, %get3A_1554, %get3A_1555] {strides = array<i32>} : memref<2x4x128xf32, #tpu.memory_space<vmem>>, vector<1x1x16xf32>,
    %get3A_1557 = vector.shape_cast %get3A_1556 : vector<1x1x16xf32> to vector<16xf32>
    %get3A_1558 = arith.constant 1 : i32
    %get3A_1559 = arith.constant 1 : i32
    %get3A_1560 = arith.index_cast %get3A_1558 : i32 to index
    %get3A_1561 = arith.index_cast %get3A_1559 : i32 to index
    %get3A_1562 = arith.constant 32 : index
    %get3A_1563 = tpu.vector_load %arg9[%get3A_1560, %get3A_1561, %get3A_1562] {strides = array<i32>} : memref<2x4x128xf32, #tpu.memory_space<vmem>>, vector<1x1x16xf32>,
    %get3A_1564 = vector.shape_cast %get3A_1563 : vector<1x1x16xf32> to vector<16xf32>
    %sub3A_1565 = arith.subf %get3A_1557, %get3A_1564 : vector<16xf32>
    %mul3A_1566 = arith.mulf %sub3A_1565, %convert_element_type3A_210 : vector<16xf32>
    %abs3A_1567 = math.absf %mul3A_1566 : vector<16xf32>
    %lt3A_1568 = arith.constant 1.000000e+00 : f32
    %lt3A_1569 = vector.broadcast %lt3A_1568 : f32 to vector<16xf32>
    %lt3A_1570 = arith.cmpf olt, %abs3A_1567, %lt3A_1569 : vector<16xf32>
    %mul3A_1571 = arith.constant 5.000000e-01 : f32
    %mul3A_1572 = vector.broadcast %mul3A_1571 : f32 to vector<16xf32>
    %mul3A_1573 = arith.mulf %mul3A_1572, %mul3A_1566 : vector<16xf32>
    %mul3A_1574 = arith.mulf %mul3A_1573, %mul3A_1566 : vector<16xf32>
    %sub3A_1575 = arith.constant 5.000000e-01 : f32
    %sub3A_1576 = vector.broadcast %sub3A_1575 : f32 to vector<16xf32>
    %sub3A_1577 = arith.subf %abs3A_1567, %sub3A_1576 : vector<16xf32>
    %select_n3A_1578 = arith.select %lt3A_1570, %mul3A_1574, %sub3A_1577 : vector<16xi1>, vector<16xf32>
    %add3A_1579 = arith.addf %add3A_1550, %select_n3A_1578 : vector<16xf32>
    %get3A_1580 = arith.constant 1 : i32
    %get3A_1581 = arith.constant 1 : i32
    %get3A_1582 = arith.index_cast %get3A_1580 : i32 to index
    %get3A_1583 = arith.index_cast %get3A_1581 : i32 to index
    %get3A_1584 = arith.constant 48 : index
    %get3A_1585 = tpu.vector_load %arg7[%get3A_1582, %get3A_1583, %get3A_1584] {strides = array<i32>} : memref<2x4x128xf32, #tpu.memory_space<vmem>>, vector<1x1x16xf32>,
    %get3A_1586 = vector.shape_cast %get3A_1585 : vector<1x1x16xf32> to vector<16xf32>
    %get3A_1587 = arith.constant 1 : i32
    %get3A_1588 = arith.constant 1 : i32
    %get3A_1589 = arith.index_cast %get3A_1587 : i32 to index
    %get3A_1590 = arith.index_cast %get3A_1588 : i32 to index
    %get3A_1591 = arith.constant 48 : index
    %get3A_1592 = tpu.vector_load %arg9[%get3A_1589, %get3A_1590, %get3A_1591] {strides = array<i32>} : memref<2x4x128xf32, #tpu.memory_space<vmem>>, vector<1x1x16xf32>,
    %get3A_1593 = vector.shape_cast %get3A_1592 : vector<1x1x16xf32> to vector<16xf32>
    %sub3A_1594 = arith.subf %get3A_1586, %get3A_1593 : vector<16xf32>
    %mul3A_1595 = arith.mulf %sub3A_1594, %convert_element_type3A_219 : vector<16xf32>
    %abs3A_1596 = math.absf %mul3A_1595 : vector<16xf32>
    %lt3A_1597 = arith.constant 1.000000e+00 : f32
    %lt3A_1598 = vector.broadcast %lt3A_1597 : f32 to vector<16xf32>
    %lt3A_1599 = arith.cmpf olt, %abs3A_1596, %lt3A_1598 : vector<16xf32>
    %mul3A_1600 = arith.constant 5.000000e-01 : f32
    %mul3A_1601 = vector.broadcast %mul3A_1600 : f32 to vector<16xf32>
    %mul3A_1602 = arith.mulf %mul3A_1601, %mul3A_1595 : vector<16xf32>
    %mul3A_1603 = arith.mulf %mul3A_1602, %mul3A_1595 : vector<16xf32>
    %sub3A_1604 = arith.constant 5.000000e-01 : f32
    %sub3A_1605 = vector.broadcast %sub3A_1604 : f32 to vector<16xf32>
    %sub3A_1606 = arith.subf %abs3A_1596, %sub3A_1605 : vector<16xf32>
    %select_n3A_1607 = arith.select %lt3A_1599, %mul3A_1603, %sub3A_1606 : vector<16xi1>, vector<16xf32>
    %add3A_1608 = arith.addf %add3A_1579, %select_n3A_1607 : vector<16xf32>
    %get3A_1609 = arith.constant 1 : i32
    %get3A_1610 = arith.constant 1 : i32
    %get3A_1611 = arith.index_cast %get3A_1609 : i32 to index
    %get3A_1612 = arith.index_cast %get3A_1610 : i32 to index
    %get3A_1613 = arith.constant 64 : index
    %get3A_1614 = tpu.vector_load %arg7[%get3A_1611, %get3A_1612, %get3A_1613] {strides = array<i32>} : memref<2x4x128xf32, #tpu.memory_space<vmem>>, vector<1x1x16xf32>,
    %get3A_1615 = vector.shape_cast %get3A_1614 : vector<1x1x16xf32> to vector<16xf32>
    %get3A_1616 = arith.constant 1 : i32
    %get3A_1617 = arith.constant 1 : i32
    %get3A_1618 = arith.index_cast %get3A_1616 : i32 to index
    %get3A_1619 = arith.index_cast %get3A_1617 : i32 to index
    %get3A_1620 = arith.constant 64 : index
    %get3A_1621 = tpu.vector_load %arg9[%get3A_1618, %get3A_1619, %get3A_1620] {strides = array<i32>} : memref<2x4x128xf32, #tpu.memory_space<vmem>>, vector<1x1x16xf32>,
    %get3A_1622 = vector.shape_cast %get3A_1621 : vector<1x1x16xf32> to vector<16xf32>
    %sub3A_1623 = arith.subf %get3A_1615, %get3A_1622 : vector<16xf32>
    %mul3A_1624 = arith.mulf %sub3A_1623, %convert_element_type3A_228 : vector<16xf32>
    %abs3A_1625 = math.absf %mul3A_1624 : vector<16xf32>
    %lt3A_1626 = arith.constant 1.000000e+00 : f32
    %lt3A_1627 = vector.broadcast %lt3A_1626 : f32 to vector<16xf32>
    %lt3A_1628 = arith.cmpf olt, %abs3A_1625, %lt3A_1627 : vector<16xf32>
    %mul3A_1629 = arith.constant 5.000000e-01 : f32
    %mul3A_1630 = vector.broadcast %mul3A_1629 : f32 to vector<16xf32>
    %mul3A_1631 = arith.mulf %mul3A_1630, %mul3A_1624 : vector<16xf32>
    %mul3A_1632 = arith.mulf %mul3A_1631, %mul3A_1624 : vector<16xf32>
    %sub3A_1633 = arith.constant 5.000000e-01 : f32
    %sub3A_1634 = vector.broadcast %sub3A_1633 : f32 to vector<16xf32>
    %sub3A_1635 = arith.subf %abs3A_1625, %sub3A_1634 : vector<16xf32>
    %select_n3A_1636 = arith.select %lt3A_1628, %mul3A_1632, %sub3A_1635 : vector<16xi1>, vector<16xf32>
    %add3A_1637 = arith.addf %add3A_1608, %select_n3A_1636 : vector<16xf32>
    %get3A_1638 = arith.constant 1 : i32
    %get3A_1639 = arith.constant 1 : i32
    %get3A_1640 = arith.index_cast %get3A_1638 : i32 to index
    %get3A_1641 = arith.index_cast %get3A_1639 : i32 to index
    %get3A_1642 = arith.constant 80 : index
    %get3A_1643 = tpu.vector_load %arg7[%get3A_1640, %get3A_1641, %get3A_1642] {strides = array<i32>} : memref<2x4x128xf32, #tpu.memory_space<vmem>>, vector<1x1x16xf32>,
    %get3A_1644 = vector.shape_cast %get3A_1643 : vector<1x1x16xf32> to vector<16xf32>
    %get3A_1645 = arith.constant 1 : i32
    %get3A_1646 = arith.constant 1 : i32
    %get3A_1647 = arith.index_cast %get3A_1645 : i32 to index
    %get3A_1648 = arith.index_cast %get3A_1646 : i32 to index
    %get3A_1649 = arith.constant 80 : index
    %get3A_1650 = tpu.vector_load %arg9[%get3A_1647, %get3A_1648, %get3A_1649] {strides = array<i32>} : memref<2x4x128xf32, #tpu.memory_space<vmem>>, vector<1x1x16xf32>,
    %get3A_1651 = vector.shape_cast %get3A_1650 : vector<1x1x16xf32> to vector<16xf32>
    %sub3A_1652 = arith.subf %get3A_1644, %get3A_1651 : vector<16xf32>
    %mul3A_1653 = arith.mulf %sub3A_1652, %convert_element_type3A_237 : vector<16xf32>
    %abs3A_1654 = math.absf %mul3A_1653 : vector<16xf32>
    %lt3A_1655 = arith.constant 1.000000e+00 : f32
    %lt3A_1656 = vector.broadcast %lt3A_1655 : f32 to vector<16xf32>
    %lt3A_1657 = arith.cmpf olt, %abs3A_1654, %lt3A_1656 : vector<16xf32>
    %mul3A_1658 = arith.constant 5.000000e-01 : f32
    %mul3A_1659 = vector.broadcast %mul3A_1658 : f32 to vector<16xf32>
    %mul3A_1660 = arith.mulf %mul3A_1659, %mul3A_1653 : vector<16xf32>
    %mul3A_1661 = arith.mulf %mul3A_1660, %mul3A_1653 : vector<16xf32>
    %sub3A_1662 = arith.constant 5.000000e-01 : f32
    %sub3A_1663 = vector.broadcast %sub3A_1662 : f32 to vector<16xf32>
    %sub3A_1664 = arith.subf %abs3A_1654, %sub3A_1663 : vector<16xf32>
    %select_n3A_1665 = arith.select %lt3A_1657, %mul3A_1661, %sub3A_1664 : vector<16xi1>, vector<16xf32>
    %add3A_1666 = arith.addf %add3A_1637, %select_n3A_1665 : vector<16xf32>
    %get3A_1667 = arith.constant 1 : i32
    %get3A_1668 = arith.constant 1 : i32
    %get3A_1669 = arith.index_cast %get3A_1667 : i32 to index
    %get3A_1670 = arith.index_cast %get3A_1668 : i32 to index
    %get3A_1671 = arith.constant 96 : index
    %get3A_1672 = tpu.vector_load %arg7[%get3A_1669, %get3A_1670, %get3A_1671] {strides = array<i32>} : memref<2x4x128xf32, #tpu.memory_space<vmem>>, vector<1x1x16xf32>,
    %get3A_1673 = vector.shape_cast %get3A_1672 : vector<1x1x16xf32> to vector<16xf32>
    %get3A_1674 = arith.constant 1 : i32
    %get3A_1675 = arith.constant 1 : i32
    %get3A_1676 = arith.index_cast %get3A_1674 : i32 to index
    %get3A_1677 = arith.index_cast %get3A_1675 : i32 to index
    %get3A_1678 = arith.constant 96 : index
    %get3A_1679 = tpu.vector_load %arg9[%get3A_1676, %get3A_1677, %get3A_1678] {strides = array<i32>} : memref<2x4x128xf32, #tpu.memory_space<vmem>>, vector<1x1x16xf32>,
    %get3A_1680 = vector.shape_cast %get3A_1679 : vector<1x1x16xf32> to vector<16xf32>
    %sub3A_1681 = arith.subf %get3A_1673, %get3A_1680 : vector<16xf32>
    %mul3A_1682 = arith.mulf %sub3A_1681, %convert_element_type3A_246 : vector<16xf32>
    %abs3A_1683 = math.absf %mul3A_1682 : vector<16xf32>
    %lt3A_1684 = arith.constant 1.000000e+00 : f32
    %lt3A_1685 = vector.broadcast %lt3A_1684 : f32 to vector<16xf32>
    %lt3A_1686 = arith.cmpf olt, %abs3A_1683, %lt3A_1685 : vector<16xf32>
    %mul3A_1687 = arith.constant 5.000000e-01 : f32
    %mul3A_1688 = vector.broadcast %mul3A_1687 : f32 to vector<16xf32>
    %mul3A_1689 = arith.mulf %mul3A_1688, %mul3A_1682 : vector<16xf32>
    %mul3A_1690 = arith.mulf %mul3A_1689, %mul3A_1682 : vector<16xf32>
    %sub3A_1691 = arith.constant 5.000000e-01 : f32
    %sub3A_1692 = vector.broadcast %sub3A_1691 : f32 to vector<16xf32>
    %sub3A_1693 = arith.subf %abs3A_1683, %sub3A_1692 : vector<16xf32>
    %select_n3A_1694 = arith.select %lt3A_1686, %mul3A_1690, %sub3A_1693 : vector<16xi1>, vector<16xf32>
    %add3A_1695 = arith.addf %add3A_1666, %select_n3A_1694 : vector<16xf32>
    %get3A_1696 = arith.constant 1 : i32
    %get3A_1697 = arith.constant 1 : i32
    %get3A_1698 = arith.index_cast %get3A_1696 : i32 to index
    %get3A_1699 = arith.index_cast %get3A_1697 : i32 to index
    %get3A_1700 = arith.constant 112 : index
    %get3A_1701 = tpu.vector_load %arg7[%get3A_1698, %get3A_1699, %get3A_1700] {strides = array<i32>} : memref<2x4x128xf32, #tpu.memory_space<vmem>>, vector<1x1x16xf32>,
    %get3A_1702 = vector.shape_cast %get3A_1701 : vector<1x1x16xf32> to vector<16xf32>
    %get3A_1703 = arith.constant 1 : i32
    %get3A_1704 = arith.constant 1 : i32
    %get3A_1705 = arith.index_cast %get3A_1703 : i32 to index
    %get3A_1706 = arith.index_cast %get3A_1704 : i32 to index
    %get3A_1707 = arith.constant 112 : index
    %get3A_1708 = tpu.vector_load %arg9[%get3A_1705, %get3A_1706, %get3A_1707] {strides = array<i32>} : memref<2x4x128xf32, #tpu.memory_space<vmem>>, vector<1x1x16xf32>,
    %get3A_1709 = vector.shape_cast %get3A_1708 : vector<1x1x16xf32> to vector<16xf32>
    %sub3A_1710 = arith.subf %get3A_1702, %get3A_1709 : vector<16xf32>
    %mul3A_1711 = arith.mulf %sub3A_1710, %convert_element_type3A_255 : vector<16xf32>
    %abs3A_1712 = math.absf %mul3A_1711 : vector<16xf32>
    %lt3A_1713 = arith.constant 1.000000e+00 : f32
    %lt3A_1714 = vector.broadcast %lt3A_1713 : f32 to vector<16xf32>
    %lt3A_1715 = arith.cmpf olt, %abs3A_1712, %lt3A_1714 : vector<16xf32>
    %mul3A_1716 = arith.constant 5.000000e-01 : f32
    %mul3A_1717 = vector.broadcast %mul3A_1716 : f32 to vector<16xf32>
    %mul3A_1718 = arith.mulf %mul3A_1717, %mul3A_1711 : vector<16xf32>
    %mul3A_1719 = arith.mulf %mul3A_1718, %mul3A_1711 : vector<16xf32>
    %sub3A_1720 = arith.constant 5.000000e-01 : f32
    %sub3A_1721 = vector.broadcast %sub3A_1720 : f32 to vector<16xf32>
    %sub3A_1722 = arith.subf %abs3A_1712, %sub3A_1721 : vector<16xf32>
    %select_n3A_1723 = arith.select %lt3A_1715, %mul3A_1719, %sub3A_1722 : vector<16xi1>, vector<16xf32>
    %add3A_1724 = arith.addf %add3A_1695, %select_n3A_1723 : vector<16xf32>
    %dma_wait3A_1725 = arith.constant 1 : i32
    %dma_wait3A_1726 = arith.constant 2 : i32
    %dma_wait3A_1727 = arith.constant 1 : i32
    %dma_wait3A_1728 = arith.constant 2 : i32
    %dma_wait3A_1729 = arith.constant 0 : i32
    %dma_wait3A_1730 = tpu.memref_slice %arg7[%dma_wait3A_1727, %dma_wait3A_1728, %dma_wait3A_1729] : memref<2x4x128xf32, #tpu.memory_space<vmem>> -> memref<1x1x128xf32, #tpu.memory_space<vmem>>
    %dma_wait3A_1731 = tpu.memref_squeeze %dma_wait3A_1730 : memref<1x1x128xf32, #tpu.memory_space<vmem>> -> memref<128xf32, #tpu.memory_space<vmem>>
    %dma_wait3A_1732 = arith.constant 0 : i32
    %dma_wait3A_1733 = tpu.memref_slice %arg6[%dma_wait3A_1725, %dma_wait3A_1726, %dma_wait3A_1732] : memref<2x5x128xi32, #tpu.memory_space<vmem>> -> memref<1x1x128xi32, #tpu.memory_space<vmem>>
    %dma_wait3A_1734 = tpu.memref_squeeze %dma_wait3A_1733 : memref<1x1x128xi32, #tpu.memory_space<vmem>> -> memref<128xi32, #tpu.memory_space<vmem>>
    %dma_wait3A_1735 = arith.constant 0 : i32
    %dma_wait3A_1736 = tpu.memref_slice %arg2[%dma_wait3A_1735] : memref<2097152xf32, #tpu.memory_space<hbm>> -> memref<2097152xf32, #tpu.memory_space<hbm>>
    tpu.wait_indirect_dma semaphore(%arg18 : memref<!tpu.dma_semaphore, #tpu.memory_space<semaphore_mem>>) src(%dma_wait3A_1736 : memref<2097152xf32, #tpu.memory_space<hbm>>) dst(%dma_wait3A_1731 : memref<128xf32, #tpu.memory_space<vmem>>)
    %get3A_1737 = arith.constant 1 : i32
    %get3A_1738 = arith.constant 2 : i32
    %get3A_1739 = arith.index_cast %get3A_1737 : i32 to index
    %get3A_1740 = arith.index_cast %get3A_1738 : i32 to index
    %get3A_1741 = arith.constant 0 : index
    %get3A_1742 = tpu.vector_load %arg7[%get3A_1739, %get3A_1740, %get3A_1741] {strides = array<i32>} : memref<2x4x128xf32, #tpu.memory_space<vmem>>, vector<1x1x16xf32>,
    %get3A_1743 = vector.shape_cast %get3A_1742 : vector<1x1x16xf32> to vector<16xf32>
    %get3A_1744 = arith.constant 1 : i32
    %get3A_1745 = arith.constant 2 : i32
    %get3A_1746 = arith.index_cast %get3A_1744 : i32 to index
    %get3A_1747 = arith.index_cast %get3A_1745 : i32 to index
    %get3A_1748 = arith.constant 0 : index
    %get3A_1749 = tpu.vector_load %arg9[%get3A_1746, %get3A_1747, %get3A_1748] {strides = array<i32>} : memref<2x4x128xf32, #tpu.memory_space<vmem>>, vector<1x1x16xf32>,
    %get3A_1750 = vector.shape_cast %get3A_1749 : vector<1x1x16xf32> to vector<16xf32>
    %sub3A_1751 = arith.subf %get3A_1743, %get3A_1750 : vector<16xf32>
    %mul3A_1752 = arith.mulf %sub3A_1751, %convert_element_type3A_192 : vector<16xf32>
    %abs3A_1753 = math.absf %mul3A_1752 : vector<16xf32>
    %lt3A_1754 = arith.constant 1.000000e+00 : f32
    %lt3A_1755 = vector.broadcast %lt3A_1754 : f32 to vector<16xf32>
    %lt3A_1756 = arith.cmpf olt, %abs3A_1753, %lt3A_1755 : vector<16xf32>
    %mul3A_1757 = arith.constant 5.000000e-01 : f32
    %mul3A_1758 = vector.broadcast %mul3A_1757 : f32 to vector<16xf32>
    %mul3A_1759 = arith.mulf %mul3A_1758, %mul3A_1752 : vector<16xf32>
    %mul3A_1760 = arith.mulf %mul3A_1759, %mul3A_1752 : vector<16xf32>
    %sub3A_1761 = arith.constant 5.000000e-01 : f32
    %sub3A_1762 = vector.broadcast %sub3A_1761 : f32 to vector<16xf32>
    %sub3A_1763 = arith.subf %abs3A_1753, %sub3A_1762 : vector<16xf32>
    %select_n3A_1764 = arith.select %lt3A_1756, %mul3A_1760, %sub3A_1763 : vector<16xi1>, vector<16xf32>
    %add3A_1765 = arith.addf %add3A_1724, %select_n3A_1764 : vector<16xf32>
    %get3A_1766 = arith.constant 1 : i32
    %get3A_1767 = arith.constant 2 : i32
    %get3A_1768 = arith.index_cast %get3A_1766 : i32 to index
    %get3A_1769 = arith.index_cast %get3A_1767 : i32 to index
    %get3A_1770 = arith.constant 16 : index
    %get3A_1771 = tpu.vector_load %arg7[%get3A_1768, %get3A_1769, %get3A_1770] {strides = array<i32>} : memref<2x4x128xf32, #tpu.memory_space<vmem>>, vector<1x1x16xf32>,
    %get3A_1772 = vector.shape_cast %get3A_1771 : vector<1x1x16xf32> to vector<16xf32>
    %get3A_1773 = arith.constant 1 : i32
    %get3A_1774 = arith.constant 2 : i32
    %get3A_1775 = arith.index_cast %get3A_1773 : i32 to index
    %get3A_1776 = arith.index_cast %get3A_1774 : i32 to index
    %get3A_1777 = arith.constant 16 : index
    %get3A_1778 = tpu.vector_load %arg9[%get3A_1775, %get3A_1776, %get3A_1777] {strides = array<i32>} : memref<2x4x128xf32, #tpu.memory_space<vmem>>, vector<1x1x16xf32>,
    %get3A_1779 = vector.shape_cast %get3A_1778 : vector<1x1x16xf32> to vector<16xf32>
    %sub3A_1780 = arith.subf %get3A_1772, %get3A_1779 : vector<16xf32>
    %mul3A_1781 = arith.mulf %sub3A_1780, %convert_element_type3A_201 : vector<16xf32>
    %abs3A_1782 = math.absf %mul3A_1781 : vector<16xf32>
    %lt3A_1783 = arith.constant 1.000000e+00 : f32
    %lt3A_1784 = vector.broadcast %lt3A_1783 : f32 to vector<16xf32>
    %lt3A_1785 = arith.cmpf olt, %abs3A_1782, %lt3A_1784 : vector<16xf32>
    %mul3A_1786 = arith.constant 5.000000e-01 : f32
    %mul3A_1787 = vector.broadcast %mul3A_1786 : f32 to vector<16xf32>
    %mul3A_1788 = arith.mulf %mul3A_1787, %mul3A_1781 : vector<16xf32>
    %mul3A_1789 = arith.mulf %mul3A_1788, %mul3A_1781 : vector<16xf32>
    %sub3A_1790 = arith.constant 5.000000e-01 : f32
    %sub3A_1791 = vector.broadcast %sub3A_1790 : f32 to vector<16xf32>
    %sub3A_1792 = arith.subf %abs3A_1782, %sub3A_1791 : vector<16xf32>
    %select_n3A_1793 = arith.select %lt3A_1785, %mul3A_1789, %sub3A_1792 : vector<16xi1>, vector<16xf32>
    %add3A_1794 = arith.addf %add3A_1765, %select_n3A_1793 : vector<16xf32>
    %get3A_1795 = arith.constant 1 : i32
    %get3A_1796 = arith.constant 2 : i32
    %get3A_1797 = arith.index_cast %get3A_1795 : i32 to index
    %get3A_1798 = arith.index_cast %get3A_1796 : i32 to index
    %get3A_1799 = arith.constant 32 : index
    %get3A_1800 = tpu.vector_load %arg7[%get3A_1797, %get3A_1798, %get3A_1799] {strides = array<i32>} : memref<2x4x128xf32, #tpu.memory_space<vmem>>, vector<1x1x16xf32>,
    %get3A_1801 = vector.shape_cast %get3A_1800 : vector<1x1x16xf32> to vector<16xf32>
    %get3A_1802 = arith.constant 1 : i32
    %get3A_1803 = arith.constant 2 : i32
    %get3A_1804 = arith.index_cast %get3A_1802 : i32 to index
    %get3A_1805 = arith.index_cast %get3A_1803 : i32 to index
    %get3A_1806 = arith.constant 32 : index
    %get3A_1807 = tpu.vector_load %arg9[%get3A_1804, %get3A_1805, %get3A_1806] {strides = array<i32>} : memref<2x4x128xf32, #tpu.memory_space<vmem>>, vector<1x1x16xf32>,
    %get3A_1808 = vector.shape_cast %get3A_1807 : vector<1x1x16xf32> to vector<16xf32>
    %sub3A_1809 = arith.subf %get3A_1801, %get3A_1808 : vector<16xf32>
    %mul3A_1810 = arith.mulf %sub3A_1809, %convert_element_type3A_210 : vector<16xf32>
    %abs3A_1811 = math.absf %mul3A_1810 : vector<16xf32>
    %lt3A_1812 = arith.constant 1.000000e+00 : f32
    %lt3A_1813 = vector.broadcast %lt3A_1812 : f32 to vector<16xf32>
    %lt3A_1814 = arith.cmpf olt, %abs3A_1811, %lt3A_1813 : vector<16xf32>
    %mul3A_1815 = arith.constant 5.000000e-01 : f32
    %mul3A_1816 = vector.broadcast %mul3A_1815 : f32 to vector<16xf32>
    %mul3A_1817 = arith.mulf %mul3A_1816, %mul3A_1810 : vector<16xf32>
    %mul3A_1818 = arith.mulf %mul3A_1817, %mul3A_1810 : vector<16xf32>
    %sub3A_1819 = arith.constant 5.000000e-01 : f32
    %sub3A_1820 = vector.broadcast %sub3A_1819 : f32 to vector<16xf32>
    %sub3A_1821 = arith.subf %abs3A_1811, %sub3A_1820 : vector<16xf32>
    %select_n3A_1822 = arith.select %lt3A_1814, %mul3A_1818, %sub3A_1821 : vector<16xi1>, vector<16xf32>
    %add3A_1823 = arith.addf %add3A_1794, %select_n3A_1822 : vector<16xf32>
    %get3A_1824 = arith.constant 1 : i32
    %get3A_1825 = arith.constant 2 : i32
    %get3A_1826 = arith.index_cast %get3A_1824 : i32 to index
    %get3A_1827 = arith.index_cast %get3A_1825 : i32 to index
    %get3A_1828 = arith.constant 48 : index
    %get3A_1829 = tpu.vector_load %arg7[%get3A_1826, %get3A_1827, %get3A_1828] {strides = array<i32>} : memref<2x4x128xf32, #tpu.memory_space<vmem>>, vector<1x1x16xf32>,
    %get3A_1830 = vector.shape_cast %get3A_1829 : vector<1x1x16xf32> to vector<16xf32>
    %get3A_1831 = arith.constant 1 : i32
    %get3A_1832 = arith.constant 2 : i32
    %get3A_1833 = arith.index_cast %get3A_1831 : i32 to index
    %get3A_1834 = arith.index_cast %get3A_1832 : i32 to index
    %get3A_1835 = arith.constant 48 : index
    %get3A_1836 = tpu.vector_load %arg9[%get3A_1833, %get3A_1834, %get3A_1835] {strides = array<i32>} : memref<2x4x128xf32, #tpu.memory_space<vmem>>, vector<1x1x16xf32>,
    %get3A_1837 = vector.shape_cast %get3A_1836 : vector<1x1x16xf32> to vector<16xf32>
    %sub3A_1838 = arith.subf %get3A_1830, %get3A_1837 : vector<16xf32>
    %mul3A_1839 = arith.mulf %sub3A_1838, %convert_element_type3A_219 : vector<16xf32>
    %abs3A_1840 = math.absf %mul3A_1839 : vector<16xf32>
    %lt3A_1841 = arith.constant 1.000000e+00 : f32
    %lt3A_1842 = vector.broadcast %lt3A_1841 : f32 to vector<16xf32>
    %lt3A_1843 = arith.cmpf olt, %abs3A_1840, %lt3A_1842 : vector<16xf32>
    %mul3A_1844 = arith.constant 5.000000e-01 : f32
    %mul3A_1845 = vector.broadcast %mul3A_1844 : f32 to vector<16xf32>
    %mul3A_1846 = arith.mulf %mul3A_1845, %mul3A_1839 : vector<16xf32>
    %mul3A_1847 = arith.mulf %mul3A_1846, %mul3A_1839 : vector<16xf32>
    %sub3A_1848 = arith.constant 5.000000e-01 : f32
    %sub3A_1849 = vector.broadcast %sub3A_1848 : f32 to vector<16xf32>
    %sub3A_1850 = arith.subf %abs3A_1840, %sub3A_1849 : vector<16xf32>
    %select_n3A_1851 = arith.select %lt3A_1843, %mul3A_1847, %sub3A_1850 : vector<16xi1>, vector<16xf32>
    %add3A_1852 = arith.addf %add3A_1823, %select_n3A_1851 : vector<16xf32>
    %get3A_1853 = arith.constant 1 : i32
    %get3A_1854 = arith.constant 2 : i32
    %get3A_1855 = arith.index_cast %get3A_1853 : i32 to index
    %get3A_1856 = arith.index_cast %get3A_1854 : i32 to index
    %get3A_1857 = arith.constant 64 : index
    %get3A_1858 = tpu.vector_load %arg7[%get3A_1855, %get3A_1856, %get3A_1857] {strides = array<i32>} : memref<2x4x128xf32, #tpu.memory_space<vmem>>, vector<1x1x16xf32>,
    %get3A_1859 = vector.shape_cast %get3A_1858 : vector<1x1x16xf32> to vector<16xf32>
    %get3A_1860 = arith.constant 1 : i32
    %get3A_1861 = arith.constant 2 : i32
    %get3A_1862 = arith.index_cast %get3A_1860 : i32 to index
    %get3A_1863 = arith.index_cast %get3A_1861 : i32 to index
    %get3A_1864 = arith.constant 64 : index
    %get3A_1865 = tpu.vector_load %arg9[%get3A_1862, %get3A_1863, %get3A_1864] {strides = array<i32>} : memref<2x4x128xf32, #tpu.memory_space<vmem>>, vector<1x1x16xf32>,
    %get3A_1866 = vector.shape_cast %get3A_1865 : vector<1x1x16xf32> to vector<16xf32>
    %sub3A_1867 = arith.subf %get3A_1859, %get3A_1866 : vector<16xf32>
    %mul3A_1868 = arith.mulf %sub3A_1867, %convert_element_type3A_228 : vector<16xf32>
    %abs3A_1869 = math.absf %mul3A_1868 : vector<16xf32>
    %lt3A_1870 = arith.constant 1.000000e+00 : f32
    %lt3A_1871 = vector.broadcast %lt3A_1870 : f32 to vector<16xf32>
    %lt3A_1872 = arith.cmpf olt, %abs3A_1869, %lt3A_1871 : vector<16xf32>
    %mul3A_1873 = arith.constant 5.000000e-01 : f32
    %mul3A_1874 = vector.broadcast %mul3A_1873 : f32 to vector<16xf32>
    %mul3A_1875 = arith.mulf %mul3A_1874, %mul3A_1868 : vector<16xf32>
    %mul3A_1876 = arith.mulf %mul3A_1875, %mul3A_1868 : vector<16xf32>
    %sub3A_1877 = arith.constant 5.000000e-01 : f32
    %sub3A_1878 = vector.broadcast %sub3A_1877 : f32 to vector<16xf32>
    %sub3A_1879 = arith.subf %abs3A_1869, %sub3A_1878 : vector<16xf32>
    %select_n3A_1880 = arith.select %lt3A_1872, %mul3A_1876, %sub3A_1879 : vector<16xi1>, vector<16xf32>
    %add3A_1881 = arith.addf %add3A_1852, %select_n3A_1880 : vector<16xf32>
    %get3A_1882 = arith.constant 1 : i32
    %get3A_1883 = arith.constant 2 : i32
    %get3A_1884 = arith.index_cast %get3A_1882 : i32 to index
    %get3A_1885 = arith.index_cast %get3A_1883 : i32 to index
    %get3A_1886 = arith.constant 80 : index
    %get3A_1887 = tpu.vector_load %arg7[%get3A_1884, %get3A_1885, %get3A_1886] {strides = array<i32>} : memref<2x4x128xf32, #tpu.memory_space<vmem>>, vector<1x1x16xf32>,
    %get3A_1888 = vector.shape_cast %get3A_1887 : vector<1x1x16xf32> to vector<16xf32>
    %get3A_1889 = arith.constant 1 : i32
    %get3A_1890 = arith.constant 2 : i32
    %get3A_1891 = arith.index_cast %get3A_1889 : i32 to index
    %get3A_1892 = arith.index_cast %get3A_1890 : i32 to index
    %get3A_1893 = arith.constant 80 : index
    %get3A_1894 = tpu.vector_load %arg9[%get3A_1891, %get3A_1892, %get3A_1893] {strides = array<i32>} : memref<2x4x128xf32, #tpu.memory_space<vmem>>, vector<1x1x16xf32>,
    %get3A_1895 = vector.shape_cast %get3A_1894 : vector<1x1x16xf32> to vector<16xf32>
    %sub3A_1896 = arith.subf %get3A_1888, %get3A_1895 : vector<16xf32>
    %mul3A_1897 = arith.mulf %sub3A_1896, %convert_element_type3A_237 : vector<16xf32>
    %abs3A_1898 = math.absf %mul3A_1897 : vector<16xf32>
    %lt3A_1899 = arith.constant 1.000000e+00 : f32
    %lt3A_1900 = vector.broadcast %lt3A_1899 : f32 to vector<16xf32>
    %lt3A_1901 = arith.cmpf olt, %abs3A_1898, %lt3A_1900 : vector<16xf32>
    %mul3A_1902 = arith.constant 5.000000e-01 : f32
    %mul3A_1903 = vector.broadcast %mul3A_1902 : f32 to vector<16xf32>
    %mul3A_1904 = arith.mulf %mul3A_1903, %mul3A_1897 : vector<16xf32>
    %mul3A_1905 = arith.mulf %mul3A_1904, %mul3A_1897 : vector<16xf32>
    %sub3A_1906 = arith.constant 5.000000e-01 : f32
    %sub3A_1907 = vector.broadcast %sub3A_1906 : f32 to vector<16xf32>
    %sub3A_1908 = arith.subf %abs3A_1898, %sub3A_1907 : vector<16xf32>
    %select_n3A_1909 = arith.select %lt3A_1901, %mul3A_1905, %sub3A_1908 : vector<16xi1>, vector<16xf32>
    %add3A_1910 = arith.addf %add3A_1881, %select_n3A_1909 : vector<16xf32>
    %get3A_1911 = arith.constant 1 : i32
    %get3A_1912 = arith.constant 2 : i32
    %get3A_1913 = arith.index_cast %get3A_1911 : i32 to index
    %get3A_1914 = arith.index_cast %get3A_1912 : i32 to index
    %get3A_1915 = arith.constant 96 : index
    %get3A_1916 = tpu.vector_load %arg7[%get3A_1913, %get3A_1914, %get3A_1915] {strides = array<i32>} : memref<2x4x128xf32, #tpu.memory_space<vmem>>, vector<1x1x16xf32>,
    %get3A_1917 = vector.shape_cast %get3A_1916 : vector<1x1x16xf32> to vector<16xf32>
    %get3A_1918 = arith.constant 1 : i32
    %get3A_1919 = arith.constant 2 : i32
    %get3A_1920 = arith.index_cast %get3A_1918 : i32 to index
    %get3A_1921 = arith.index_cast %get3A_1919 : i32 to index
    %get3A_1922 = arith.constant 96 : index
    %get3A_1923 = tpu.vector_load %arg9[%get3A_1920, %get3A_1921, %get3A_1922] {strides = array<i32>} : memref<2x4x128xf32, #tpu.memory_space<vmem>>, vector<1x1x16xf32>,
    %get3A_1924 = vector.shape_cast %get3A_1923 : vector<1x1x16xf32> to vector<16xf32>
    %sub3A_1925 = arith.subf %get3A_1917, %get3A_1924 : vector<16xf32>
    %mul3A_1926 = arith.mulf %sub3A_1925, %convert_element_type3A_246 : vector<16xf32>
    %abs3A_1927 = math.absf %mul3A_1926 : vector<16xf32>
    %lt3A_1928 = arith.constant 1.000000e+00 : f32
    %lt3A_1929 = vector.broadcast %lt3A_1928 : f32 to vector<16xf32>
    %lt3A_1930 = arith.cmpf olt, %abs3A_1927, %lt3A_1929 : vector<16xf32>
    %mul3A_1931 = arith.constant 5.000000e-01 : f32
    %mul3A_1932 = vector.broadcast %mul3A_1931 : f32 to vector<16xf32>
    %mul3A_1933 = arith.mulf %mul3A_1932, %mul3A_1926 : vector<16xf32>
    %mul3A_1934 = arith.mulf %mul3A_1933, %mul3A_1926 : vector<16xf32>
    %sub3A_1935 = arith.constant 5.000000e-01 : f32
    %sub3A_1936 = vector.broadcast %sub3A_1935 : f32 to vector<16xf32>
    %sub3A_1937 = arith.subf %abs3A_1927, %sub3A_1936 : vector<16xf32>
    %select_n3A_1938 = arith.select %lt3A_1930, %mul3A_1934, %sub3A_1937 : vector<16xi1>, vector<16xf32>
    %add3A_1939 = arith.addf %add3A_1910, %select_n3A_1938 : vector<16xf32>
    %get3A_1940 = arith.constant 1 : i32
    %get3A_1941 = arith.constant 2 : i32
    %get3A_1942 = arith.index_cast %get3A_1940 : i32 to index
    %get3A_1943 = arith.index_cast %get3A_1941 : i32 to index
    %get3A_1944 = arith.constant 112 : index
    %get3A_1945 = tpu.vector_load %arg7[%get3A_1942, %get3A_1943, %get3A_1944] {strides = array<i32>} : memref<2x4x128xf32, #tpu.memory_space<vmem>>, vector<1x1x16xf32>,
    %get3A_1946 = vector.shape_cast %get3A_1945 : vector<1x1x16xf32> to vector<16xf32>
    %get3A_1947 = arith.constant 1 : i32
    %get3A_1948 = arith.constant 2 : i32
    %get3A_1949 = arith.index_cast %get3A_1947 : i32 to index
    %get3A_1950 = arith.index_cast %get3A_1948 : i32 to index
    %get3A_1951 = arith.constant 112 : index
    %get3A_1952 = tpu.vector_load %arg9[%get3A_1949, %get3A_1950, %get3A_1951] {strides = array<i32>} : memref<2x4x128xf32, #tpu.memory_space<vmem>>, vector<1x1x16xf32>,
    %get3A_1953 = vector.shape_cast %get3A_1952 : vector<1x1x16xf32> to vector<16xf32>
    %sub3A_1954 = arith.subf %get3A_1946, %get3A_1953 : vector<16xf32>
    %mul3A_1955 = arith.mulf %sub3A_1954, %convert_element_type3A_255 : vector<16xf32>
    %abs3A_1956 = math.absf %mul3A_1955 : vector<16xf32>
    %lt3A_1957 = arith.constant 1.000000e+00 : f32
    %lt3A_1958 = vector.broadcast %lt3A_1957 : f32 to vector<16xf32>
    %lt3A_1959 = arith.cmpf olt, %abs3A_1956, %lt3A_1958 : vector<16xf32>
    %mul3A_1960 = arith.constant 5.000000e-01 : f32
    %mul3A_1961 = vector.broadcast %mul3A_1960 : f32 to vector<16xf32>
    %mul3A_1962 = arith.mulf %mul3A_1961, %mul3A_1955 : vector<16xf32>
    %mul3A_1963 = arith.mulf %mul3A_1962, %mul3A_1955 : vector<16xf32>
    %sub3A_1964 = arith.constant 5.000000e-01 : f32
    %sub3A_1965 = vector.broadcast %sub3A_1964 : f32 to vector<16xf32>
    %sub3A_1966 = arith.subf %abs3A_1956, %sub3A_1965 : vector<16xf32>
    %select_n3A_1967 = arith.select %lt3A_1959, %mul3A_1963, %sub3A_1966 : vector<16xi1>, vector<16xf32>
    %add3A_1968 = arith.addf %add3A_1939, %select_n3A_1967 : vector<16xf32>
    %dma_wait3A_1969 = arith.constant 1 : i32
    %dma_wait3A_1970 = arith.constant 3 : i32
    %dma_wait3A_1971 = arith.constant 1 : i32
    %dma_wait3A_1972 = arith.constant 3 : i32
    %dma_wait3A_1973 = arith.constant 0 : i32
    %dma_wait3A_1974 = tpu.memref_slice %arg7[%dma_wait3A_1971, %dma_wait3A_1972, %dma_wait3A_1973] : memref<2x4x128xf32, #tpu.memory_space<vmem>> -> memref<1x1x128xf32, #tpu.memory_space<vmem>>
    %dma_wait3A_1975 = tpu.memref_squeeze %dma_wait3A_1974 : memref<1x1x128xf32, #tpu.memory_space<vmem>> -> memref<128xf32, #tpu.memory_space<vmem>>
    %dma_wait3A_1976 = arith.constant 0 : i32
    %dma_wait3A_1977 = tpu.memref_slice %arg6[%dma_wait3A_1969, %dma_wait3A_1970, %dma_wait3A_1976] : memref<2x5x128xi32, #tpu.memory_space<vmem>> -> memref<1x1x128xi32, #tpu.memory_space<vmem>>
    %dma_wait3A_1978 = tpu.memref_squeeze %dma_wait3A_1977 : memref<1x1x128xi32, #tpu.memory_space<vmem>> -> memref<128xi32, #tpu.memory_space<vmem>>
    %dma_wait3A_1979 = arith.constant 0 : i32
    %dma_wait3A_1980 = tpu.memref_slice %arg2[%dma_wait3A_1979] : memref<2097152xf32, #tpu.memory_space<hbm>> -> memref<2097152xf32, #tpu.memory_space<hbm>>
    tpu.wait_indirect_dma semaphore(%arg19 : memref<!tpu.dma_semaphore, #tpu.memory_space<semaphore_mem>>) src(%dma_wait3A_1980 : memref<2097152xf32, #tpu.memory_space<hbm>>) dst(%dma_wait3A_1975 : memref<128xf32, #tpu.memory_space<vmem>>)
    %get3A_1981 = arith.constant 1 : i32
    %get3A_1982 = arith.constant 3 : i32
    %get3A_1983 = arith.index_cast %get3A_1981 : i32 to index
    %get3A_1984 = arith.index_cast %get3A_1982 : i32 to index
    %get3A_1985 = arith.constant 0 : index
    %get3A_1986 = tpu.vector_load %arg7[%get3A_1983, %get3A_1984, %get3A_1985] {strides = array<i32>} : memref<2x4x128xf32, #tpu.memory_space<vmem>>, vector<1x1x16xf32>,
    %get3A_1987 = vector.shape_cast %get3A_1986 : vector<1x1x16xf32> to vector<16xf32>
    %get3A_1988 = arith.constant 1 : i32
    %get3A_1989 = arith.constant 3 : i32
    %get3A_1990 = arith.index_cast %get3A_1988 : i32 to index
    %get3A_1991 = arith.index_cast %get3A_1989 : i32 to index
    %get3A_1992 = arith.constant 0 : index
    %get3A_1993 = tpu.vector_load %arg9[%get3A_1990, %get3A_1991, %get3A_1992] {strides = array<i32>} : memref<2x4x128xf32, #tpu.memory_space<vmem>>, vector<1x1x16xf32>,
    %get3A_1994 = vector.shape_cast %get3A_1993 : vector<1x1x16xf32> to vector<16xf32>
    %sub3A_1995 = arith.subf %get3A_1987, %get3A_1994 : vector<16xf32>
    %mul3A_1996 = arith.mulf %sub3A_1995, %convert_element_type3A_192 : vector<16xf32>
    %abs3A_1997 = math.absf %mul3A_1996 : vector<16xf32>
    %lt3A_1998 = arith.constant 1.000000e+00 : f32
    %lt3A_1999 = vector.broadcast %lt3A_1998 : f32 to vector<16xf32>
    %lt3A_2000 = arith.cmpf olt, %abs3A_1997, %lt3A_1999 : vector<16xf32>
    %mul3A_2001 = arith.constant 5.000000e-01 : f32
    %mul3A_2002 = vector.broadcast %mul3A_2001 : f32 to vector<16xf32>
    %mul3A_2003 = arith.mulf %mul3A_2002, %mul3A_1996 : vector<16xf32>
    %mul3A_2004 = arith.mulf %mul3A_2003, %mul3A_1996 : vector<16xf32>
    %sub3A_2005 = arith.constant 5.000000e-01 : f32
    %sub3A_2006 = vector.broadcast %sub3A_2005 : f32 to vector<16xf32>
    %sub3A_2007 = arith.subf %abs3A_1997, %sub3A_2006 : vector<16xf32>
    %select_n3A_2008 = arith.select %lt3A_2000, %mul3A_2004, %sub3A_2007 : vector<16xi1>, vector<16xf32>
    %add3A_2009 = arith.addf %add3A_1968, %select_n3A_2008 : vector<16xf32>
    %get3A_2010 = arith.constant 1 : i32
    %get3A_2011 = arith.constant 3 : i32
    %get3A_2012 = arith.index_cast %get3A_2010 : i32 to index
    %get3A_2013 = arith.index_cast %get3A_2011 : i32 to index
    %get3A_2014 = arith.constant 16 : index
    %get3A_2015 = tpu.vector_load %arg7[%get3A_2012, %get3A_2013, %get3A_2014] {strides = array<i32>} : memref<2x4x128xf32, #tpu.memory_space<vmem>>, vector<1x1x16xf32>,
    %get3A_2016 = vector.shape_cast %get3A_2015 : vector<1x1x16xf32> to vector<16xf32>
    %get3A_2017 = arith.constant 1 : i32
    %get3A_2018 = arith.constant 3 : i32
    %get3A_2019 = arith.index_cast %get3A_2017 : i32 to index
    %get3A_2020 = arith.index_cast %get3A_2018 : i32 to index
    %get3A_2021 = arith.constant 16 : index
    %get3A_2022 = tpu.vector_load %arg9[%get3A_2019, %get3A_2020, %get3A_2021] {strides = array<i32>} : memref<2x4x128xf32, #tpu.memory_space<vmem>>, vector<1x1x16xf32>,
    %get3A_2023 = vector.shape_cast %get3A_2022 : vector<1x1x16xf32> to vector<16xf32>
    %sub3A_2024 = arith.subf %get3A_2016, %get3A_2023 : vector<16xf32>
    %mul3A_2025 = arith.mulf %sub3A_2024, %convert_element_type3A_201 : vector<16xf32>
    %abs3A_2026 = math.absf %mul3A_2025 : vector<16xf32>
    %lt3A_2027 = arith.constant 1.000000e+00 : f32
    %lt3A_2028 = vector.broadcast %lt3A_2027 : f32 to vector<16xf32>
    %lt3A_2029 = arith.cmpf olt, %abs3A_2026, %lt3A_2028 : vector<16xf32>
    %mul3A_2030 = arith.constant 5.000000e-01 : f32
    %mul3A_2031 = vector.broadcast %mul3A_2030 : f32 to vector<16xf32>
    %mul3A_2032 = arith.mulf %mul3A_2031, %mul3A_2025 : vector<16xf32>
    %mul3A_2033 = arith.mulf %mul3A_2032, %mul3A_2025 : vector<16xf32>
    %sub3A_2034 = arith.constant 5.000000e-01 : f32
    %sub3A_2035 = vector.broadcast %sub3A_2034 : f32 to vector<16xf32>
    %sub3A_2036 = arith.subf %abs3A_2026, %sub3A_2035 : vector<16xf32>
    %select_n3A_2037 = arith.select %lt3A_2029, %mul3A_2033, %sub3A_2036 : vector<16xi1>, vector<16xf32>
    %add3A_2038 = arith.addf %add3A_2009, %select_n3A_2037 : vector<16xf32>
    %get3A_2039 = arith.constant 1 : i32
    %get3A_2040 = arith.constant 3 : i32
    %get3A_2041 = arith.index_cast %get3A_2039 : i32 to index
    %get3A_2042 = arith.index_cast %get3A_2040 : i32 to index
    %get3A_2043 = arith.constant 32 : index
    %get3A_2044 = tpu.vector_load %arg7[%get3A_2041, %get3A_2042, %get3A_2043] {strides = array<i32>} : memref<2x4x128xf32, #tpu.memory_space<vmem>>, vector<1x1x16xf32>,
    %get3A_2045 = vector.shape_cast %get3A_2044 : vector<1x1x16xf32> to vector<16xf32>
    %get3A_2046 = arith.constant 1 : i32
    %get3A_2047 = arith.constant 3 : i32
    %get3A_2048 = arith.index_cast %get3A_2046 : i32 to index
    %get3A_2049 = arith.index_cast %get3A_2047 : i32 to index
    %get3A_2050 = arith.constant 32 : index
    %get3A_2051 = tpu.vector_load %arg9[%get3A_2048, %get3A_2049, %get3A_2050] {strides = array<i32>} : memref<2x4x128xf32, #tpu.memory_space<vmem>>, vector<1x1x16xf32>,
    %get3A_2052 = vector.shape_cast %get3A_2051 : vector<1x1x16xf32> to vector<16xf32>
    %sub3A_2053 = arith.subf %get3A_2045, %get3A_2052 : vector<16xf32>
    %mul3A_2054 = arith.mulf %sub3A_2053, %convert_element_type3A_210 : vector<16xf32>
    %abs3A_2055 = math.absf %mul3A_2054 : vector<16xf32>
    %lt3A_2056 = arith.constant 1.000000e+00 : f32
    %lt3A_2057 = vector.broadcast %lt3A_2056 : f32 to vector<16xf32>
    %lt3A_2058 = arith.cmpf olt, %abs3A_2055, %lt3A_2057 : vector<16xf32>
    %mul3A_2059 = arith.constant 5.000000e-01 : f32
    %mul3A_2060 = vector.broadcast %mul3A_2059 : f32 to vector<16xf32>
    %mul3A_2061 = arith.mulf %mul3A_2060, %mul3A_2054 : vector<16xf32>
    %mul3A_2062 = arith.mulf %mul3A_2061, %mul3A_2054 : vector<16xf32>
    %sub3A_2063 = arith.constant 5.000000e-01 : f32
    %sub3A_2064 = vector.broadcast %sub3A_2063 : f32 to vector<16xf32>
    %sub3A_2065 = arith.subf %abs3A_2055, %sub3A_2064 : vector<16xf32>
    %select_n3A_2066 = arith.select %lt3A_2058, %mul3A_2062, %sub3A_2065 : vector<16xi1>, vector<16xf32>
    %add3A_2067 = arith.addf %add3A_2038, %select_n3A_2066 : vector<16xf32>
    %get3A_2068 = arith.constant 1 : i32
    %get3A_2069 = arith.constant 3 : i32
    %get3A_2070 = arith.index_cast %get3A_2068 : i32 to index
    %get3A_2071 = arith.index_cast %get3A_2069 : i32 to index
    %get3A_2072 = arith.constant 48 : index
    %get3A_2073 = tpu.vector_load %arg7[%get3A_2070, %get3A_2071, %get3A_2072] {strides = array<i32>} : memref<2x4x128xf32, #tpu.memory_space<vmem>>, vector<1x1x16xf32>,
    %get3A_2074 = vector.shape_cast %get3A_2073 : vector<1x1x16xf32> to vector<16xf32>
    %get3A_2075 = arith.constant 1 : i32
    %get3A_2076 = arith.constant 3 : i32
    %get3A_2077 = arith.index_cast %get3A_2075 : i32 to index
    %get3A_2078 = arith.index_cast %get3A_2076 : i32 to index
    %get3A_2079 = arith.constant 48 : index
    %get3A_2080 = tpu.vector_load %arg9[%get3A_2077, %get3A_2078, %get3A_2079] {strides = array<i32>} : memref<2x4x128xf32, #tpu.memory_space<vmem>>, vector<1x1x16xf32>,
    %get3A_2081 = vector.shape_cast %get3A_2080 : vector<1x1x16xf32> to vector<16xf32>
    %sub3A_2082 = arith.subf %get3A_2074, %get3A_2081 : vector<16xf32>
    %mul3A_2083 = arith.mulf %sub3A_2082, %convert_element_type3A_219 : vector<16xf32>
    %abs3A_2084 = math.absf %mul3A_2083 : vector<16xf32>
    %lt3A_2085 = arith.constant 1.000000e+00 : f32
    %lt3A_2086 = vector.broadcast %lt3A_2085 : f32 to vector<16xf32>
    %lt3A_2087 = arith.cmpf olt, %abs3A_2084, %lt3A_2086 : vector<16xf32>
    %mul3A_2088 = arith.constant 5.000000e-01 : f32
    %mul3A_2089 = vector.broadcast %mul3A_2088 : f32 to vector<16xf32>
    %mul3A_2090 = arith.mulf %mul3A_2089, %mul3A_2083 : vector<16xf32>
    %mul3A_2091 = arith.mulf %mul3A_2090, %mul3A_2083 : vector<16xf32>
    %sub3A_2092 = arith.constant 5.000000e-01 : f32
    %sub3A_2093 = vector.broadcast %sub3A_2092 : f32 to vector<16xf32>
    %sub3A_2094 = arith.subf %abs3A_2084, %sub3A_2093 : vector<16xf32>
    %select_n3A_2095 = arith.select %lt3A_2087, %mul3A_2091, %sub3A_2094 : vector<16xi1>, vector<16xf32>
    %add3A_2096 = arith.addf %add3A_2067, %select_n3A_2095 : vector<16xf32>
    %get3A_2097 = arith.constant 1 : i32
    %get3A_2098 = arith.constant 3 : i32
    %get3A_2099 = arith.index_cast %get3A_2097 : i32 to index
    %get3A_2100 = arith.index_cast %get3A_2098 : i32 to index
    %get3A_2101 = arith.constant 64 : index
    %get3A_2102 = tpu.vector_load %arg7[%get3A_2099, %get3A_2100, %get3A_2101] {strides = array<i32>} : memref<2x4x128xf32, #tpu.memory_space<vmem>>, vector<1x1x16xf32>,
    %get3A_2103 = vector.shape_cast %get3A_2102 : vector<1x1x16xf32> to vector<16xf32>
    %get3A_2104 = arith.constant 1 : i32
    %get3A_2105 = arith.constant 3 : i32
    %get3A_2106 = arith.index_cast %get3A_2104 : i32 to index
    %get3A_2107 = arith.index_cast %get3A_2105 : i32 to index
    %get3A_2108 = arith.constant 64 : index
    %get3A_2109 = tpu.vector_load %arg9[%get3A_2106, %get3A_2107, %get3A_2108] {strides = array<i32>} : memref<2x4x128xf32, #tpu.memory_space<vmem>>, vector<1x1x16xf32>,
    %get3A_2110 = vector.shape_cast %get3A_2109 : vector<1x1x16xf32> to vector<16xf32>
    %sub3A_2111 = arith.subf %get3A_2103, %get3A_2110 : vector<16xf32>
    %mul3A_2112 = arith.mulf %sub3A_2111, %convert_element_type3A_228 : vector<16xf32>
    %abs3A_2113 = math.absf %mul3A_2112 : vector<16xf32>
    %lt3A_2114 = arith.constant 1.000000e+00 : f32
    %lt3A_2115 = vector.broadcast %lt3A_2114 : f32 to vector<16xf32>
    %lt3A_2116 = arith.cmpf olt, %abs3A_2113, %lt3A_2115 : vector<16xf32>
    %mul3A_2117 = arith.constant 5.000000e-01 : f32
    %mul3A_2118 = vector.broadcast %mul3A_2117 : f32 to vector<16xf32>
    %mul3A_2119 = arith.mulf %mul3A_2118, %mul3A_2112 : vector<16xf32>
    %mul3A_2120 = arith.mulf %mul3A_2119, %mul3A_2112 : vector<16xf32>
    %sub3A_2121 = arith.constant 5.000000e-01 : f32
    %sub3A_2122 = vector.broadcast %sub3A_2121 : f32 to vector<16xf32>
    %sub3A_2123 = arith.subf %abs3A_2113, %sub3A_2122 : vector<16xf32>
    %select_n3A_2124 = arith.select %lt3A_2116, %mul3A_2120, %sub3A_2123 : vector<16xi1>, vector<16xf32>
    %add3A_2125 = arith.addf %add3A_2096, %select_n3A_2124 : vector<16xf32>
    %get3A_2126 = arith.constant 1 : i32
    %get3A_2127 = arith.constant 3 : i32
    %get3A_2128 = arith.index_cast %get3A_2126 : i32 to index
    %get3A_2129 = arith.index_cast %get3A_2127 : i32 to index
    %get3A_2130 = arith.constant 80 : index
    %get3A_2131 = tpu.vector_load %arg7[%get3A_2128, %get3A_2129, %get3A_2130] {strides = array<i32>} : memref<2x4x128xf32, #tpu.memory_space<vmem>>, vector<1x1x16xf32>,
    %get3A_2132 = vector.shape_cast %get3A_2131 : vector<1x1x16xf32> to vector<16xf32>
    %get3A_2133 = arith.constant 1 : i32
    %get3A_2134 = arith.constant 3 : i32
    %get3A_2135 = arith.index_cast %get3A_2133 : i32 to index
    %get3A_2136 = arith.index_cast %get3A_2134 : i32 to index
    %get3A_2137 = arith.constant 80 : index
    %get3A_2138 = tpu.vector_load %arg9[%get3A_2135, %get3A_2136, %get3A_2137] {strides = array<i32>} : memref<2x4x128xf32, #tpu.memory_space<vmem>>, vector<1x1x16xf32>,
    %get3A_2139 = vector.shape_cast %get3A_2138 : vector<1x1x16xf32> to vector<16xf32>
    %sub3A_2140 = arith.subf %get3A_2132, %get3A_2139 : vector<16xf32>
    %mul3A_2141 = arith.mulf %sub3A_2140, %convert_element_type3A_237 : vector<16xf32>
    %abs3A_2142 = math.absf %mul3A_2141 : vector<16xf32>
    %lt3A_2143 = arith.constant 1.000000e+00 : f32
    %lt3A_2144 = vector.broadcast %lt3A_2143 : f32 to vector<16xf32>
    %lt3A_2145 = arith.cmpf olt, %abs3A_2142, %lt3A_2144 : vector<16xf32>
    %mul3A_2146 = arith.constant 5.000000e-01 : f32
    %mul3A_2147 = vector.broadcast %mul3A_2146 : f32 to vector<16xf32>
    %mul3A_2148 = arith.mulf %mul3A_2147, %mul3A_2141 : vector<16xf32>
    %mul3A_2149 = arith.mulf %mul3A_2148, %mul3A_2141 : vector<16xf32>
    %sub3A_2150 = arith.constant 5.000000e-01 : f32
    %sub3A_2151 = vector.broadcast %sub3A_2150 : f32 to vector<16xf32>
    %sub3A_2152 = arith.subf %abs3A_2142, %sub3A_2151 : vector<16xf32>
    %select_n3A_2153 = arith.select %lt3A_2145, %mul3A_2149, %sub3A_2152 : vector<16xi1>, vector<16xf32>
    %add3A_2154 = arith.addf %add3A_2125, %select_n3A_2153 : vector<16xf32>
    %get3A_2155 = arith.constant 1 : i32
    %get3A_2156 = arith.constant 3 : i32
    %get3A_2157 = arith.index_cast %get3A_2155 : i32 to index
    %get3A_2158 = arith.index_cast %get3A_2156 : i32 to index
    %get3A_2159 = arith.constant 96 : index
    %get3A_2160 = tpu.vector_load %arg7[%get3A_2157, %get3A_2158, %get3A_2159] {strides = array<i32>} : memref<2x4x128xf32, #tpu.memory_space<vmem>>, vector<1x1x16xf32>,
    %get3A_2161 = vector.shape_cast %get3A_2160 : vector<1x1x16xf32> to vector<16xf32>
    %get3A_2162 = arith.constant 1 : i32
    %get3A_2163 = arith.constant 3 : i32
    %get3A_2164 = arith.index_cast %get3A_2162 : i32 to index
    %get3A_2165 = arith.index_cast %get3A_2163 : i32 to index
    %get3A_2166 = arith.constant 96 : index
    %get3A_2167 = tpu.vector_load %arg9[%get3A_2164, %get3A_2165, %get3A_2166] {strides = array<i32>} : memref<2x4x128xf32, #tpu.memory_space<vmem>>, vector<1x1x16xf32>,
    %get3A_2168 = vector.shape_cast %get3A_2167 : vector<1x1x16xf32> to vector<16xf32>
    %sub3A_2169 = arith.subf %get3A_2161, %get3A_2168 : vector<16xf32>
    %mul3A_2170 = arith.mulf %sub3A_2169, %convert_element_type3A_246 : vector<16xf32>
    %abs3A_2171 = math.absf %mul3A_2170 : vector<16xf32>
    %lt3A_2172 = arith.constant 1.000000e+00 : f32
    %lt3A_2173 = vector.broadcast %lt3A_2172 : f32 to vector<16xf32>
    %lt3A_2174 = arith.cmpf olt, %abs3A_2171, %lt3A_2173 : vector<16xf32>
    %mul3A_2175 = arith.constant 5.000000e-01 : f32
    %mul3A_2176 = vector.broadcast %mul3A_2175 : f32 to vector<16xf32>
    %mul3A_2177 = arith.mulf %mul3A_2176, %mul3A_2170 : vector<16xf32>
    %mul3A_2178 = arith.mulf %mul3A_2177, %mul3A_2170 : vector<16xf32>
    %sub3A_2179 = arith.constant 5.000000e-01 : f32
    %sub3A_2180 = vector.broadcast %sub3A_2179 : f32 to vector<16xf32>
    %sub3A_2181 = arith.subf %abs3A_2171, %sub3A_2180 : vector<16xf32>
    %select_n3A_2182 = arith.select %lt3A_2174, %mul3A_2178, %sub3A_2181 : vector<16xi1>, vector<16xf32>
    %add3A_2183 = arith.addf %add3A_2154, %select_n3A_2182 : vector<16xf32>
    %get3A_2184 = arith.constant 1 : i32
    %get3A_2185 = arith.constant 3 : i32
    %get3A_2186 = arith.index_cast %get3A_2184 : i32 to index
    %get3A_2187 = arith.index_cast %get3A_2185 : i32 to index
    %get3A_2188 = arith.constant 112 : index
    %get3A_2189 = tpu.vector_load %arg7[%get3A_2186, %get3A_2187, %get3A_2188] {strides = array<i32>} : memref<2x4x128xf32, #tpu.memory_space<vmem>>, vector<1x1x16xf32>,
    %get3A_2190 = vector.shape_cast %get3A_2189 : vector<1x1x16xf32> to vector<16xf32>
    %get3A_2191 = arith.constant 1 : i32
    %get3A_2192 = arith.constant 3 : i32
    %get3A_2193 = arith.index_cast %get3A_2191 : i32 to index
    %get3A_2194 = arith.index_cast %get3A_2192 : i32 to index
    %get3A_2195 = arith.constant 112 : index
    %get3A_2196 = tpu.vector_load %arg9[%get3A_2193, %get3A_2194, %get3A_2195] {strides = array<i32>} : memref<2x4x128xf32, #tpu.memory_space<vmem>>, vector<1x1x16xf32>,
    %get3A_2197 = vector.shape_cast %get3A_2196 : vector<1x1x16xf32> to vector<16xf32>
    %sub3A_2198 = arith.subf %get3A_2190, %get3A_2197 : vector<16xf32>
    %mul3A_2199 = arith.mulf %sub3A_2198, %convert_element_type3A_255 : vector<16xf32>
    %abs3A_2200 = math.absf %mul3A_2199 : vector<16xf32>
    %lt3A_2201 = arith.constant 1.000000e+00 : f32
    %lt3A_2202 = vector.broadcast %lt3A_2201 : f32 to vector<16xf32>
    %lt3A_2203 = arith.cmpf olt, %abs3A_2200, %lt3A_2202 : vector<16xf32>
    %mul3A_2204 = arith.constant 5.000000e-01 : f32
    %mul3A_2205 = vector.broadcast %mul3A_2204 : f32 to vector<16xf32>
    %mul3A_2206 = arith.mulf %mul3A_2205, %mul3A_2199 : vector<16xf32>
    %mul3A_2207 = arith.mulf %mul3A_2206, %mul3A_2199 : vector<16xf32>
    %sub3A_2208 = arith.constant 5.000000e-01 : f32
    %sub3A_2209 = vector.broadcast %sub3A_2208 : f32 to vector<16xf32>
    %sub3A_2210 = arith.subf %abs3A_2200, %sub3A_2209 : vector<16xf32>
    %select_n3A_2211 = arith.select %lt3A_2203, %mul3A_2207, %sub3A_2210 : vector<16xi1>, vector<16xf32>
    %add3A_2212 = arith.addf %add3A_2183, %select_n3A_2211 : vector<16xf32>
    %swap3A = arith.constant 0 : i32
    %swap3A_2213 = arith.index_cast %swap3A : i32 to index
    %swap3A_2214 = arith.constant 0 : index
    %swap3A_2215 = tpu.vector_load %arg8[%swap3A_2213, %swap3A_2214] {strides = array<i32>} : memref<2x16xf32, #tpu.memory_space<vmem>>, vector<1x16xf32>,
    %swap3A_2216 = vector.shape_cast %swap3A_2215 : vector<1x16xf32> to vector<16xf32>
    %swap3A_2217 = vector.shape_cast %add3A_2212 : vector<16xf32> to vector<1x16xf32>
    tpu.vector_store %arg8[%swap3A_2213, %swap3A_2214], %swap3A_2217 {strides = array<i32>} : memref<2x16xf32, #tpu.memory_space<vmem>>, vector<1x16xf32>,
    %swap3A_2218 = arith.constant 1 : i32
    %swap3A_2219 = arith.index_cast %swap3A_2218 : i32 to index
    %swap3A_2220 = arith.constant 0 : index
    %swap3A_2221 = tpu.vector_load %arg8[%swap3A_2219, %swap3A_2220] {strides = array<i32>} : memref<2x16xf32, #tpu.memory_space<vmem>>, vector<1x16xf32>,
    %swap3A_2222 = vector.shape_cast %swap3A_2221 : vector<1x16xf32> to vector<16xf32>
    %swap3A_2223 = vector.shape_cast %add3A_256 : vector<16xf32> to vector<1x16xf32>
    tpu.vector_store %arg8[%swap3A_2219, %swap3A_2220], %swap3A_2223 {strides = array<i32>} : memref<2x16xf32, #tpu.memory_space<vmem>>, vector<1x16xf32>,
    "tpu.region"() ({
      %run_scoped3A = tpu.sem_alloc : memref<!tpu.dma_semaphore, #tpu.memory_space<semaphore_mem>>
      %dma_start3A_2224 = arith.constant 0 : i32
      %dma_start3A_2225 = arith.constant 0 : i32
      %dma_start3A_2226 = tpu.memref_slice %arg5[%arg1, %dma_start3A_2224, %dma_start3A_2225] : memref<16x2x16xf32, #tpu.memory_space<hbm>> -> memref<1x2x16xf32, #tpu.memory_space<hbm>>
      %dma_start3A_2227 = tpu.memref_squeeze %dma_start3A_2226 : memref<1x2x16xf32, #tpu.memory_space<hbm>> -> memref<2x16xf32, #tpu.memory_space<hbm>>
      %dma_start3A_2228 = arith.constant 0 : i32
      %dma_start3A_2229 = arith.constant 0 : i32
      %dma_start3A_2230 = tpu.memref_slice %arg5[%arg1, %dma_start3A_2228, %dma_start3A_2229] : memref<16x2x16xf32, #tpu.memory_space<hbm>> -> memref<1x2x16xf32, #tpu.memory_space<hbm>>
      %dma_start3A_2231 = tpu.memref_squeeze %dma_start3A_2230 : memref<1x2x16xf32, #tpu.memory_space<hbm>> -> memref<2x16xf32, #tpu.memory_space<hbm>>
      tpu.enqueue_dma source(%arg8 : memref<2x16xf32, #tpu.memory_space<vmem>>) target(%dma_start3A_2231 : memref<2x16xf32, #tpu.memory_space<hbm>>) target_semaphore(%run_scoped3A : memref<!tpu.dma_semaphore, #tpu.memory_space<semaphore_mem>>)
      %dma_wait3A_2232 = arith.constant 0 : i32
      %dma_wait3A_2233 = arith.constant 0 : i32
      %dma_wait3A_2234 = tpu.memref_slice %arg5[%arg1, %dma_wait3A_2232, %dma_wait3A_2233] : memref<16x2x16xf32, #tpu.memory_space<hbm>> -> memref<1x2x16xf32, #tpu.memory_space<hbm>>
      %dma_wait3A_2235 = tpu.memref_squeeze %dma_wait3A_2234 : memref<1x2x16xf32, #tpu.memory_space<hbm>> -> memref<2x16xf32, #tpu.memory_space<hbm>>
      %dma_wait3A_2236 = arith.constant 0 : i32
      %dma_wait3A_2237 = arith.constant 0 : i32
      %dma_wait3A_2238 = tpu.memref_slice %arg5[%arg1, %dma_wait3A_2236, %dma_wait3A_2237] : memref<16x2x16xf32, #tpu.memory_space<hbm>> -> memref<1x2x16xf32, #tpu.memory_space<hbm>>
      %dma_wait3A_2239 = tpu.memref_squeeze %dma_wait3A_2238 : memref<1x2x16xf32, #tpu.memory_space<hbm>> -> memref<2x16xf32, #tpu.memory_space<hbm>>
      tpu.wait_dma2 semaphore(%run_scoped3A : memref<!tpu.dma_semaphore, #tpu.memory_space<semaphore_mem>>) src(%arg8 : memref<2x16xf32, #tpu.memory_space<vmem>>) dst(%dma_wait3A_2239 : memref<2x16xf32, #tpu.memory_space<hbm>>)
      tpu.yield
    }) : () -> ()
    return
  }
}

</mosaic_0001>

<sc_bundles>
// kernel: kernel.3.cloned.1.call-start
scs
__scs_entry_jumppad:
0x0: {  	(pc) =	sbr.rel $0x88, $3  }
0x1: {  	(tag) =	ssettag $0x0;
	lr =	simm.s32 $0x1  }
0x2: {  	[smem:$0x3F9D] =	sst lr;
	_ =	strace $0xD0000000  }
0x3: {  	_ = 	snop  }
0x4: {  	_ = 	snop  }
0x5: {  	_ = 	snop  }
0x6: {  	_ = 	snop  }
0x7: {  	_ = 	snop  }
__scs_overlays_trampoline_lowered:
0x8: {  	[smem:$0x3FAC] =	sst s0  }
0x9: {  	[smem:$0x3FAD] =	sst s1  }
0xa: {  	[smem:$0x3FAE] =	sst s2  }
0xb: {  	[smem:$0x3FAF] =	sst s3  }
0xc: {  	[smem:$0x3FB0] =	sst s4  }
0xd: {  	[smem:$0x3FB1] =	sst s5  }
0xe: {  	[smem:$0x3FB2] =	sst s6  }
0xf: {  	[smem:$0x3FB3] =	sst s7  }
0x10: {  	[smem:$0x3FB4] =	sst s8  }
0x11: {  	[smem:$0x3FB5] =	sst s9;
	s0 =	simm.s32 @!p0 $0x0  }
0x12: {  	s1 =	sld [smem:$0x3F9B];
	s0 =	simm.s32 @p0 $0x1  }
0x13: {  	[smem:$0x3FB6] =	sst s0;
	s0 =	simm.s32 @!p1 $0x0  }
0x14: {  	s2 =	sld [smem:$0x3F9A];
	s0 =	simm.s32 @p1 $0x1  }
0x15: {  	[smem:$0x3FB7] =	sst s0;
	s0 =	simm.s32 @!p2 $0x0  }
0x16: {  	s3 =	sld [smem:$0x3FDB];
	s0 =	simm.s32 @p2 $0x1  }
0x17: {  	s4 =	simm.s32 $0x1BF5;
	[smem:$0x3FB9] =	sst s0  }
0x18: {  	s0 =	sld [smem:$0x3F9C];
	_ =	swait.ge [sflag:s4], $0x0  }
0x19: {  	s7 =	sld [smem:$0x3F9D]  }
0x1a: {  	s8 =	sadd.s32 $0xFFFFE003, lr  }
0x1b: {  	s9 =	sadd.s32 $0xFFFFFEF7, lr;
	s5 =	simm.s32 $0xFFFFFFFF;
	p2 =	slt.u32 s8, $0xFFFFF086  }
0x1c: {  	p1 =	slt.u32 s9, $0xF7A;
	s5 =	simm.s32 @!p2 $0x0  }
0x1d: {  	s5 =	simm.s32 @p1 $0x1;
	p0 =	seq.s32 s7, s2  }
0x1e: {  	s7 =	smul.u32 @!p0 $0xF7A, s2;
	p2 =	seq.s32 @!p0 s5, $0x0  }
0x1f: {  	s9 =	smul.u32 $0xF7A, s1;
	s8 =	simm.s32 @!p0 $0x1BF5;
	p2 =	por !p2, p0  }
0x20: {  	[sflag:s8] =	ssyncset.s32 @!p0 $0xFFFFF086;
	s6 =	sadd.s32 @!p0 s3, s7;
	s7 =	simm.s32 @!p0 $0x108  }
0x21: {  	s3 =	sadd.s32 s3, s9;
	s6 =	sadd.s32 @!p0 $0x88, s6;
	s7 =	simm.s32 @p2 $0x1082  }
0x22: {  	[simem:s7], [sflag:s8] =	dma.local @!p0 [hbm:s6], $0xF7A  }
0x23: {  	s9 =	sor.u32 $0xD0000000, s2;
	s6 =	simm.s32 $0x108;
	_ =	swait.ge @!p0 [sflag:s8], $0x0  }
0x24: {  	s3 =	sadd.s32 $0x88, s3;
	s6 =	simm.s32 @!p1 $0x1082;
	[sflag:s4] =	ssyncset.s32 $0xFFFFF086  }
0x25: {  	[simem:s6], [sflag:s4] =	dma.local [hbm:s3], $0xF7A  }
0x26: {  	[smem:$0x3F9D] =	sst s1;
	(tag) =	ssettag s2;
	_ =	strace s9  }
0x27: {  	s1 =	sld [smem:$0x3FAD]  }
0x28: {  	s2 =	sld [smem:$0x3FAE]  }
0x29: {  	s4 =	sld [smem:$0x3FB0]  }
0x2a: {  	p0 =	seq.s32 s5, $0x0;
	s5 =	sld [smem:$0x3FB1]  }
0x2b: {  	s6 =	sld [smem:$0x3FB2]  }
0x2c: {  	s7 =	sld [smem:$0x3FB3]  }
0x2d: {  	s3 =	simm.s32 $0x108;
	s8 =	sld [smem:$0x3FB4]  }
0x2e: {  	s3 =	simm.s32 @!p0 $0x1082;
	s9 =	sld [smem:$0x3FB5]  }
0x2f: {  	lr =	sadd.s32 s0, s3;
	s0 =	sld [smem:$0x3FAC]  }
0x30: {  	s3 =	sld [smem:$0x3FAF]  }
0x31: {  	[smem:$0x3FB8] =	sst s10  }
0x32: {  	s10 =	sld [smem:$0x3FB6];
	_ =	sdelay $0x3  }
0x33: {  	p0 =	seq.s32 s10, $0x1;
	s10 =	sld [smem:$0x3FB8];
	_ =	sdelay $0x3  }
0x34: {  	[smem:$0x3FB8] =	sst s10  }
0x35: {  	s10 =	sld [smem:$0x3FB7];
	_ =	sdelay $0x3  }
0x36: {  	p1 =	seq.s32 s10, $0x1;
	s10 =	sld [smem:$0x3FB8];
	_ =	sdelay $0x3  }
0x37: {  	[smem:$0x3FB8] =	sst s10  }
0x38: {  	s10 =	sld [smem:$0x3FB9]  }
0x39: {  	_ = 	snop;
	(pc) =	sbr.ind lr, $3  }
0x3a: {  	_ = 	snop  }
0x3b: {  	_ = 	snop  }
0x3c: {  	p2 =	seq.s32 s10, $0x1;
	s10 =	sld [smem:$0x3FB8]  }
0x3d: {  	_ =	shalt  }
0x3e: {  	_ =	shalt  }
0x3f: {  	_ =	shalt  }
0x40: {  	_ =	shalt  }
0x41: {  	_ =	shalt  }
0x42: {  	_ =	shalt  }
0x43: {  	_ =	shalt  }
0x44: {  	_ =	shalt  }
0x45: {  	_ =	shalt  }
0x46: {  	_ =	shalt  }
0x47: {  	_ =	shalt  }
0x48: {  	_ =	shalt  }
0x49: {  	_ =	shalt  }
0x4a: {  	_ =	shalt  }
0x4b: {  	_ =	shalt  }
0x4c: {  	_ =	shalt  }
0x4d: {  	_ =	shalt  }
0x4e: {  	_ =	shalt  }
0x4f: {  	_ =	shalt  }
0x50: {  	_ =	shalt  }
0x51: {  	_ =	shalt  }
0x52: {  	_ =	shalt  }
0x53: {  	_ =	shalt  }
0x54: {  	_ =	shalt  }
0x55: {  	_ =	shalt  }
0x56: {  	_ =	shalt  }
0x57: {  	_ =	shalt  }
0x58: {  	_ =	shalt  }
0x59: {  	_ =	shalt  }
0x5a: {  	_ =	shalt  }
0x5b: {  	_ =	shalt  }
0x5c: {  	_ =	shalt  }
0x5d: {  	_ =	shalt  }
0x5e: {  	_ =	shalt  }
0x5f: {  	_ =	shalt  }
0x60: {  	_ =	shalt  }
0x61: {  	_ =	shalt  }
0x62: {  	_ =	shalt  }
0x63: {  	_ =	shalt  }
0x64: {  	_ =	shalt  }
0x65: {  	_ =	shalt  }
0x66: {  	_ =	shalt  }
0x67: {  	_ =	shalt  }
0x68: {  	_ =	shalt  }
0x69: {  	_ =	shalt  }
0x6a: {  	_ =	shalt  }
0x6b: {  	_ =	shalt  }
0x6c: {  	_ =	shalt  }
0x6d: {  	_ =	shalt  }
0x6e: {  	_ =	shalt  }
0x6f: {  	_ =	shalt  }
0x70: {  	_ =	shalt  }
0x71: {  	_ =	shalt  }
0x72: {  	_ =	shalt  }
0x73: {  	_ =	shalt  }
0x74: {  	_ =	shalt  }
0x75: {  	_ =	shalt  }
0x76: {  	_ =	shalt  }
0x77: {  	_ =	shalt  }
0x78: {  	_ =	shalt  }
0x79: {  	_ =	shalt  }
0x7a: {  	_ =	shalt  }
0x7b: {  	_ =	shalt  }
0x7c: {  	_ =	shalt  }
0x7d: {  	_ =	shalt  }
0x7e: {  	_ =	shalt  }
0x7f: {  	_ =	shalt  }
0x80: {  	_ =	shalt  }
0x81: {  	_ =	shalt  }
0x82: {  	_ =	shalt  }
0x83: {  	_ =	shalt  }
0x84: {  	_ =	shalt  }
0x85: {  	_ =	shalt  }
0x86: {  	_ =	shalt  }
0x87: {  	_ =	shalt  }
.Lfunc_end0:
.L_simem_size_0:
called_computation_lowered:
.L_overlay_start_0:
0x88: {  	s0 =	sld [smem:$0x3FD9]  }
0x89: {  	s1 =	sld [smem:$0x3FFE];
	_ =	sdelay $0x3  }
0x8a: {  	s0 =	sadd.s32 s1, s0  }
0x8b: {  	[smem:$0x3FC4] =	sst s0  }
0x8c: {  	_ = 	snop  }
0x8d: {  	s0 =	sld [smem:$0x3FC9]  }
0x8e: {  	s16 =	sld [smem:$0x3FC6];
	(tm) =	ssettm $0x1  }
0x8f: {  	s2 =	sld [smem:$0x3FFB];
	_ =	sdelay $0x3  }
0x90: {  	_ =	strace s2  }
0x91: {  	s2 =	sld [smem:$0x3FFC];
	_ =	sdelay $0x3  }
0x92: {  	_ =	strace s2  }
0x93: {  	s2 =	sld [smem:$0x3FFD];
	_ =	sdelay $0x3  }
0x94: {  	_ =	strace s2  }
0x95: {  	_ =	strace $0x8FFFFFFF  }
0x96: {  	s17 =	sld [smem:$0x3FDB];
	_ =	sdelay $0x1  }
0x97: {  	s3 =	simm.s32 $_scs_section_size  }
0x98: {  	s4 =	simm.s32 $_size__tile_overlayer_lowered;
	s5 =	simm.s32 $_tile_overlayer_lowered  }
0x99: {  	s20 =	simm.s32 $0x1BFF;
	s19 =	sshll.u32 s5, $0x1;
	s2 =	sadd.s32 s3, s17  }
0x9a: {  	s6 =	simm.s32 $0x0;
	s18 =	sshll.u32 s4, $0x1;
	s4 =	sadd.s32 s19, s2  }
0x9b: {  	[timem:s6], [sflag:s20] =	dma.local [hbm:s4], s18  }
0x9c: {  	_ =	swait.ge [sflag:s20], s18  }
0x9d: {  	s3 =	ssub.s32 $0x0, s18;
	[sflag:s20] =	ssyncset.done $0x0  }
0x9e: {  	[sflag:s20] =	ssyncadd.s32 s3;
	_ =	sdelay $0x1  }
0x9f: {  	s21 =	simm.s32 $0x1B8B  }
0xa0: {  	_ =	swait.ge [sflag:s21], $0x1  }
0xa1: {  	[sflag:s21] =	ssyncset.done $0x0  }
0xa2: {  	s23 =	simm.s32 $0x1B8E;
	s22 =	sld [smem:$0x3FFE];
	[sflag:s21] =	ssyncadd.s32 $0xFFFFFFFF  }
0xa3: {  	s24 =	simm.s32 $execute0_lowered;
	[smem:$0x3FD2] =	sst s23  }
0xa4: {  	s4 =	sshll.u32 s24, $0x1;
	_ =	strace $0x80000046;
	[dreg:$0x1] =	wrdreg $0xFFFFFFFF  }
0xa5: {  	s25 =	simm.s32 $_size_execute0_lowered;
	s2 =	sadd.s32 s2, s4;
	[dreg:$0x0] =	wrdreg $0x0  }
0xa6: {  	s4 =	sshll.u32 s25, $0x1;
	[dreg:$0x2] =	wrdreg s2  }
0xa7: {  	[dreg:$0x3] =	wrdreg s4  }
0xa8: {  	[dreg:$0x4] =	wrdreg $0xC0  }
0xa9: {  	_ =	task [dreg:s6], $0x5FFFF  }
0xaa: {  	[dreg:$0x1] =	wrdreg $0xFFFFFFFF  }
0xab: {  	[dreg:$0x0] =	wrdreg $0x60  }
0xac: {  	[dreg:$0x2] =	wrdreg s0  }
0xad: {  	[dreg:$0x3] =	wrdreg s22  }
0xae: {  	[dreg:$0x4] =	wrdreg s16  }
0xaf: {  	[dreg:$0x5] =	wrdreg $0x9  }
0xb0: {  	_ =	task.clear_ibuf [dreg:s6], $0x6FFFF;
	_ =	strace $0x90000046  }
0xb1: {  	s26 =	simm.s32 $0x9;
	_ =	strace $0x80000048  }
0xb2: {  	_ =	swait.ge [sflag:s26], $0x1  }
0xb3: {  	[sflag:s26] =	ssyncadd.s32 $0xFFFFFFFF  }
0xb4: {  	_ =	strace $0x90000048  }
0xb5: {  	_ =	sfence  }
0xb6: {  	s28 =	sld [smem:$0x0];
	_ =	sdelay $0x1  }
0xb7: {  	s29 =	srdreg.scid  }
0xb8: {  	s30 =	sshll.u32 s29, $0xD;
	s31 =	sshrl.u32 s29, $0x2  }
0xb9: {  	s1 =	sand.u32 $0x1, s29;
	s2 =	sand.u32 $0x4000, s30;
	s0 =	sadd.s32 s31, s28  }
0xba: {  	s1 =	sor.u32 s2, s1;
	s0 =	sshll.u32 s0, $0x11  }
0xbb: {  	s0 =	sor.u32 s0, s1  }
0xbc: {  	s0 =	sadd.s32 $0x8F2B, s0  }
0xbd: {  	[sflag:s0] =	ssyncadd.remote.s32 $0x1  }
0xbe: {  	_ =	sfence.sel $0xFFFF  }
0xbf: {  	[dreg:$0x0] =	wrdreg $0xFFFFFFFF;
	(pc) =	sbr.abs _section_cstart, $3  }
0xc0: {  	[dreg:$0x1] =	wrdreg $0xFFFFFFFF  }
0xc1: {  	_ =	task.clear_ibuf [dreg:s6], $0x2FFFF;
	_ =	strace $0x9FFFFFFF  }
0xc2: {  	(tm) =	ssettm $0x7FFFFFFF  }
0xc3: {  	_ =	shalt  }
tec
execute0_lowered:
.L_overlay_start_1:
0x0: {  	(tag) =	ssettag $0x1  }
0x1: {  	s4 =	rddreg [dreg:$0x0]  }
0x2: {  	s3 =	rddreg [dreg:$0x1]  }
0x3: {  	s5 =	rddreg [dreg:$0x2];
	s2 =	simm.s32 $0x0;
	s1 =	stileid.u32  }
0x4: {  	[smem:$0x7FF] =	sst s2;
	s6 =	sshll.u32 s1, $0x8  }
0x5: {  	s0 =	rddreg [dreg:$0x3];
	_ =	strace $0x80000047;
	s6 =	sadd.s32 s3, s6  }
0x6: {  	[tilespmem:s2], [sflag:$0x1] =	stream.linear.gather [hbm4b:s6+s2], $0x280, $0x38;
	[tilespmem:$0x1100] =	vst v63  }
0x7: {  	s7 =	simm.s32 $0x400;
	s26 =	sshll.u32 s1, $0x7;
	s6 =	sadd.s32 $0x80, s6  }
0x8: {  	[tilespmem:s7], [sflag:$0x1] =	stream.linear.gather [hbm4b:s6+s2], $0x280, $0x38;
	[tilespmem:$0x1100] =	vst v63  }
0x9: {  	s28 =	simm.s32 $0xD00;
	s29 =	simm.s32 $0x1;
	s5 =	sadd.s32 s5, s26  }
0xa: {  	[tilespmem:s28], [sflag:$0x2] =	stream.linear.gather [hbm4b:s5+s2], $0x400, $0x38;
	[tilespmem:$0x1100] =	vst v63  }
0xb: {  	_ =	swait.ge [sflag:s29], $0x500  }
0xc: {  	[sflag:s29] =	ssyncset.done $0x0  }
0xd: {  	s30 =	simm.s32 $0x80;
	s31 =	simm.s32 $0x800;
	[sflag:s29] =	ssyncadd.s32 $0xFFFFFB00  }
0xe: {  	[tilespmem:s31], [sflag:$0x3] =	stream.indirect.gather [hbm4b:s4+s30], $0x1, s2, s30, $0xb8;
	[tilespmem:$0x1100] =	vst v63  }
0xf: {  	s8 =	simm.s32 $0x880  }
0x10: {  	[tilespmem:s8], [sflag:$0x4] =	stream.indirect.gather [hbm4b:s4+s30], $0x1, s30, s30, $0xb8;
	[tilespmem:$0x1100] =	vst v63  }
0x11: {  	s9 =	simm.s32 $0x100;
	s8 =	simm.s32 $0x900  }
0x12: {  	[tilespmem:s8], [sflag:$0x5] =	stream.indirect.gather [hbm4b:s4+s30], $0x1, s9, s30, $0xb8;
	[tilespmem:$0x1100] =	vst v63  }
0x13: {  	s10 =	simm.s32 $0x180;
	s11 =	simm.s32 $0x980  }
0x14: {  	[tilespmem:s11], [sflag:$0x6] =	stream.indirect.gather [hbm4b:s4+s30], $0x1, s10, s30, $0xb8;
	[tilespmem:$0x1100] =	vst v63  }
0x15: {  	s12 =	simm.s32 $0xA00  }
0x16: {  	[tilespmem:s12], [sflag:$0x7] =	stream.indirect.gather [hbm4b:s4+s30], $0x1, s7, s30, $0xb8;
	[tilespmem:$0x1100] =	vst v63  }
0x17: {  	s13 =	simm.s32 $0x480;
	s14 =	simm.s32 $0xA80  }
0x18: {  	[tilespmem:s14], [sflag:$0x8] =	stream.indirect.gather [hbm4b:s4+s30], $0x1, s13, s30, $0xb8;
	[tilespmem:$0x1100] =	vst v63  }
0x19: {  	s15 =	simm.s32 $0x500;
	s16 =	simm.s32 $0xB00  }
0x1a: {  	[tilespmem:s16], [sflag:$0x9] =	stream.indirect.gather [hbm4b:s4+s30], $0x1, s15, s30, $0xb8;
	[tilespmem:$0x1100] =	vst v63  }
0x1b: {  	s17 =	simm.s32 $0x580;
	s18 =	simm.s32 $0xB80  }
0x1c: {  	[tilespmem:s18], [sflag:$0xA] =	stream.indirect.gather [hbm4b:s4+s30], $0x1, s17, s30, $0xb8;
	[tilespmem:$0x1100] =	vst v63  }
0x1d: {  	v0 =	vld [tilespmem:$0x200]  }
0x1e: {  	v1 =	vld [tilespmem:$0x210]  }
0x1f: {  	v2 =	vld [tilespmem:$0x220]  }
0x20: {  	v6 =	vld [tilespmem:$0x230]  }
0x21: {  	v11 =	vld [tilespmem:$0x240]  }
0x22: {  	v14 =	vld [tilespmem:$0x250]  }
0x23: {  	v18 =	vld [tilespmem:$0x260]  }
0x24: {  	v19 =	vld [tilespmem:$0x270]  }
0x25: {  	v7 =	vld [tilespmem:$0x600]  }
0x26: {  	v13 =	vld [tilespmem:$0x610]  }
0x27: {  	v5 =	vld [tilespmem:$0x620]  }
0x28: {  	v10 =	vld [tilespmem:$0x630]  }
0x29: {  	v8 =	vld [tilespmem:$0x640]  }
0x2a: {  	v17 =	vld [tilespmem:$0x650]  }
0x2b: {  	s19 =	simm.s32 $0x2;
	v3 =	vld [tilespmem:$0x660]  }
0x2c: {  	v4 =	vld [tilespmem:$0x670];
	_ =	swait.ge [sflag:s19], $0x400  }
0x2d: {  	[sflag:s19] =	ssyncset.done $0x0  }
0x2e: {  	s20 =	simm.s32 $0x3;
	[sflag:s19] =	ssyncadd.s32 $0xFFFFFC00  }
0x2f: {  	_ =	swait.ge [sflag:s20], $0x80  }
0x30: {  	[sflag:s20] =	ssyncset.done $0x0  }
0x31: {  	[sflag:s20] =	ssyncadd.s32 $0xFFFFFF80  }
0x32: {  	v9 =	vld [tilespmem:$0x800]  }
0x33: {  	v12 =	vld [tilespmem:$0xD00]  }
0x34: {  	v20 =	vld [tilespmem:$0x810]  }
0x35: {  	v21 =	vld [tilespmem:$0xD10]  }
0x36: {  	v22 =	vld [tilespmem:$0x820]  }
0x37: {  	v39 =	vld [tilespmem:$0xD20]  }
0x38: {  	v40 =	vld [tilespmem:$0x830]  }
0x39: {  	v24 =	vld [tilespmem:$0xD30]  }
0x3a: {  	v25 =	vld [tilespmem:$0x840]  }
0x3b: {  	v45 =	vld [tilespmem:$0xD40]  }
0x3c: {  	v48 =	vld [tilespmem:$0x850]  }
0x3d: {  	v26 =	vld [tilespmem:$0xD50]  }
0x3e: {  	v54 =	vld [tilespmem:$0x860]  }
0x3f: {  	v55 =	vld [tilespmem:$0xD60]  }
0x40: {  	s21 =	simm.s32 $0x4;
	v58 =	vld [tilespmem:$0x870]  }
0x41: {  	v60 =	vld [tilespmem:$0xD70];
	_ =	swait.ge [sflag:s21], $0x80  }
0x42: {  	v16 =	vcvt.s32.f32 v0;
	[sflag:s21] =	ssyncset.done $0x0  }
0x43: {  	v15 =	vcvt.s32.f32 v1;
	v1 =	vcvt.s32.f32 v14;
	[sflag:s21] =	ssyncadd.s32 $0xFFFFFF80  }
0x44: {  	v5 =	vcvt.s32.f32 v5;
	v3 =	vcvt.s32.f32 v3;
	v32 =	vld [tilespmem:$0x880]  }
0x45: {  	v4 =	vcvt.s32.f32 v4;
	v34 =	vld [tilespmem:$0xD80];
	v37 =	vsub.f32 v9, v12;
	v12 =	vcvt.s32.f32 v2  }
0x46: {  	v20 =	vsub.f32 v20, v21;
	v9 =	vcvt.s32.f32 v6;
	v6 =	vcvt.s32.f32 v11  }
0x47: {  	v21 =	vsub.f32 v22, v39;
	v24 =	vsub.f32 v40, v24;
	v2 =	vcvt.s32.f32 v18  }
0x48: {  	v52 =	vsub.f32 v25, v45;
	v0 =	vmul.f32 v16, v37;
	v20 =	vmul.f32 v15, v20  }
0x49: {  	v29 =	vsub.f32 v54, v55;
	v21 =	vmul.f32 v12, v21;
	v51 =	vmul.f32 v9, v24  }
0x4a: {  	v22 =	vsub.f32 v32, v34;
	v38 =	vmul.f32 $5.000000000e-01, v0;
	v43 =	vmul.f32 $5.000000000e-01, v20  }
0x4b: {  	v44 =	vand.u32 $0x7FFFFFFF, v20;
	v49 =	vand.u32 $0x7FFFFFFF, v21;
	v50 =	vmul.f32 $5.000000000e-01, v21  }
0x4c: {  	v53 =	vmul.f32 $5.000000000e-01, v51;
	v24 =	vand.u32 $0x7FFFFFFF, v51;
	v47 =	vadd.f32 $-5.000000000e-01, v44  }
0x4d: {  	vm13 =	vlt.f32 v44, $1.000000000e+00;
	vm14 =	vlt.f32 v49, $1.000000000e+00;
	v18 =	vadd.f32 $-5.000000000e-01, v49  }
0x4e: {  	v57 =	vadd.f32 $-5.000000000e-01, v24;
	vm15 =	vlt.f32 v24, $1.000000000e+00;
	v23 =	vmul.f32 v38, v0  }
0x4f: {  	v0 =	vand.u32 $0x7FFFFFFF, v0;
	v46 =	vmul.f32 v43, v20;
	v56 =	vmul.f32 v53, v51  }
0x50: {  	v41 =	vadd.f32 $-5.000000000e-01, v0;
	vm0 =	vlt.f32 v0, $1.000000000e+00;
	v0 =	vcvt.s32.f32 v19  }
0x51: {  	v54 =	vld [tilespmem:$0x8C0];
	v19 =	vmul.f32 v50, v21;
	v21 =	vsub.f32 v58, v60;
	v42 =	vadd.f32 $0.0e+00, v23  }
0x52: {  	v58 =	vld [tilespmem:$0x8D0];
	v14 =	vsel vm13, v46, v47;
	v23 =	vsub.f32 v48, v26;
	v47 =	vmul.f32 v16, v22  }
0x53: {  	v60 =	vld [tilespmem:$0xDD0];
	v61 =	vsel vm15, v56, v57;
	v18 =	vsel vm14, v19, v18;
	v21 =	vmul.f32 v0, v21  }
0x54: {  	v46 =	vld [tilespmem:$0x8B0];
	v11 =	vsel vm0, v42, v41;
	v23 =	vmul.f32 v1, v23;
	v50 =	vand.u32 $0x7FFFFFFF, v47  }
0x55: {  	v48 =	vld [tilespmem:$0xDB0];
	v51 =	vmul.f32 $5.000000000e-01, v47;
	v11 =	vadd.f32 v14, v11;
	v14 =	vmul.f32 v6, v52  }
0x56: {  	v56 =	vld [tilespmem:$0xDC0];
	v40 =	vmul.f32 $5.000000000e-01, v21;
	v42 =	vand.u32 $0x7FFFFFFF, v21;
	vm8 =	vlt.f32 v50, $1.000000000e+00  }
0x57: {  	v20 =	vadd.f32 $-5.000000000e-01, v50;
	v28 =	vmul.f32 $5.000000000e-01, v23;
	v30 =	vand.u32 $0x7FFFFFFF, v23  }
0x58: {  	v43 =	vld [tilespmem:$0xDA0];
	v45 =	vadd.f32 $-5.000000000e-01, v42;
	vm7 =	vlt.f32 v42, $1.000000000e+00;
	v59 =	vmul.f32 $5.000000000e-01, v14  }
0x59: {  	v41 =	vld [tilespmem:$0x8A0];
	v11 =	vadd.f32 v18, v11;
	v62 =	vand.u32 $0x7FFFFFFF, v14;
	v33 =	vadd.f32 $-5.000000000e-01, v30  }
0x5a: {  	v18 =	vmul.f32 v2, v29;
	vm5 =	vlt.f32 v30, $1.000000000e+00;
	v22 =	vsub.f32 v46, v48  }
0x5b: {  	v44 =	vmul.f32 v40, v21;
	v27 =	vsub.f32 v54, v56;
	v21 =	vsub.f32 v58, v60  }
0x5c: {  	v35 =	vld [tilespmem:$0x890];
	v63 =	vadd.f32 $-5.000000000e-01, v62;
	vm4 =	vlt.f32 v62, $1.000000000e+00;
	v31 =	vmul.f32 v28, v23  }
0x5d: {  	v37 =	vld [tilespmem:$0xD90];
	v14 =	vmul.f32 v59, v14;
	v11 =	vadd.f32 v61, v11;
	v36 =	vmul.f32 $5.000000000e-01, v18  }
0x5e: {  	v32 =	vld [tilespmem:$0xDE0];
	v38 =	vand.u32 $0x7FFFFFFF, v18;
	v49 =	vsel vm7, v44, v45;
	v52 =	vsub.f32 v41, v43  }
0x5f: {  	v30 =	vld [tilespmem:$0x8E0];
	v22 =	vmul.f32 v9, v22;
	v21 =	vmul.f32 v1, v21;
	v19 =	vsel vm5, v31, v33  }
0x60: {  	v39 =	vadd.f32 $-5.000000000e-01, v38;
	vm6 =	vlt.f32 v38, $1.000000000e+00;
	v14 =	vsel vm4, v14, v63  }
0x61: {  	v18 =	vmul.f32 v36, v18;
	v63 =	vmul.f32 $5.000000000e-01, v22;
	v28 =	vand.u32 $0x7FFFFFFF, v22  }
0x62: {  	v38 =	vmul.f32 $5.000000000e-01, v21;
	v11 =	vadd.f32 v14, v11;
	v14 =	vsub.f32 v35, v37  }
0x63: {  	v31 =	vadd.f32 $-5.000000000e-01, v28;
	vm11 =	vlt.f32 v28, $1.000000000e+00;
	v18 =	vsel vm6, v18, v39  }
0x64: {  	s22 =	simm.s32 $0x5;
	v33 =	vld [tilespmem:$0x8F0];
	v29 =	vmul.f32 v63, v22;
	v39 =	vand.u32 $0x7FFFFFFF, v21;
	v22 =	vsub.f32 v30, v32  }
0x65: {  	v35 =	vld [tilespmem:$0xDF0];
	_ =	swait.ge [sflag:s22], $0x80;
	v40 =	vmul.f32 v38, v21;
	v11 =	vadd.f32 v19, v11;
	v14 =	vmul.f32 v15, v14  }
0x66: {  	[sflag:s22] =	ssyncset.done $0x0;
	v19 =	vmul.f32 v51, v47;
	v41 =	vadd.f32 $-5.000000000e-01, v39;
	vm13 =	vlt.f32 v39, $1.000000000e+00  }
0x67: {  	[sflag:s22] =	ssyncadd.s32 $0xFFFFFF80;
	v43 =	vmul.f32 v2, v22;
	v11 =	vadd.f32 v18, v11;
	v53 =	vmul.f32 $5.000000000e-01, v14  }
0x68: {  	v45 =	vld [tilespmem:$0x910];
	v55 =	vand.u32 $0x7FFFFFFF, v14;
	v18 =	vmul.f32 v12, v52;
	v19 =	vsel vm8, v19, v20  }
0x69: {  	v48 =	vld [tilespmem:$0xE10];
	v20 =	vsel vm13, v40, v41;
	v57 =	vadd.f32 $-5.000000000e-01, v55;
	vm9 =	vlt.f32 v55, $1.000000000e+00  }
0x6a: {  	v42 =	vld [tilespmem:$0x900];
	v46 =	vand.u32 $0x7FFFFFFF, v43;
	v47 =	vmul.f32 $5.000000000e-01, v43;
	v11 =	vadd.f32 v49, v11  }
0x6b: {  	v44 =	vld [tilespmem:$0xE00];
	v14 =	vmul.f32 v53, v14;
	v59 =	vmul.f32 $5.000000000e-01, v18;
	v61 =	vand.u32 $0x7FFFFFFF, v18  }
0x6c: {  	vm14 =	vlt.f32 v46, $1.000000000e+00;
	v23 =	vadd.f32 $-5.000000000e-01, v46;
	v11 =	vadd.f32 v19, v11  }
0x6d: {  	v62 =	vadd.f32 $-5.000000000e-01, v61;
	v14 =	vsel vm9, v14, v57;
	v18 =	vmul.f32 v59, v18  }
0x6e: {  	vm10 =	vlt.f32 v61, $1.000000000e+00;
	v21 =	vsub.f32 v45, v48;
	v11 =	vadd.f32 v14, v11  }
0x6f: {  	v51 =	vld [tilespmem:$0xE20];
	v19 =	vsel vm11, v29, v31;
	v18 =	vsel vm10, v18, v62;
	v14 =	vmul.f32 v6, v27  }
0x70: {  	v50 =	vsub.f32 v42, v44;
	v27 =	vld [tilespmem:$0x920];
	v21 =	vmul.f32 v15, v21;
	v11 =	vadd.f32 v18, v11  }
0x71: {  	v63 =	vld [tilespmem:$0xE40];
	v34 =	vmul.f32 $5.000000000e-01, v14;
	v36 =	vand.u32 $0x7FFFFFFF, v14;
	v18 =	vsub.f32 v33, v35  }
0x72: {  	v61 =	vld [tilespmem:$0x940];
	v59 =	vmul.f32 $5.000000000e-01, v21;
	v60 =	vand.u32 $0x7FFFFFFF, v21;
	v37 =	vadd.f32 $-5.000000000e-01, v36  }
0x73: {  	vm12 =	vlt.f32 v36, $1.000000000e+00;
	v62 =	vadd.f32 $-5.000000000e-01, v60;
	v14 =	vmul.f32 v34, v14  }
0x74: {  	v54 =	vld [tilespmem:$0x930];
	v11 =	vadd.f32 v19, v11;
	v18 =	vmul.f32 v0, v18;
	v19 =	vmul.f32 v47, v43  }
0x75: {  	v56 =	vld [tilespmem:$0xE30];
	vm5 =	vlt.f32 v60, $1.000000000e+00;
	v21 =	vmul.f32 v59, v21;
	v22 =	vsub.f32 v27, v51  }
0x76: {  	v32 =	vld [tilespmem:$0x950];
	v14 =	vsel vm12, v14, v37;
	v49 =	vmul.f32 $5.000000000e-01, v18;
	v19 =	vsel vm14, v19, v23  }
0x77: {  	v34 =	vld [tilespmem:$0xE50];
	v52 =	vand.u32 $0x7FFFFFFF, v18;
	v21 =	vsel vm5, v21, v62;
	v37 =	vsub.f32 v61, v63  }
0x78: {  	v38 =	vld [tilespmem:$0xE60];
	v11 =	vadd.f32 v14, v11;
	v14 =	vadd.f32 v15, v16;
	v22 =	vmul.f32 v12, v22  }
0x79: {  	v40 =	vld [tilespmem:$0x970];
	v53 =	vadd.f32 $-5.000000000e-01, v52;
	v18 =	vmul.f32 v49, v18;
	v42 =	vmul.f32 v6, v37  }
0x7a: {  	s23 =	simm.s32 $0x6;
	v35 =	vld [tilespmem:$0x960];
	v20 =	vadd.f32 v20, v11;
	v11 =	vcvt.s32.f32 v7;
	v7 =	vcvt.s32.f32 v13  }
0x7b: {  	v43 =	vld [tilespmem:$0xE70];
	_ =	swait.ge [sflag:s23], $0x80;
	vm15 =	vlt.f32 v52, $1.000000000e+00;
	v13 =	vmul.f32 v16, v50;
	v30 =	vmul.f32 $5.000000000e-01, v22  }
0x7c: {  	[sflag:s23] =	ssyncset.done $0x0;
	v31 =	vand.u32 $0x7FFFFFFF, v22;
	v24 =	vsub.f32 v32, v34;
	v18 =	vsel vm15, v18, v53  }
0x7d: {  	[sflag:s23] =	ssyncadd.s32 $0xFFFFFF80;
	v33 =	vadd.f32 $-5.000000000e-01, v31;
	vm6 =	vlt.f32 v31, $1.000000000e+00;
	v45 =	vmul.f32 $5.000000000e-01, v42  }
0x7e: {  	v48 =	vld [tilespmem:$0x980];
	v46 =	vand.u32 $0x7FFFFFFF, v42;
	v19 =	vadd.f32 v19, v20;
	v55 =	vmul.f32 $5.000000000e-01, v13  }
0x7f: {  	v50 =	vld [tilespmem:$0xE80];
	v57 =	vand.u32 $0x7FFFFFFF, v13;
	v20 =	vsub.f32 v54, v56;
	v24 =	vmul.f32 v1, v24  }
0x80: {  	v47 =	vadd.f32 $-5.000000000e-01, v46;
	vm8 =	vlt.f32 v46, $1.000000000e+00;
	v58 =	vadd.f32 $-5.000000000e-01, v57  }
0x81: {  	vm4 =	vlt.f32 v57, $1.000000000e+00;
	v18 =	vadd.f32 v18, v19;
	v13 =	vmul.f32 v55, v13  }
0x82: {  	v19 =	vmul.f32 v30, v22;
	v20 =	vmul.f32 v9, v20;
	v51 =	vand.u32 $0x7FFFFFFF, v24  }
0x83: {  	v53 =	vld [tilespmem:$0x990];
	v49 =	vmul.f32 $5.000000000e-01, v24;
	v52 =	vadd.f32 $-5.000000000e-01, v51;
	vm9 =	vlt.f32 v51, $1.000000000e+00  }
0x84: {  	v55 =	vld [tilespmem:$0xE90];
	v25 =	vsub.f32 v48, v50;
	v13 =	vsel vm4, v13, v58;
	v19 =	vsel vm6, v19, v33  }
0x85: {  	v36 =	vmul.f32 $5.000000000e-01, v20;
	v18 =	vadd.f32 v13, v18;
	v13 =	vcvt.s32.f32 v10  }
0x86: {  	v41 =	vand.u32 $0x7FFFFFFF, v20;
	v10 =	vcvt.s32.f32 v8;
	v8 =	vcvt.s32.f32 v17  }
0x87: {  	v60 =	vld [tilespmem:$0xEA0];
	v44 =	vadd.f32 $-5.000000000e-01, v41;
	vm7 =	vlt.f32 v41, $1.000000000e+00;
	v16 =	vmul.f32 v16, v25  }
0x88: {  	v58 =	vld [tilespmem:$0x9A0];
	v20 =	vmul.f32 v36, v20;
	v18 =	vadd.f32 v21, v18;
	v21 =	vsub.f32 v35, v38  }
0x89: {  	v22 =	vsub.f32 v53, v55;
	v27 =	vmul.f32 $5.000000000e-01, v16;
	v29 =	vand.u32 $0x7FFFFFFF, v16  }
0x8a: {  	v20 =	vsel vm7, v20, v44;
	v30 =	vadd.f32 $-5.000000000e-01, v29;
	vm12 =	vlt.f32 v29, $1.000000000e+00  }
0x8b: {  	v39 =	vadd.f32 v19, v18;
	v19 =	vmul.f32 v45, v42;
	v21 =	vmul.f32 v2, v21  }
0x8c: {  	v18 =	vsub.f32 v40, v43;
	v15 =	vmul.f32 v15, v22;
	v16 =	vmul.f32 v27, v16  }
0x8d: {  	v31 =	vsub.f32 v58, v60;
	v17 =	vadd.f32 v20, v39;
	v19 =	vsel vm8, v19, v47  }
0x8e: {  	v63 =	vld [tilespmem:$0x9B0];
	v20 =	vmul.f32 v49, v24;
	v54 =	vmul.f32 $5.000000000e-01, v21;
	v56 =	vand.u32 $0x7FFFFFFF, v21  }
0x8f: {  	v28 =	vld [tilespmem:$0xEB0];
	v18 =	vmul.f32 v0, v18;
	v33 =	vmul.f32 $5.000000000e-01, v15;
	v16 =	vsel vm12, v16, v30  }
0x90: {  	v41 =	vld [tilespmem:$0x9E0];
	v35 =	vand.u32 $0x7FFFFFFF, v15;
	v22 =	vmul.f32 v12, v31;
	v12 =	vadd.f32 v12, v14  }
0x91: {  	v43 =	vld [tilespmem:$0xEE0];
	v57 =	vadd.f32 $-5.000000000e-01, v56;
	vm10 =	vlt.f32 v56, $1.000000000e+00;
	v36 =	vadd.f32 $-5.000000000e-01, v35  }
0x92: {  	v32 =	vld [tilespmem:$0x9C0];
	vm13 =	vlt.f32 v35, $1.000000000e+00;
	v17 =	vadd.f32 v19, v17;
	v20 =	vsel vm9, v20, v52  }
0x93: {  	v34 =	vld [tilespmem:$0xEC0];
	v19 =	vmul.f32 v54, v21;
	v59 =	vmul.f32 $5.000000000e-01, v18;
	v61 =	vand.u32 $0x7FFFFFFF, v18  }
0x94: {  	v37 =	vld [tilespmem:$0x9D0];
	v15 =	vmul.f32 v33, v15;
	v21 =	vsub.f32 v63, v28;
	v38 =	vmul.f32 $5.000000000e-01, v22  }
0x95: {  	v39 =	vld [tilespmem:$0xED0];
	v40 =	vand.u32 $0x7FFFFFFF, v22;
	v62 =	vadd.f32 $-5.000000000e-01, v61;
	vm11 =	vlt.f32 v61, $1.000000000e+00  }
0x96: {  	v42 =	vadd.f32 $-5.000000000e-01, v40;
	vm14 =	vlt.f32 v40, $1.000000000e+00;
	v52 =	vsub.f32 v41, v43  }
0x97: {  	v45 =	vld [tilespmem:$0x9F0];
	v17 =	vadd.f32 v20, v17;
	v19 =	vsel vm10, v19, v57;
	v18 =	vmul.f32 v59, v18  }
0x98: {  	v47 =	vld [tilespmem:$0xEF0];
	v15 =	vsel vm13, v15, v36;
	v21 =	vmul.f32 v9, v21;
	v20 =	vsub.f32 v32, v34  }
0x99: {  	s24 =	simm.s32 $0x7;
	v9 =	vadd.f32 v9, v12;
	v17 =	vadd.f32 v19, v17;
	v18 =	vsel vm11, v18, v62  }
0x9a: {  	_ =	swait.ge [sflag:s24], $0x80;
	v46 =	vand.u32 $0x7FFFFFFF, v21;
	v20 =	vmul.f32 v6, v20;
	v19 =	vsub.f32 v37, v39  }
0x9b: {  	[sflag:s24] =	ssyncset.done $0x0;
	v44 =	vmul.f32 $5.000000000e-01, v21;
	v6 =	vadd.f32 v6, v9;
	v48 =	vadd.f32 $-5.000000000e-01, v46  }
0x9c: {  	[sflag:s24] =	ssyncadd.s32 $0xFFFFFF80;
	vm15 =	vlt.f32 v46, $1.000000000e+00;
	v17 =	vadd.f32 v18, v17;
	v49 =	vmul.f32 $5.000000000e-01, v20  }
0x9d: {  	v53 =	vld [tilespmem:$0xA00];
	v50 =	vand.u32 $0x7FFFFFFF, v20;
	v19 =	vmul.f32 v1, v19;
	v18 =	vsub.f32 v45, v47  }
0x9e: {  	v55 =	vld [tilespmem:$0xF00];
	v1 =	vadd.f32 v1, v6;
	v51 =	vadd.f32 $-5.000000000e-01, v50;
	vm4 =	vlt.f32 v50, $1.000000000e+00  }
0x9f: {  	v16 =	vadd.f32 v16, v17;
	v17 =	vmul.f32 v38, v22;
	v54 =	vmul.f32 $5.000000000e-01, v19  }
0xa0: {  	v58 =	vld [tilespmem:$0xA10];
	v56 =	vand.u32 $0x7FFFFFFF, v19;
	v22 =	vmul.f32 v2, v52;
	v18 =	vmul.f32 v0, v18  }
0xa1: {  	v60 =	vld [tilespmem:$0xF10];
	v1 =	vadd.f32 v2, v1;
	v57 =	vadd.f32 $-5.000000000e-01, v56;
	vm5 =	vlt.f32 v56, $1.000000000e+00  }
0xa2: {  	v63 =	vld [tilespmem:$0xA20];
	v15 =	vadd.f32 v15, v16;
	v17 =	vsel vm14, v17, v42;
	v16 =	vmul.f32 v44, v21  }
0xa3: {  	v28 =	vld [tilespmem:$0xF20];
	v59 =	vmul.f32 $5.000000000e-01, v22;
	v61 =	vand.u32 $0x7FFFFFFF, v22;
	v21 =	vsub.f32 v53, v55  }
0xa4: {  	v31 =	vld [tilespmem:$0xA30];
	v27 =	vmul.f32 $5.000000000e-01, v18;
	v29 =	vand.u32 $0x7FFFFFFF, v18;
	v0 =	vadd.f32 v0, v1  }
0xa5: {  	v40 =	vld [tilespmem:$0xA50];
	v62 =	vadd.f32 $-5.000000000e-01, v61;
	vm6 =	vlt.f32 v61, $1.000000000e+00;
	v30 =	vadd.f32 $-5.000000000e-01, v29  }
0xa6: {  	v42 =	vld [tilespmem:$0xF50];
	vm7 =	vlt.f32 v29, $1.000000000e+00;
	v15 =	vadd.f32 v17, v15;
	v17 =	vmul.f32 v49, v20  }
0xa7: {  	v33 =	vld [tilespmem:$0xF30];
	v16 =	vsel vm15, v16, v48;
	v21 =	vmul.f32 v11, v21;
	v20 =	vsub.f32 v58, v60  }
0xa8: {  	v36 =	vld [tilespmem:$0xA40];
	v0 =	vadd.f32 v11, v0;
	v15 =	vadd.f32 v16, v15;
	v17 =	vsel vm4, v17, v51  }
0xa9: {  	v46 =	vld [tilespmem:$0xF60];
	v16 =	vmul.f32 v54, v19;
	v32 =	vmul.f32 $5.000000000e-01, v21;
	v34 =	vand.u32 $0x7FFFFFFF, v21  }
0xaa: {  	v50 =	vld [tilespmem:$0xF70];
	v20 =	vmul.f32 v7, v20;
	v19 =	vsub.f32 v63, v28;
	v0 =	vadd.f32 v7, v0  }
0xab: {  	v38 =	vld [tilespmem:$0xF40];
	v35 =	vadd.f32 $-5.000000000e-01, v34;
	vm8 =	vlt.f32 v34, $1.000000000e+00;
	v24 =	vsub.f32 v40, v42  }
0xac: {  	s25 =	simm.s32 $0x8;
	v44 =	vld [tilespmem:$0xA60];
	v15 =	vadd.f32 v17, v15;
	v16 =	vsel vm5, v16, v57;
	v17 =	vmul.f32 v59, v22  }
0xad: {  	v48 =	vld [tilespmem:$0xA70];
	_ =	swait.ge [sflag:s25], $0x80;
	v37 =	vmul.f32 $5.000000000e-01, v20;
	v39 =	vand.u32 $0x7FFFFFFF, v20;
	v22 =	vsub.f32 v31, v33  }
0xae: {  	[sflag:s25] =	ssyncset.done $0x0;
	v19 =	vmul.f32 v5, v19;
	v0 =	vadd.f32 v5, v0;
	v41 =	vadd.f32 $-5.000000000e-01, v39  }
0xaf: {  	[sflag:s25] =	ssyncadd.s32 $0xFFFFFF80;
	vm9 =	vlt.f32 v39, $1.000000000e+00;
	v55 =	vmul.f32 v8, v24;
	v15 =	vadd.f32 v16, v15  }
0xb0: {  	v56 =	vld [tilespmem:$0xA80];
	v17 =	vsel vm6, v17, v62;
	v16 =	vmul.f32 v27, v18;
	v43 =	vmul.f32 $5.000000000e-01, v19  }
0xb1: {  	v58 =	vld [tilespmem:$0xF80];
	v45 =	vand.u32 $0x7FFFFFFF, v19;
	v22 =	vmul.f32 v13, v22;
	v18 =	vsub.f32 v36, v38  }
0xb2: {  	v0 =	vadd.f32 v13, v0;
	v47 =	vadd.f32 $-5.000000000e-01, v45;
	vm10 =	vlt.f32 v45, $1.000000000e+00  }
0xb3: {  	v59 =	vmul.f32 $5.000000000e-01, v55;
	v60 =	vand.u32 $0x7FFFFFFF, v55;
	v15 =	vadd.f32 v17, v15  }
0xb4: {  	v63 =	vld [tilespmem:$0xA90];
	v16 =	vsel vm7, v16, v30;
	v17 =	vmul.f32 v32, v21;
	v49 =	vmul.f32 $5.000000000e-01, v22  }
0xb5: {  	v28 =	vld [tilespmem:$0xF90];
	v51 =	vand.u32 $0x7FFFFFFF, v22;
	v18 =	vmul.f32 v10, v18;
	v21 =	vsub.f32 v44, v46  }
0xb6: {  	v62 =	vadd.f32 $-5.000000000e-01, v60;
	vm13 =	vlt.f32 v60, $1.000000000e+00;
	v30 =	vsub.f32 v56, v58  }
0xb7: {  	v0 =	vadd.f32 v10, v0;
	v52 =	vadd.f32 $-5.000000000e-01, v51;
	vm11 =	vlt.f32 v51, $1.000000000e+00  }
0xb8: {  	v15 =	vadd.f32 v16, v15;
	v17 =	vsel vm8, v17, v35;
	v16 =	vmul.f32 v37, v20  }
0xb9: {  	v53 =	vmul.f32 $5.000000000e-01, v18;
	v54 =	vand.u32 $0x7FFFFFFF, v18;
	v61 =	vmul.f32 v3, v21  }
0xba: {  	v20 =	vsub.f32 v48, v50;
	v32 =	vmul.f32 v11, v30;
	v21 =	vsub.f32 v63, v28  }
0xbb: {  	v0 =	vadd.f32 v8, v0;
	v57 =	vadd.f32 $-5.000000000e-01, v54;
	vm12 =	vlt.f32 v54, $1.000000000e+00  }
0xbc: {  	v15 =	vadd.f32 v17, v15;
	v16 =	vsel vm9, v16, v41;
	v17 =	vmul.f32 v43, v19  }
0xbd: {  	v35 =	vld [tilespmem:$0xAA0];
	v27 =	vmul.f32 $5.000000000e-01, v61;
	v29 =	vand.u32 $0x7FFFFFFF, v61;
	v20 =	vmul.f32 v4, v20  }
0xbe: {  	v37 =	vld [tilespmem:$0xFA0];
	v36 =	vmul.f32 $5.000000000e-01, v32;
	v38 =	vand.u32 $0x7FFFFFFF, v32;
	v21 =	vmul.f32 v7, v21  }
0xbf: {  	v26 =	vld [tilespmem:$0xAF0];
	v0 =	vadd.f32 v3, v0;
	v31 =	vadd.f32 $-5.000000000e-01, v29;
	vm14 =	vlt.f32 v29, $1.000000000e+00  }
0xc0: {  	v39 =	vld [tilespmem:$0xAB0];
	v40 =	vadd.f32 $-5.000000000e-01, v38;
	vm4 =	vlt.f32 v38, $1.000000000e+00;
	v15 =	vadd.f32 v16, v15  }
0xc1: {  	v41 =	vld [tilespmem:$0xFB0];
	v17 =	vsel vm10, v17, v47;
	v16 =	vmul.f32 v49, v22;
	v33 =	vand.u32 $0x7FFFFFFF, v20  }
0xc2: {  	v44 =	vld [tilespmem:$0xAC0];
	v34 =	vmul.f32 $5.000000000e-01, v20;
	v43 =	vmul.f32 $5.000000000e-01, v21;
	v45 =	vand.u32 $0x7FFFFFFF, v21  }
0xc3: {  	v50 =	vld [tilespmem:$0xAD0];
	vm15 =	vlt.f32 v33, $1.000000000e+00;
	v46 =	vsub.f32 v35, v37;
	v49 =	vadd.f32 $-5.000000000e-01, v45  }
0xc4: {  	v47 =	vld [tilespmem:$0xFC0];
	vm5 =	vlt.f32 v45, $1.000000000e+00;
	v15 =	vadd.f32 v17, v15;
	v17 =	vmul.f32 v53, v18  }
0xc5: {  	v63 =	vld [tilespmem:$0xFE0];
	v16 =	vsel vm11, v16, v52;
	v18 =	vmul.f32 v27, v61;
	v19 =	vmul.f32 v34, v20  }
0xc6: {  	v48 =	vmul.f32 v43, v21;
	v53 =	vld [tilespmem:$0xFD0];
	v51 =	vmul.f32 v5, v46;
	v52 =	vsub.f32 v39, v41  }
0xc7: {  	s26 =	simm.s32 $0x9;
	v61 =	vld [tilespmem:$0xAE0];
	v15 =	vadd.f32 v16, v15;
	v17 =	vsel vm12, v17, v57;
	v16 =	vmul.f32 v59, v55  }
0xc8: {  	v28 =	vld [tilespmem:$0xFF0];
	_ =	swait.ge [sflag:s26], $0x80;
	v55 =	vsel vm5, v48, v49;
	v56 =	vand.u32 $0x7FFFFFFF, v51;
	v57 =	vmul.f32 $5.000000000e-01, v51  }
0xc9: {  	[sflag:s26] =	ssyncset.done $0x0;
	v58 =	vmul.f32 v13, v52;
	v59 =	vsub.f32 v44, v47;
	v15 =	vadd.f32 v17, v15  }
0xca: {  	[sflag:s26] =	ssyncadd.s32 $0xFFFFFF80;
	v16 =	vsel vm13, v16, v62;
	v17 =	vsel vm14, v18, v31;
	v18 =	vadd.f32 $-5.000000000e-01, v33  }
0xcb: {  	v38 =	vld [tilespmem:$0x1000];
	vm6 =	vlt.f32 v56, $1.000000000e+00;
	v12 =	vmul.f32 v57, v51;
	v62 =	vsub.f32 v50, v53  }
0xcc: {  	v49 =	vld [tilespmem:$0xB20];
	v60 =	vmul.f32 $5.000000000e-01, v58;
	v33 =	vsub.f32 v61, v63;
	v15 =	vadd.f32 v16, v15  }
0xcd: {  	v51 =	vld [tilespmem:$0x1020];
	v16 =	vmul.f32 v36, v32;
	v42 =	vsel vm15, v19, v18;
	v19 =	vand.u32 $0x7FFFFFFF, v58  }
0xce: {  	v36 =	vld [tilespmem:$0xB00];
	v24 =	vmul.f32 v60, v58;
	v25 =	vadd.f32 $-5.000000000e-01, v19;
	v20 =	vmul.f32 v8, v62  }
0xcf: {  	vm7 =	vlt.f32 v19, $1.000000000e+00;
	v15 =	vadd.f32 v17, v15;
	v16 =	vsel vm4, v16, v40  }
0xd0: {  	v17 =	vsub.f32 v26, v28;
	v29 =	vsel vm7, v24, v25;
	v32 =	vmul.f32 $5.000000000e-01, v20  }
0xd1: {  	v34 =	vand.u32 $0x7FFFFFFF, v20;
	v14 =	vadd.f32 v42, v15;
	v15 =	vadd.f32 $-5.000000000e-01, v56  }
0xd2: {  	v37 =	vadd.f32 $-5.000000000e-01, v34;
	vm9 =	vlt.f32 v34, $1.000000000e+00;
	v43 =	vmul.f32 v4, v17  }
0xd3: {  	v61 =	vsub.f32 v49, v51;
	v35 =	vmul.f32 v32, v20;
	v18 =	vsub.f32 v36, v38  }
0xd4: {  	v63 =	vld [tilespmem:$0xB40];
	v54 =	vadd.f32 v16, v14;
	v14 =	vmul.f32 v10, v59;
	v12 =	vsel vm6, v12, v15  }
0xd5: {  	v25 =	vld [tilespmem:$0x1040];
	v48 =	vmul.f32 $5.000000000e-01, v43;
	v50 =	vand.u32 $0x7FFFFFFF, v43;
	v2 =	vmul.f32 v5, v61  }
0xd6: {  	v44 =	vld [tilespmem:$0x1010];
	v41 =	vsel vm9, v35, v37;
	v53 =	vadd.f32 $-5.000000000e-01, v50;
	v9 =	vadd.f32 v55, v54  }
0xd7: {  	v40 =	vld [tilespmem:$0xB10];
	vm11 =	vlt.f32 v50, $1.000000000e+00;
	v27 =	vmul.f32 $5.000000000e-01, v14;
	v30 =	vand.u32 $0x7FFFFFFF, v14  }
0xd8: {  	v56 =	vld [tilespmem:$0x1030];
	v52 =	vmul.f32 v48, v43;
	v55 =	vmul.f32 v11, v18;
	v9 =	vadd.f32 v12, v9  }
0xd9: {  	v34 =	vld [tilespmem:$0xB60];
	v28 =	vmul.f32 $5.000000000e-01, v2;
	v31 =	vadd.f32 $-5.000000000e-01, v30;
	v14 =	vmul.f32 v27, v14  }
0xda: {  	v54 =	vld [tilespmem:$0xB30];
	v35 =	vsub.f32 v63, v25;
	vm8 =	vlt.f32 v30, $1.000000000e+00;
	v9 =	vadd.f32 v29, v9  }
0xdb: {  	v36 =	vld [tilespmem:$0x1060];
	v12 =	vmul.f32 v3, v33;
	v58 =	vsel vm11, v52, v53;
	v14 =	vsel vm8, v14, v31  }
0xdc: {  	v59 =	vand.u32 $0x7FFFFFFF, v55;
	v60 =	vmul.f32 $5.000000000e-01, v55;
	v27 =	vld [tilespmem:$0xB50];
	v39 =	vadd.f32 v14, v9  }
0xdd: {  	vm12 =	vlt.f32 v59, $1.000000000e+00;
	v42 =	vmul.f32 $5.000000000e-01, v12;
	v46 =	vand.u32 $0x7FFFFFFF, v12;
	v29 =	vld [tilespmem:$0x1050]  }
0xde: {  	s28 =	simm.s32 $0xA;
	v6 =	vmul.f32 v60, v55;
	v31 =	vand.u32 $0x7FFFFFFF, v2;
	v45 =	vadd.f32 v41, v39;
	v39 =	vld [tilespmem:$0xB70]  }
0xdf: {  	v2 =	vmul.f32 v28, v2;
	v47 =	vadd.f32 $-5.000000000e-01, v46;
	v16 =	vsub.f32 v54, v56;
	v41 =	vld [tilespmem:$0x1070];
	_ =	swait.ge [sflag:s28], $0x80  }
0xe0: {  	v32 =	vadd.f32 $-5.000000000e-01, v31;
	v12 =	vmul.f32 v42, v12;
	v9 =	vsub.f32 v40, v44;
	[sflag:s28] =	ssyncset.done $0x0  }
0xe1: {  	vm10 =	vlt.f32 v46, $1.000000000e+00;
	vm14 =	vlt.f32 v31, $1.000000000e+00;
	v16 =	vmul.f32 v13, v16;
	[sflag:s28] =	ssyncadd.s32 $0xFFFFFF80  }
0xe2: {  	v2 =	vsel vm14, v2, v32;
	v12 =	vsel vm10, v12, v47;
	v9 =	vmul.f32 v7, v9;
	v47 =	vld [tilespmem:$0xB80]  }
0xe3: {  	v33 =	vmul.f32 $5.000000000e-01, v16;
	v37 =	vand.u32 $0x7FFFFFFF, v16;
	v14 =	vsub.f32 v27, v29;
	v49 =	vld [tilespmem:$0x1080]  }
0xe4: {  	v57 =	vadd.f32 v12, v45;
	v12 =	vadd.f32 $-5.000000000e-01, v59;
	v62 =	vmul.f32 $5.000000000e-01, v9;
	v52 =	vld [tilespmem:$0xB90]  }
0xe5: {  	v24 =	vand.u32 $0x7FFFFFFF, v9;
	v40 =	vadd.f32 $-5.000000000e-01, v37;
	vm15 =	vlt.f32 v37, $1.000000000e+00;
	v55 =	vld [tilespmem:$0x1090]  }
0xe6: {  	v26 =	vadd.f32 $-5.000000000e-01, v24;
	v38 =	vmul.f32 v33, v16;
	v14 =	vmul.f32 v8, v14;
	v61 =	vld [tilespmem:$0xBA0]  }
0xe7: {  	vm13 =	vlt.f32 v24, $1.000000000e+00;
	v20 =	vld [tilespmem:$0x10A0];
	v1 =	vadd.f32 v58, v57;
	v6 =	vsel vm12, v6, v12  }
0xe8: {  	v22 =	vld [tilespmem:$0xBB0];
	v9 =	vmul.f32 v62, v9;
	v42 =	vsel vm15, v38, v40;
	v46 =	vmul.f32 $5.000000000e-01, v14  }
0xe9: {  	v24 =	vld [tilespmem:$0x10B0];
	v48 =	vand.u32 $0x7FFFFFFF, v14;
	v54 =	vsub.f32 v39, v41;
	v1 =	vadd.f32 v6, v1  }
0xea: {  	v30 =	vsel vm13, v9, v26;
	v6 =	vmul.f32 v10, v35;
	v9 =	vsub.f32 v34, v36  }
0xeb: {  	v51 =	vadd.f32 $-5.000000000e-01, v48;
	vm5 =	vlt.f32 v48, $1.000000000e+00;
	v50 =	vmul.f32 v46, v14  }
0xec: {  	v1 =	vadd.f32 v30, v1;
	v43 =	vmul.f32 $5.000000000e-01, v6;
	v44 =	vand.u32 $0x7FFFFFFF, v6  }
0xed: {  	v53 =	vmul.f32 v3, v9;
	v59 =	vsub.f32 v47, v49;
	v63 =	vsub.f32 v52, v55  }
0xee: {  	v9 =	vmul.f32 v4, v54;
	v29 =	vsub.f32 v61, v20;
	v33 =	vsub.f32 v22, v24  }
0xef: {  	v45 =	vadd.f32 $-5.000000000e-01, v44;
	vm4 =	vlt.f32 v44, $1.000000000e+00;
	v56 =	vsel vm5, v50, v51  }
0xf0: {  	v31 =	vld [tilespmem:$0xBC0];
	v1 =	vadd.f32 v2, v1;
	v6 =	vmul.f32 v43, v6;
	v57 =	vand.u32 $0x7FFFFFFF, v53  }
0xf1: {  	v41 =	vld [tilespmem:$0xBE0];
	v58 =	vmul.f32 $5.000000000e-01, v53;
	v60 =	vmul.f32 $5.000000000e-01, v9;
	v62 =	vand.u32 $0x7FFFFFFF, v9  }
0xf2: {  	v34 =	vld [tilespmem:$0x10C0];
	v7 =	vmul.f32 v7, v63;
	vm6 =	vlt.f32 v57, $1.000000000e+00;
	v12 =	vadd.f32 $-5.000000000e-01, v57  }
0xf3: {  	v43 =	vld [tilespmem:$0x10E0];
	v21 =	vadd.f32 $-5.000000000e-01, v62;
	vm7 =	vlt.f32 v62, $1.000000000e+00;
	v1 =	vadd.f32 v42, v1  }
0xf4: {  	v6 =	vsel vm4, v6, v45;
	v2 =	vmul.f32 v58, v53;
	v30 =	vand.u32 $0x7FFFFFFF, v7  }
0xf5: {  	v47 =	vld [tilespmem:$0x10F0];
	v9 =	vmul.f32 v60, v9;
	v28 =	vmul.f32 $5.000000000e-01, v7;
	v32 =	vadd.f32 $-5.000000000e-01, v30  }
0xf6: {  	v45 =	vld [tilespmem:$0xBF0];
	vm9 =	vlt.f32 v30, $1.000000000e+00;
	v1 =	vadd.f32 v6, v1;
	v6 =	vmul.f32 v11, v59  }
0xf7: {  	v2 =	vsel vm6, v2, v12;
	v7 =	vmul.f32 v28, v7;
	v11 =	vsub.f32 v31, v34  }
0xf8: {  	v25 =	vsel vm7, v9, v21;
	v51 =	vsub.f32 v41, v43;
	v1 =	vadd.f32 v56, v1  }
0xf9: {  	v23 =	vmul.f32 $5.000000000e-01, v6;
	v26 =	vand.u32 $0x7FFFFFFF, v6;
	v7 =	vsel vm9, v7, v32  }
0xfa: {  	v46 =	vmul.f32 v10, v11;
	v27 =	vadd.f32 $-5.000000000e-01, v26;
	vm8 =	vlt.f32 v26, $1.000000000e+00  }
0xfb: {  	v37 =	vld [tilespmem:$0x10D0];
	v10 =	vsub.f32 v45, v47;
	v1 =	vadd.f32 v2, v1;
	v6 =	vmul.f32 v23, v6  }
0xfc: {  	v35 =	vld [tilespmem:$0xBD0];
	v2 =	vmul.f32 v5, v29;
	v5 =	vmul.f32 v13, v33;
	v49 =	vand.u32 $0x7FFFFFFF, v46  }
0xfd: {  	v50 =	vmul.f32 $5.000000000e-01, v46;
	v55 =	vmul.f32 v4, v10;
	v1 =	vadd.f32 v25, v1  }
0xfe: {  	v6 =	vsel vm8, v6, v27;
	v36 =	vmul.f32 $5.000000000e-01, v2;
	v38 =	vand.u32 $0x7FFFFFFF, v2  }
0xff: {  	v40 =	vmul.f32 $5.000000000e-01, v5;
	v42 =	vand.u32 $0x7FFFFFFF, v5;
	v39 =	vadd.f32 $-5.000000000e-01, v38  }
0x100: {  	vm10 =	vlt.f32 v38, $1.000000000e+00;
	v44 =	vadd.f32 $-5.000000000e-01, v42;
	v1 =	vadd.f32 v6, v1  }
0x101: {  	v2 =	vmul.f32 v36, v2;
	v5 =	vmul.f32 v40, v5;
	v6 =	vsub.f32 v35, v37  }
0x102: {  	vm11 =	vlt.f32 v42, $1.000000000e+00;
	v59 =	vmul.f32 $5.000000000e-01, v55;
	v1 =	vadd.f32 v7, v1  }
0x103: {  	v2 =	vsel vm10, v2, v39;
	v48 =	vsel vm11, v5, v44;
	v6 =	vmul.f32 v8, v6  }
0x104: {  	v7 =	vmul.f32 v50, v46;
	v5 =	vadd.f32 $-5.000000000e-01, v49;
	v1 =	vadd.f32 v2, v1  }
0x105: {  	vm12 =	vlt.f32 v49, $1.000000000e+00;
	v8 =	vmul.f32 $5.000000000e-01, v6;
	v2 =	vmul.f32 v3, v51  }
0x106: {  	v52 =	vand.u32 $0x7FFFFFFF, v6;
	v5 =	vsel vm12, v7, v5;
	v1 =	vadd.f32 v48, v1  }
0x107: {  	v53 =	vadd.f32 $-5.000000000e-01, v52;
	v6 =	vmul.f32 v8, v6;
	v54 =	vmul.f32 $5.000000000e-01, v2  }
0x108: {  	vm13 =	vlt.f32 v52, $1.000000000e+00;
	v57 =	vand.u32 $0x7FFFFFFF, v2;
	v1 =	vadd.f32 v5, v1  }
0x109: {  	v58 =	vadd.f32 $-5.000000000e-01, v57;
	v56 =	vsel vm13, v6, v53;
	v2 =	vmul.f32 v54, v2  }
0x10a: {  	v60 =	vand.u32 $0x7FFFFFFF, v55;
	vm14 =	vlt.f32 v57, $1.000000000e+00;
	v1 =	vadd.f32 v56, v1  }
0x10b: {  	v62 =	vadd.f32 $-5.000000000e-01, v60;
	v61 =	vmul.f32 v59, v55;
	v2 =	vsel vm14, v2, v58  }
0x10c: {  	vm15 =	vlt.f32 v60, $1.000000000e+00;
	v1 =	vadd.f32 v2, v1  }
0x10d: {  	v0 =	vadd.f32 v4, v0;
	v63 =	vsel vm15, v61, v62  }
0x10e: {  	s29 =	sshll.u32 s1, $0x5;
	v1 =	vadd.f32 v63, v1  }
0x10f: {  	s3 =	sadd.s32 s29, s3;
	[tilespmem:$0xC80] =	vst v0  }
0x110: {  	s31 =	simm.s32 $0xB;
	s3 =	sadd.s32 $0x1000, s3;
	s30 =	simm.s32 $0xC00;
	[tilespmem:$0xC00] =	vst v1  }
0x111: {  	[hbm4b:s3+s2] =	stream.linear.scatter [tilespmem:s30], [sflag:$0xB], $0x100, $0x38;
	[tilespmem:$0x1100] =	vst v63  }
0x112: {  	_ =	swait.ge [sflag:s31], $0x100  }
0x113: {  	[sflag:s31] =	ssyncset.done $0x0  }
0x114: {  	[sflag:s31] =	ssyncadd.s32 $0xFFFFFF00  }
0x115: {  	_ =	sfence.sel $0x180000  }
0x116: {  	[bflag:$0x0] =	sbarrier.arrive $0xFFFF  }
0x117: {  	p0 =	sne.s32 s1, $0x0;
	_ =	strace $0x90000047  }
0x118: {  	s0 =	sadd.s32 @!p0 $0x100000, s0;
	[bflag:$0x2] =	sbarrier.arrive $0xFFFF  }
0x119: {  	[sflag:s0] =	ssyncadd.tile.s32 @!p0 $0x1;
	_ =	shalt  }
.Lfunc_end2:
_tile_overlayer_lowered:
.L_overlay_start_2:
0x11a: {  	(tag) =	ssettag $0x2  }
0x11b: {  	s0 =	rddreg [dreg:$0x0];
	s2 =	stileid.u32  }
0x11c: {  	s1 =	rddreg [dreg:$0x1];
	p0 =	sne.s32 s2, $0x0  }
0x11d: {  	s3 =	rddreg [dreg:$0x2];
	[bflag:$0x3] =	sbarrier.arrive $0xFFFF;
	s2 =	simm.s32 @!p0 $0x1C0B  }
0x11e: {  	[timem:s3], [sflag:s2] =	dma.local @!p0 [hbm:s0], s1  }
0x11f: {  	s0 =	simm.s32 @!p0 $0xB  }
0x120: {  	_ =	swait.ge @!p0 [sflag:s0], s1  }
0x121: {  	s1 =	ssub.s32 @!p0 $0x0, s1;
	[sflag:s0] =	ssyncset.done @!p0 $0x0  }
0x122: {  	[sflag:s0] =	ssyncadd.s32 @!p0 s1  }
0x123: {  	[bflag:$0x3] =	sbarrier.arrive $0xFFFF  }
0x124: {  	_ =	shalt  }

</sc_bundles>
